<compile_context>
chip_gen: v7x
topology: tpu7x:2x2x1
jax: 0.10.2.dev20260603
libtpu: 0.0.44.dev20260713+nightly
codegen_flags: <defaults>
</compile_context>

<pallas_src>
import functools

import jax
import jax.numpy as jnp
from jax import lax
from jax.experimental import pallas as pl
from jax.experimental.pallas import tpu as pltpu
from jax.experimental.pallas import tpu_sc as plsc

_NC = 2
_NS = 16
_NW = _NC * _NS
_LANES = 16
_C = 128


def _prep_body(c_ref, w1_ref, b1_ref, w2_ref, b2_ref, u_ref, *, nb):
    i = pl.program_id(0)
    c = c_ref[...]
    d = c.shape[1]

    @pl.when(i < nb)
    def _():
        t1a = jnp.dot(c, w1_ref[:d, :], preferred_element_type=jnp.float32)
        t1b = jnp.dot(c, w1_ref[d:, :], preferred_element_type=jnp.float32)
        u_ref[...] = jnp.concatenate([t1a + b1_ref[...], t1b], axis=1)

    @pl.when((i >= nb) & (i < 2 * nb))
    def _():
        t2 = jnp.dot(c, w2_ref[...], preferred_element_type=jnp.float32)
        u_ref[...] = jnp.concatenate([t2 + b2_ref[...], t2], axis=1)

    @pl.when(i == 2 * nb)
    def _():
        u_ref[...] = jnp.zeros_like(u_ref)


def _make_table(constants, w1, b1, w2, b2):
    v, d = constants.shape
    a = w1.shape[1]
    bm = 2000
    assert v % bm == 0
    nb = v // bm
    grid = (2 * nb + 1,)
    return pl.pallas_call(
        functools.partial(_prep_body, nb=nb),
        grid=grid,
        in_specs=[
            pl.BlockSpec((bm, d), lambda i: (lax.rem(i, nb), 0)),
            pl.BlockSpec((2 * d, a), lambda i: (0, 0)),
            pl.BlockSpec((1, a), lambda i: (0, 0)),
            pl.BlockSpec((d, a), lambda i: (0, 0)),
            pl.BlockSpec((1, a), lambda i: (0, 0)),
        ],
        out_specs=pl.BlockSpec((bm, 2 * a), lambda i: (i, 0)),
        out_shape=jax.ShapeDtypeStruct((2 * v + bm, 2 * a), jnp.float32),
    )(constants, w1, b1.reshape(1, a), w2, b2.reshape(1, a))


def _gather_embed(u, idxa, idxb, a, n1):
    ntot = idxa.shape[0]
    assert ntot % 2 == 0
    hc = _C // 2
    nch = ntot // _C
    tail = ntot - nch * _C
    g1b = -(-n1 // _C)
    kf = nch // _NW
    if kf % 2 == 1:
        kf -= 1
    nv = a // _LANES

    mesh = plsc.VectorSubcoreMesh(
        core_axis_name="c", subcore_axis_name="s", num_cores=_NC, num_subcores=_NS
    )

    @functools.partial(
        pl.kernel,
        out_type=jax.ShapeDtypeStruct((ntot // 2, 2 * a), jnp.float32),
        mesh=mesh,
        compiler_params=pltpu.CompilerParams(
            use_tc_tiling_on_sc=True, needs_layout_passes=False
        ),
        scratch_types=[
            pltpu.VMEM((_C,), jnp.int32),
            pltpu.VMEM((_C,), jnp.int32),
            pltpu.VMEM((_C,), jnp.int32),
            pltpu.VMEM((_C,), jnp.int32),
            pltpu.VMEM((_C, 2 * a), jnp.float32),
            pltpu.VMEM((_C, 2 * a), jnp.float32),
            pltpu.VMEM((_C, 2 * a), jnp.float32),
            pltpu.VMEM((_C, 2 * a), jnp.float32),
            pltpu.VMEM((hc, 2 * a), jnp.float32),
            pltpu.VMEM((hc, 2 * a), jnp.float32),
            pltpu.SemaphoreType.DMA,
            pltpu.SemaphoreType.DMA,
            pltpu.SemaphoreType.DMA,
            pltpu.SemaphoreType.DMA,
            pltpu.SemaphoreType.DMA,
            pltpu.SemaphoreType.DMA,
        ],
    )
    def sc_kernel(u_h, ia_h, ib_h, out_h, iva0, iva1, ivb0, ivb1, ba0, ba1,
                  bb0, bb1, ob0, ob1, si0, si1, sg0, sg1, so0, so1):
        wid = lax.axis_index("s") * _NC + lax.axis_index("c")
        iva, ivb = (iva0, iva1), (ivb0, ivb1)
        ba, bb = (ba0, ba1), (bb0, bb1)
        ob = (ob0, ob1)
        si, sg, so = (si0, si1), (sg0, sg1), (so0, so1)

        def gofk(k):
            return wid + k * _NW

        def start_idx(k, s):
            base = gofk(k) * _C
            pltpu.async_copy(ia_h.at[pl.ds(base, _C)], iva[s], si[s])
            pltpu.async_copy(ib_h.at[pl.ds(base, _C)], ivb[s], si[s])

        def wait_idx(s):
            pltpu.make_async_copy(ia_h.at[pl.ds(0, _C)], iva[s], si[s]).wait()
            pltpu.make_async_copy(ib_h.at[pl.ds(0, _C)], ivb[s], si[s]).wait()

        def start_gather(k, s):
            g = gofk(k)

            @pl.when(g < g1b)
            def _():
                pltpu.async_copy(u_h.at[iva[s]], ba[s], sg[s])
                pltpu.async_copy(u_h.at[ivb[s]], bb[s], sg[s])

            @pl.when(g >= g1b)
            def _():
                pltpu.async_copy(u_h.at[iva[s]], ba[s], sg[s])

        def wait_gather(k, s):
            g = gofk(k)
            pltpu.make_async_copy(u_h.at[iva[s]], ba[s], sg[s]).wait()

            @pl.when(g < g1b)
            def _():
                pltpu.make_async_copy(u_h.at[ivb[s]], bb[s], sg[s]).wait()

        def pack(k, s):
            g = gofk(k)

            @pl.when(g < g1b)
            def _():
                @plsc.parallel_loop(0, hc, unroll=4)
                def _(m):
                    for h in range(2):
                        n = 2 * m + h
                        for j in range(nv):
                            x = ba[s][n, pl.ds(j * _LANES, _LANES)]
                            y = bb[s][n, pl.ds(a + j * _LANES, _LANES)]
                            ob[s][m, pl.ds(h * a + j * _LANES, _LANES)] = x + y

            @pl.when(g >= g1b)
            def _():
                @plsc.parallel_loop(0, hc, unroll=4)
                def _(m):
                    for h in range(2):
                        n = 2 * m + h
                        for j in range(nv):
                            x = ba[s][n, pl.ds(j * _LANES, _LANES)]
                            ob[s][m, pl.ds(h * a + j * _LANES, _LANES)] = x

        def start_out(k, s):
            base2 = gofk(k) * hc
            pltpu.async_copy(ob[s], out_h.at[pl.ds(base2, hc)], so[s])

        def wait_out(s):
            pltpu.make_async_copy(ob[s], out_h.at[pl.ds(0, hc)], so[s]).wait()

        def half(k, s, sother):
            wait_idx(s)
            start_gather(k, s)

            @pl.when(k >= 1)
            def _():
                wait_gather(k - 1, sother)

                @pl.when(k >= 3)
                def _():
                    wait_out(sother)

                pack(k - 1, sother)
                start_out(k - 1, sother)

            @pl.when(gofk(k + 1) < nch)
            def _():
                start_idx(k + 1, sother)

        start_idx(0, 0)

        def body(kk, carry):
            half(2 * kk, 0, 1)
            half(2 * kk + 1, 1, 0)
            return carry

        lax.fori_loop(0, kf // 2, body, 0)

        if kf >= 1:
            wait_gather(kf - 1, 1)
            if kf >= 3:
                wait_out(1)
            pack(kf - 1, 1)
            start_out(kf - 1, 1)

        for extra, s in ((kf, 0), (kf + 1, 1)):
            @pl.when(gofk(extra) < nch)
            def _(extra=extra, s=s):
                wait_idx(s)
                start_gather(extra, s)
                wait_gather(extra, s)
                wait_out(s)
                pack(extra, s)
                start_out(extra, s)

        wait_out(0)
        wait_out(1)

        if tail > 0:
            tbase = nch * _C
            t2 = tail // 2

            @pl.when(wid == 0)
            def _():
                pltpu.sync_copy(ia_h.at[pl.ds(tbase, tail)],
                                iva[0].at[pl.ds(0, tail)])
                pltpu.async_copy(u_h.at[iva[0].at[pl.ds(0, tail)]],
                                 ba[0].at[pl.ds(0, tail)], sg[0]).wait()
                if tbase < n1:
                    pltpu.sync_copy(ib_h.at[pl.ds(tbase, tail)],
                                    ivb[0].at[pl.ds(0, tail)])
                    pltpu.async_copy(u_h.at[ivb[0].at[pl.ds(0, tail)]],
                                     bb[0].at[pl.ds(0, tail)], sg[0]).wait()

                    @plsc.parallel_loop(0, t2, unroll=4)
                    def _(m):
                        for h in range(2):
                            n = 2 * m + h
                            for j in range(nv):
                                x = ba[0][n, pl.ds(j * _LANES, _LANES)]
                                y = bb[0][n, pl.ds(a + j * _LANES, _LANES)]
                                ob[0][m, pl.ds(h * a + j * _LANES, _LANES)] = x + y
                else:
                    @plsc.parallel_loop(0, t2, unroll=4)
                    def _(m):
                        for h in range(2):
                            n = 2 * m + h
                            for j in range(nv):
                                x = ba[0][n, pl.ds(j * _LANES, _LANES)]
                                ob[0][m, pl.ds(h * a + j * _LANES, _LANES)] = x

                pltpu.sync_copy(ob[0].at[pl.ds(0, t2)],
                                out_h.at[pl.ds(nch * hc, t2)])

    return sc_kernel(u, idxa, idxb)


def kernel(constants_entity, tuples_p1, tuples_p2, W_p1, b_p1, W_p2, b_p2):
    v = constants_entity.shape[0]
    a = W_p1.shape[1]
    n1 = tuples_p1.shape[0]
    n2 = tuples_p2.shape[0]
    u = _make_table(constants_entity, W_p1, b_p1, W_p2, b_p2)
    zrow = 2 * v
    idxa = jnp.concatenate([
        tuples_p1[:, 0].astype(jnp.int32),
        tuples_p2[:, 0].astype(jnp.int32) + v,
    ])
    idxb = jnp.concatenate([
        tuples_p1[:, 1].astype(jnp.int32),
        jnp.full((n2,), zrow, jnp.int32),
    ])
    out2 = _gather_embed(u, idxa, idxb, a, n1)
    return out2.reshape(n1 + n2, a)

# --- scband reference (transcript-rebuilt; emitter-appended) ---
"""Pipeline reference for scband-atom-embedding-layer-41884521071227 (READ-ONLY COPY).

The authoritative reference and input builder live on the scoring server;
editing this copy changes nothing except your own understanding.
"""

import jax, jax.numpy as jnp
import numpy as np

V = 100000   # number of constants in domain 'entity'
D = 64       # constant embedding dim
A = 64       # atom_embedding_size
N1 = 500000  # grounded tuples for binary predicate p1
N2 = 500000  # grounded tuples for unary predicate p2


def setup_inputs(seed: int = 0) -> dict:
    key = jax.random.key(seed)
    ks = jax.random.split(key, 8)
    constants_entity = jax.random.normal(ks[0], (V, D), dtype=jnp.float32) * 0.02
    tuples_p1 = jax.random.randint(ks[1], (N1, 2), 0, V, dtype=jnp.int32)
    tuples_p2 = jax.random.randint(ks[2], (N2, 1), 0, V, dtype=jnp.int32)
    # per-predicate embedder params: flatten [N, arity, D] -> dense to atom_embedding_size
    W_p1 = jax.random.normal(ks[3], (2 * D, A), dtype=jnp.float32) * (1.0 / np.sqrt(2 * D))
    b_p1 = jnp.zeros((A,), dtype=jnp.float32)
    W_p2 = jax.random.normal(ks[4], (1 * D, A), dtype=jnp.float32) * (1.0 / np.sqrt(D))
    b_p2 = jnp.zeros((A,), dtype=jnp.float32)
    return {
        "constants_entity": constants_entity,
        "tuples_p1": tuples_p1,
        "tuples_p2": tuples_p2,
        "W_p1": W_p1,
        "b_p1": b_p1,
        "W_p2": W_p2,
        "b_p2": b_p2,
    }


def _create_tuples(constants_embeddings, tuples_tensor):
    # tf.gather per domain column then tf.stack(axis=-2) ==
    # jnp.take with index tensor [N, arity] -> [N, arity, D]
    return jnp.take(constants_embeddings, tuples_tensor.astype(jnp.int32), axis=0)


def _embed(tuple_features, W, b):
    flat = tuple_features.reshape(tuple_features.shape[0], -1)
    return flat @ W + b


def reference(constants_entity, tuples_p1, tuples_p2, W_p1, b_p1, W_p2, b_p2):
    # predicate p1 (arity 2)
    tf1 = _create_tuples(constants_entity, tuples_p1)   # [N1, 2, D]
    e1 = _embed(tf1, W_p1, b_p1)                        # [N1, A]
    # predicate p2 (arity 1)
    tf2 = _create_tuples(constants_entity, tuples_p2)   # [N2, 1, D]
    e2 = _embed(tf2, W_p2, b_p2)                        # [N2, A]
    embeddings = jnp.concatenate([e1, e2], axis=0)
    embeddings = embeddings.reshape(-1, A)
    return embeddings

if __name__ == "__main__":
    import jax
    _d = setup_inputs()
    print(jax.jit(kernel)(*tuple(_d.values())))

</pallas_src>

<mosaic_0001>
#map = affine_map<(d0, d1) -> (0, 0)>
#map1 = affine_map<(d0, d1) -> (0)>
module attributes {stable_mosaic.version = 14 : i64} {
  func.func @sc_kernel(%arg0: i32, %arg1: i32, %arg2: memref<202000x128xf32, #tpu.memory_space<hbm>>, %arg3: memref<1000000xi32, #tpu.memory_space<hbm>>, %arg4: memref<1000000xi32, #tpu.memory_space<hbm>>, %arg5: memref<500000x128xf32, #tpu.memory_space<hbm>>, %arg6: memref<128xi32, #tpu.memory_space<vmem>>, %arg7: memref<128xi32, #tpu.memory_space<vmem>>, %arg8: memref<128xi32, #tpu.memory_space<vmem>>, %arg9: memref<128xi32, #tpu.memory_space<vmem>>, %arg10: memref<128x128xf32, #tpu.memory_space<vmem>>, %arg11: memref<128x128xf32, #tpu.memory_space<vmem>>, %arg12: memref<128x128xf32, #tpu.memory_space<vmem>>, %arg13: memref<128x128xf32, #tpu.memory_space<vmem>>, %arg14: memref<64x128xf32, #tpu.memory_space<vmem>>, %arg15: memref<64x128xf32, #tpu.memory_space<vmem>>, %arg16: memref<!tpu.dma_semaphore, #tpu.memory_space<semaphore_mem>>, %arg17: memref<!tpu.dma_semaphore, #tpu.memory_space<semaphore_mem>>, %arg18: memref<!tpu.dma_semaphore, #tpu.memory_space<semaphore_mem>>, %arg19: memref<!tpu.dma_semaphore, #tpu.memory_space<semaphore_mem>>, %arg20: memref<!tpu.dma_semaphore, #tpu.memory_space<semaphore_mem>>, %arg21: memref<!tpu.dma_semaphore, #tpu.memory_space<semaphore_mem>>) attributes {dimension_semantics = [#tpu.dimension_semantics<core_parallel>, #tpu.dimension_semantics<subcore_parallel>], iteration_bounds = array<i64: 2, 16>, scalar_prefetch = 0 : i64, scratch_operands = 16 : i64, tpu.core_type = #tpu.core_type<sc_vector_subcore>, window_params = [{transform_indices = #map}, {transform_indices = #map1}, {transform_indices = #map1}, {transform_indices = #map}]} {
    %mul3A = arith.constant 2 : i32
    %mul3A_0 = arith.muli %arg1, %mul3A : i32
    %add3A = arith.addi %mul3A_0, %arg0 : i32
    %add3A_1 = arith.constant 0 : i32
    %add3A_2 = arith.addi %add3A, %add3A_1 : i32
    %mul3A_3 = arith.constant 128 : i32
    %mul3A_4 = arith.muli %add3A_2, %mul3A_3 : i32
    %dma_start3A = tpu.memref_slice %arg3[%mul3A_4] : memref<1000000xi32, #tpu.memory_space<hbm>> -> memref<128xi32, #tpu.memory_space<hbm>>
    %dma_start3A_5 = tpu.memref_slice %arg3[%mul3A_4] : memref<1000000xi32, #tpu.memory_space<hbm>> -> memref<128xi32, #tpu.memory_space<hbm>>
    tpu.enqueue_dma source(%dma_start3A_5 : memref<128xi32, #tpu.memory_space<hbm>>) target(%arg6 : memref<128xi32, #tpu.memory_space<vmem>>) target_semaphore(%arg16 : memref<!tpu.dma_semaphore, #tpu.memory_space<semaphore_mem>>)
    %dma_start3A_6 = tpu.memref_slice %arg4[%mul3A_4] : memref<1000000xi32, #tpu.memory_space<hbm>> -> memref<128xi32, #tpu.memory_space<hbm>>
    %dma_start3A_7 = tpu.memref_slice %arg4[%mul3A_4] : memref<1000000xi32, #tpu.memory_space<hbm>> -> memref<128xi32, #tpu.memory_space<hbm>>
    tpu.enqueue_dma source(%dma_start3A_7 : memref<128xi32, #tpu.memory_space<hbm>>) target(%arg8 : memref<128xi32, #tpu.memory_space<vmem>>) target_semaphore(%arg16 : memref<!tpu.dma_semaphore, #tpu.memory_space<semaphore_mem>>)
    %scan3A = arith.constant 0 : i32
    %scan3A_8 = arith.constant 0 : i32
    %scan3A_9 = arith.constant 122 : i32
    %scan3A_10 = arith.addi %scan3A_8, %scan3A_9 : i32
    %scan3A_11 = arith.constant 1 : i32
    scf.for %scan3A_74 = %scan3A_8 to %scan3A_10 step %scan3A_11  : i32 {
      %mul3A_75 = arith.constant 2 : i32
      %mul3A_76 = arith.muli %mul3A_75, %scan3A_74 : i32
      %dma_wait3A_77 = arith.constant 0 : i32
      %dma_wait3A_78 = tpu.memref_slice %arg3[%dma_wait3A_77] : memref<1000000xi32, #tpu.memory_space<hbm>> -> memref<128xi32, #tpu.memory_space<hbm>>
      %dma_wait3A_79 = arith.constant 0 : i32
      %dma_wait3A_80 = tpu.memref_slice %arg3[%dma_wait3A_79] : memref<1000000xi32, #tpu.memory_space<hbm>> -> memref<128xi32, #tpu.memory_space<hbm>>
      tpu.wait_dma2 semaphore(%arg16 : memref<!tpu.dma_semaphore, #tpu.memory_space<semaphore_mem>>) src(%dma_wait3A_80 : memref<128xi32, #tpu.memory_space<hbm>>) dst(%arg6 : memref<128xi32, #tpu.memory_space<vmem>>)
      %dma_wait3A_81 = arith.constant 0 : i32
      %dma_wait3A_82 = tpu.memref_slice %arg4[%dma_wait3A_81] : memref<1000000xi32, #tpu.memory_space<hbm>> -> memref<128xi32, #tpu.memory_space<hbm>>
      %dma_wait3A_83 = arith.constant 0 : i32
      %dma_wait3A_84 = tpu.memref_slice %arg4[%dma_wait3A_83] : memref<1000000xi32, #tpu.memory_space<hbm>> -> memref<128xi32, #tpu.memory_space<hbm>>
      tpu.wait_dma2 semaphore(%arg16 : memref<!tpu.dma_semaphore, #tpu.memory_space<semaphore_mem>>) src(%dma_wait3A_84 : memref<128xi32, #tpu.memory_space<hbm>>) dst(%arg8 : memref<128xi32, #tpu.memory_space<vmem>>)
      %mul3A_85 = arith.constant 32 : i32
      %mul3A_86 = arith.muli %mul3A_76, %mul3A_85 : i32
      %add3A_87 = arith.addi %add3A, %mul3A_86 : i32
      %lt3A_88 = arith.constant 3907 : i32
      %lt3A_89 = arith.cmpi slt, %add3A_87, %lt3A_88 : i32
      %convert_element_type3A_90 = arith.extui %lt3A_89 : i1 to i32
      %cond3A_91 = arith.constant 0 : i32
      %cond3A_92 = arith.cmpi ne, %convert_element_type3A_90, %cond3A_91 : i32
      scf.if %cond3A_92 {
        %dma_start3A_153 = arith.constant 0 : i32
        %dma_start3A_154 = arith.constant 0 : i32
        %dma_start3A_155 = tpu.memref_slice %arg2[%dma_start3A_153, %dma_start3A_154] : memref<202000x128xf32, #tpu.memory_space<hbm>> -> memref<202000x128xf32, #tpu.memory_space<hbm>>
        tpu.enqueue_indirect_dma source(%dma_start3A_155 : memref<202000x128xf32, #tpu.memory_space<hbm>>) target(%arg10 : memref<128x128xf32, #tpu.memory_space<vmem>>) offsets(%arg6 : memref<128xi32, #tpu.memory_space<vmem>>) semaphore(%arg18 : memref<!tpu.dma_semaphore, #tpu.memory_space<semaphore_mem>>)
        %dma_start3A_156 = arith.constant 0 : i32
        %dma_start3A_157 = arith.constant 0 : i32
        %dma_start3A_158 = tpu.memref_slice %arg2[%dma_start3A_156, %dma_start3A_157] : memref<202000x128xf32, #tpu.memory_space<hbm>> -> memref<202000x128xf32, #tpu.memory_space<hbm>>
        tpu.enqueue_indirect_dma source(%dma_start3A_158 : memref<202000x128xf32, #tpu.memory_space<hbm>>) target(%arg12 : memref<128x128xf32, #tpu.memory_space<vmem>>) offsets(%arg8 : memref<128xi32, #tpu.memory_space<vmem>>) semaphore(%arg18 : memref<!tpu.dma_semaphore, #tpu.memory_space<semaphore_mem>>)
      } else {
      }
      %ge3A_93 = arith.constant 3907 : i32
      %ge3A_94 = arith.cmpi sge, %add3A_87, %ge3A_93 : i32
      %convert_element_type3A_95 = arith.extui %ge3A_94 : i1 to i32
      %cond3A_96 = arith.constant 0 : i32
      %cond3A_97 = arith.cmpi ne, %convert_element_type3A_95, %cond3A_96 : i32
      scf.if %cond3A_97 {
        %dma_start3A_153 = arith.constant 0 : i32
        %dma_start3A_154 = arith.constant 0 : i32
        %dma_start3A_155 = tpu.memref_slice %arg2[%dma_start3A_153, %dma_start3A_154] : memref<202000x128xf32, #tpu.memory_space<hbm>> -> memref<202000x128xf32, #tpu.memory_space<hbm>>
        tpu.enqueue_indirect_dma source(%dma_start3A_155 : memref<202000x128xf32, #tpu.memory_space<hbm>>) target(%arg10 : memref<128x128xf32, #tpu.memory_space<vmem>>) offsets(%arg6 : memref<128xi32, #tpu.memory_space<vmem>>) semaphore(%arg18 : memref<!tpu.dma_semaphore, #tpu.memory_space<semaphore_mem>>)
      } else {
      }
      %ge3A_98 = arith.constant 1 : i32
      %ge3A_99 = arith.cmpi sge, %mul3A_76, %ge3A_98 : i32
      %convert_element_type3A_100 = arith.extui %ge3A_99 : i1 to i32
      %cond3A_101 = arith.constant 0 : i32
      %cond3A_102 = arith.cmpi ne, %convert_element_type3A_100, %cond3A_101 : i32
      scf.if %cond3A_102 {
        %sub3A = arith.constant 1 : i32
        %sub3A_153 = arith.subi %mul3A_76, %sub3A : i32
        %mul3A_154 = arith.constant 32 : i32
        %mul3A_155 = arith.muli %sub3A_153, %mul3A_154 : i32
        %add3A_156 = arith.addi %add3A, %mul3A_155 : i32
        %dma_wait3A_157 = arith.constant 0 : i32
        %dma_wait3A_158 = arith.constant 0 : i32
        %dma_wait3A_159 = tpu.memref_slice %arg2[%dma_wait3A_157, %dma_wait3A_158] : memref<202000x128xf32, #tpu.memory_space<hbm>> -> memref<202000x128xf32, #tpu.memory_space<hbm>>
        tpu.wait_indirect_dma semaphore(%arg19 : memref<!tpu.dma_semaphore, #tpu.memory_space<semaphore_mem>>) src(%dma_wait3A_159 : memref<202000x128xf32, #tpu.memory_space<hbm>>) dst(%arg11 : memref<128x128xf32, #tpu.memory_space<vmem>>)
        %lt3A_160 = arith.constant 3907 : i32
        %lt3A_161 = arith.cmpi slt, %add3A_156, %lt3A_160 : i32
        %convert_element_type3A_162 = arith.extui %lt3A_161 : i1 to i32
        %cond3A_163 = arith.constant 0 : i32
        %cond3A_164 = arith.cmpi ne, %convert_element_type3A_162, %cond3A_163 : i32
        scf.if %cond3A_164 {
          %dma_wait3A_196 = arith.constant 0 : i32
          %dma_wait3A_197 = arith.constant 0 : i32
          %dma_wait3A_198 = tpu.memref_slice %arg2[%dma_wait3A_196, %dma_wait3A_197] : memref<202000x128xf32, #tpu.memory_space<hbm>> -> memref<202000x128xf32, #tpu.memory_space<hbm>>
          tpu.wait_indirect_dma semaphore(%arg19 : memref<!tpu.dma_semaphore, #tpu.memory_space<semaphore_mem>>) src(%dma_wait3A_198 : memref<202000x128xf32, #tpu.memory_space<hbm>>) dst(%arg13 : memref<128x128xf32, #tpu.memory_space<vmem>>)
        } else {
        }
        %ge3A_165 = arith.constant 3 : i32
        %ge3A_166 = arith.cmpi sge, %mul3A_76, %ge3A_165 : i32
        %convert_element_type3A_167 = arith.extui %ge3A_166 : i1 to i32
        %cond3A_168 = arith.constant 0 : i32
        %cond3A_169 = arith.cmpi ne, %convert_element_type3A_167, %cond3A_168 : i32
        scf.if %cond3A_169 {
          %dma_wait3A_196 = arith.constant 0 : i32
          %dma_wait3A_197 = arith.constant 0 : i32
          %dma_wait3A_198 = tpu.memref_slice %arg5[%dma_wait3A_196, %dma_wait3A_197] : memref<500000x128xf32, #tpu.memory_space<hbm>> -> memref<64x128xf32, #tpu.memory_space<hbm>>
          %dma_wait3A_199 = arith.constant 0 : i32
          %dma_wait3A_200 = arith.constant 0 : i32
          %dma_wait3A_201 = tpu.memref_slice %arg5[%dma_wait3A_199, %dma_wait3A_200] : memref<500000x128xf32, #tpu.memory_space<hbm>> -> memref<64x128xf32, #tpu.memory_space<hbm>>
          tpu.wait_dma2 semaphore(%arg21 : memref<!tpu.dma_semaphore, #tpu.memory_space<semaphore_mem>>) src(%arg15 : memref<64x128xf32, #tpu.memory_space<vmem>>) dst(%dma_wait3A_201 : memref<64x128xf32, #tpu.memory_space<hbm>>)
        } else {
        }
        %sub3A_170 = arith.constant 1 : i32
        %sub3A_171 = arith.subi %mul3A_76, %sub3A_170 : i32
        %mul3A_172 = arith.constant 32 : i32
        %mul3A_173 = arith.muli %sub3A_171, %mul3A_172 : i32
        %add3A_174 = arith.addi %add3A, %mul3A_173 : i32
        %lt3A_175 = arith.constant 3907 : i32
        %lt3A_176 = arith.cmpi slt, %add3A_174, %lt3A_175 : i32
        %convert_element_type3A_177 = arith.extui %lt3A_176 : i1 to i32
        %cond3A_178 = arith.constant 0 : i32
        %cond3A_179 = arith.cmpi ne, %convert_element_type3A_177, %cond3A_178 : i32
        scf.if %cond3A_179 {
          %parallel_loop3A = arith.constant 0 : i32
          %parallel_loop3A_196 = arith.constant 64 : i32
          %parallel_loop3A_197 = arith.constant 1 : i32
          scf.for %parallel_loop3A_198 = %parallel_loop3A to %parallel_loop3A_196 step %parallel_loop3A_197  : i32 {
            %parallel_loop3A_199 = arith.constant 2 : i32
            %parallel_loop3A_200 = arith.muli %parallel_loop3A_199, %parallel_loop3A_198 : i32
            %parallel_loop3A_201 = arith.constant 0 : i32
            %parallel_loop3A_202 = arith.addi %parallel_loop3A_200, %parallel_loop3A_201 : i32
            %parallel_loop3A_203 = arith.index_cast %parallel_loop3A_202 : i32 to index
            %parallel_loop3A_204 = arith.constant 0 : index
            %parallel_loop3A_205 = tpu.vector_load %arg11[%parallel_loop3A_203, %parallel_loop3A_204] {strides = array<i32>} : memref<128x128xf32, #tpu.memory_space<vmem>>, vector<16xf32>,
            %parallel_loop3A_206 = arith.index_cast %parallel_loop3A_202 : i32 to index
            %parallel_loop3A_207 = arith.constant 64 : index
            %parallel_loop3A_208 = tpu.vector_load %arg13[%parallel_loop3A_206, %parallel_loop3A_207] {strides = array<i32>} : memref<128x128xf32, #tpu.memory_space<vmem>>, vector<16xf32>,
            %parallel_loop3A_209 = arith.addf %parallel_loop3A_205, %parallel_loop3A_208 : vector<16xf32>
            %parallel_loop3A_210 = arith.index_cast %parallel_loop3A_198 : i32 to index
            %parallel_loop3A_211 = arith.constant 0 : index
            %parallel_loop3A_212 = tpu.vector_load %arg15[%parallel_loop3A_210, %parallel_loop3A_211] {strides = array<i32>} : memref<64x128xf32, #tpu.memory_space<vmem>>, vector<16xf32>,
            tpu.vector_store %arg15[%parallel_loop3A_210, %parallel_loop3A_211], %parallel_loop3A_209 {strides = array<i32>} : memref<64x128xf32, #tpu.memory_space<vmem>>, vector<16xf32>,
            %parallel_loop3A_213 = arith.index_cast %parallel_loop3A_202 : i32 to index
            %parallel_loop3A_214 = arith.constant 16 : index
            %parallel_loop3A_215 = tpu.vector_load %arg11[%parallel_loop3A_213, %parallel_loop3A_214] {strides = array<i32>} : memref<128x128xf32, #tpu.memory_space<vmem>>, vector<16xf32>,
            %parallel_loop3A_216 = arith.index_cast %parallel_loop3A_202 : i32 to index
            %parallel_loop3A_217 = arith.constant 80 : index
            %parallel_loop3A_218 = tpu.vector_load %arg13[%parallel_loop3A_216, %parallel_loop3A_217] {strides = array<i32>} : memref<128x128xf32, #tpu.memory_space<vmem>>, vector<16xf32>,
            %parallel_loop3A_219 = arith.addf %parallel_loop3A_215, %parallel_loop3A_218 : vector<16xf32>
            %parallel_loop3A_220 = arith.index_cast %parallel_loop3A_198 : i32 to index
            %parallel_loop3A_221 = arith.constant 16 : index
            %parallel_loop3A_222 = tpu.vector_load %arg15[%parallel_loop3A_220, %parallel_loop3A_221] {strides = array<i32>} : memref<64x128xf32, #tpu.memory_space<vmem>>, vector<16xf32>,
            tpu.vector_store %arg15[%parallel_loop3A_220, %parallel_loop3A_221], %parallel_loop3A_219 {strides = array<i32>} : memref<64x128xf32, #tpu.memory_space<vmem>>, vector<16xf32>,
            %parallel_loop3A_223 = arith.index_cast %parallel_loop3A_202 : i32 to index
            %parallel_loop3A_224 = arith.constant 32 : index
            %parallel_loop3A_225 = tpu.vector_load %arg11[%parallel_loop3A_223, %parallel_loop3A_224] {strides = array<i32>} : memref<128x128xf32, #tpu.memory_space<vmem>>, vector<16xf32>,
            %parallel_loop3A_226 = arith.index_cast %parallel_loop3A_202 : i32 to index
            %parallel_loop3A_227 = arith.constant 96 : index
            %parallel_loop3A_228 = tpu.vector_load %arg13[%parallel_loop3A_226, %parallel_loop3A_227] {strides = array<i32>} : memref<128x128xf32, #tpu.memory_space<vmem>>, vector<16xf32>,
            %parallel_loop3A_229 = arith.addf %parallel_loop3A_225, %parallel_loop3A_228 : vector<16xf32>
            %parallel_loop3A_230 = arith.index_cast %parallel_loop3A_198 : i32 to index
            %parallel_loop3A_231 = arith.constant 32 : index
            %parallel_loop3A_232 = tpu.vector_load %arg15[%parallel_loop3A_230, %parallel_loop3A_231] {strides = array<i32>} : memref<64x128xf32, #tpu.memory_space<vmem>>, vector<16xf32>,
            tpu.vector_store %arg15[%parallel_loop3A_230, %parallel_loop3A_231], %parallel_loop3A_229 {strides = array<i32>} : memref<64x128xf32, #tpu.memory_space<vmem>>, vector<16xf32>,
            %parallel_loop3A_233 = arith.index_cast %parallel_loop3A_202 : i32 to index
            %parallel_loop3A_234 = arith.constant 48 : index
            %parallel_loop3A_235 = tpu.vector_load %arg11[%parallel_loop3A_233, %parallel_loop3A_234] {strides = array<i32>} : memref<128x128xf32, #tpu.memory_space<vmem>>, vector<16xf32>,
            %parallel_loop3A_236 = arith.index_cast %parallel_loop3A_202 : i32 to index
            %parallel_loop3A_237 = arith.constant 112 : index
            %parallel_loop3A_238 = tpu.vector_load %arg13[%parallel_loop3A_236, %parallel_loop3A_237] {strides = array<i32>} : memref<128x128xf32, #tpu.memory_space<vmem>>, vector<16xf32>,
            %parallel_loop3A_239 = arith.addf %parallel_loop3A_235, %parallel_loop3A_238 : vector<16xf32>
            %parallel_loop3A_240 = arith.index_cast %parallel_loop3A_198 : i32 to index
            %parallel_loop3A_241 = arith.constant 48 : index
            %parallel_loop3A_242 = tpu.vector_load %arg15[%parallel_loop3A_240, %parallel_loop3A_241] {strides = array<i32>} : memref<64x128xf32, #tpu.memory_space<vmem>>, vector<16xf32>,
            tpu.vector_store %arg15[%parallel_loop3A_240, %parallel_loop3A_241], %parallel_loop3A_239 {strides = array<i32>} : memref<64x128xf32, #tpu.memory_space<vmem>>, vector<16xf32>,
            %parallel_loop3A_243 = arith.constant 2 : i32
            %parallel_loop3A_244 = arith.muli %parallel_loop3A_243, %parallel_loop3A_198 : i32
            %parallel_loop3A_245 = arith.constant 1 : i32
            %parallel_loop3A_246 = arith.addi %parallel_loop3A_244, %parallel_loop3A_245 : i32
            %parallel_loop3A_247 = arith.index_cast %parallel_loop3A_246 : i32 to index
            %parallel_loop3A_248 = arith.constant 0 : index
            %parallel_loop3A_249 = tpu.vector_load %arg11[%parallel_loop3A_247, %parallel_loop3A_248] {strides = array<i32>} : memref<128x128xf32, #tpu.memory_space<vmem>>, vector<16xf32>,
            %parallel_loop3A_250 = arith.index_cast %parallel_loop3A_246 : i32 to index
            %parallel_loop3A_251 = arith.constant 64 : index
            %parallel_loop3A_252 = tpu.vector_load %arg13[%parallel_loop3A_250, %parallel_loop3A_251] {strides = array<i32>} : memref<128x128xf32, #tpu.memory_space<vmem>>, vector<16xf32>,
            %parallel_loop3A_253 = arith.addf %parallel_loop3A_249, %parallel_loop3A_252 : vector<16xf32>
            %parallel_loop3A_254 = arith.index_cast %parallel_loop3A_198 : i32 to index
            %parallel_loop3A_255 = arith.constant 64 : index
            %parallel_loop3A_256 = tpu.vector_load %arg15[%parallel_loop3A_254, %parallel_loop3A_255] {strides = array<i32>} : memref<64x128xf32, #tpu.memory_space<vmem>>, vector<16xf32>,
            tpu.vector_store %arg15[%parallel_loop3A_254, %parallel_loop3A_255], %parallel_loop3A_253 {strides = array<i32>} : memref<64x128xf32, #tpu.memory_space<vmem>>, vector<16xf32>,
            %parallel_loop3A_257 = arith.index_cast %parallel_loop3A_246 : i32 to index
            %parallel_loop3A_258 = arith.constant 16 : index
            %parallel_loop3A_259 = tpu.vector_load %arg11[%parallel_loop3A_257, %parallel_loop3A_258] {strides = array<i32>} : memref<128x128xf32, #tpu.memory_space<vmem>>, vector<16xf32>,
            %parallel_loop3A_260 = arith.index_cast %parallel_loop3A_246 : i32 to index
            %parallel_loop3A_261 = arith.constant 80 : index
            %parallel_loop3A_262 = tpu.vector_load %arg13[%parallel_loop3A_260, %parallel_loop3A_261] {strides = array<i32>} : memref<128x128xf32, #tpu.memory_space<vmem>>, vector<16xf32>,
            %parallel_loop3A_263 = arith.addf %parallel_loop3A_259, %parallel_loop3A_262 : vector<16xf32>
            %parallel_loop3A_264 = arith.index_cast %parallel_loop3A_198 : i32 to index
            %parallel_loop3A_265 = arith.constant 80 : index
            %parallel_loop3A_266 = tpu.vector_load %arg15[%parallel_loop3A_264, %parallel_loop3A_265] {strides = array<i32>} : memref<64x128xf32, #tpu.memory_space<vmem>>, vector<16xf32>,
            tpu.vector_store %arg15[%parallel_loop3A_264, %parallel_loop3A_265], %parallel_loop3A_263 {strides = array<i32>} : memref<64x128xf32, #tpu.memory_space<vmem>>, vector<16xf32>,
            %parallel_loop3A_267 = arith.index_cast %parallel_loop3A_246 : i32 to index
            %parallel_loop3A_268 = arith.constant 32 : index
            %parallel_loop3A_269 = tpu.vector_load %arg11[%parallel_loop3A_267, %parallel_loop3A_268] {strides = array<i32>} : memref<128x128xf32, #tpu.memory_space<vmem>>, vector<16xf32>,
            %parallel_loop3A_270 = arith.index_cast %parallel_loop3A_246 : i32 to index
            %parallel_loop3A_271 = arith.constant 96 : index
            %parallel_loop3A_272 = tpu.vector_load %arg13[%parallel_loop3A_270, %parallel_loop3A_271] {strides = array<i32>} : memref<128x128xf32, #tpu.memory_space<vmem>>, vector<16xf32>,
            %parallel_loop3A_273 = arith.addf %parallel_loop3A_269, %parallel_loop3A_272 : vector<16xf32>
            %parallel_loop3A_274 = arith.index_cast %parallel_loop3A_198 : i32 to index
            %parallel_loop3A_275 = arith.constant 96 : index
            %parallel_loop3A_276 = tpu.vector_load %arg15[%parallel_loop3A_274, %parallel_loop3A_275] {strides = array<i32>} : memref<64x128xf32, #tpu.memory_space<vmem>>, vector<16xf32>,
            tpu.vector_store %arg15[%parallel_loop3A_274, %parallel_loop3A_275], %parallel_loop3A_273 {strides = array<i32>} : memref<64x128xf32, #tpu.memory_space<vmem>>, vector<16xf32>,
            %parallel_loop3A_277 = arith.index_cast %parallel_loop3A_246 : i32 to index
            %parallel_loop3A_278 = arith.constant 48 : index
            %parallel_loop3A_279 = tpu.vector_load %arg11[%parallel_loop3A_277, %parallel_loop3A_278] {strides = array<i32>} : memref<128x128xf32, #tpu.memory_space<vmem>>, vector<16xf32>,
            %parallel_loop3A_280 = arith.index_cast %parallel_loop3A_246 : i32 to index
            %parallel_loop3A_281 = arith.constant 112 : index
            %parallel_loop3A_282 = tpu.vector_load %arg13[%parallel_loop3A_280, %parallel_loop3A_281] {strides = array<i32>} : memref<128x128xf32, #tpu.memory_space<vmem>>, vector<16xf32>,
            %parallel_loop3A_283 = arith.addf %parallel_loop3A_279, %parallel_loop3A_282 : vector<16xf32>
            %parallel_loop3A_284 = arith.index_cast %parallel_loop3A_198 : i32 to index
            %parallel_loop3A_285 = arith.constant 112 : index
            %parallel_loop3A_286 = tpu.vector_load %arg15[%parallel_loop3A_284, %parallel_loop3A_285] {strides = array<i32>} : memref<64x128xf32, #tpu.memory_space<vmem>>, vector<16xf32>,
            tpu.vector_store %arg15[%parallel_loop3A_284, %parallel_loop3A_285], %parallel_loop3A_283 {strides = array<i32>} : memref<64x128xf32, #tpu.memory_space<vmem>>, vector<16xf32>,
          } {sc.loop_unroll_factor = 4 : i64, sc.parallel_access}
        } else {
        }
        %ge3A_180 = arith.constant 3907 : i32
        %ge3A_181 = arith.cmpi sge, %add3A_174, %ge3A_180 : i32
        %convert_element_type3A_182 = arith.extui %ge3A_181 : i1 to i32
        %cond3A_183 = arith.constant 0 : i32
        %cond3A_184 = arith.cmpi ne, %convert_element_type3A_182, %cond3A_183 : i32
        scf.if %cond3A_184 {
          %parallel_loop3A = arith.constant 0 : i32
          %parallel_loop3A_196 = arith.constant 64 : i32
          %parallel_loop3A_197 = arith.constant 1 : i32
          scf.for %parallel_loop3A_198 = %parallel_loop3A to %parallel_loop3A_196 step %parallel_loop3A_197  : i32 {
            %parallel_loop3A_199 = arith.constant 2 : i32
            %parallel_loop3A_200 = arith.muli %parallel_loop3A_199, %parallel_loop3A_198 : i32
            %parallel_loop3A_201 = arith.constant 0 : i32
            %parallel_loop3A_202 = arith.addi %parallel_loop3A_200, %parallel_loop3A_201 : i32
            %parallel_loop3A_203 = arith.index_cast %parallel_loop3A_202 : i32 to index
            %parallel_loop3A_204 = arith.constant 0 : index
            %parallel_loop3A_205 = tpu.vector_load %arg11[%parallel_loop3A_203, %parallel_loop3A_204] {strides = array<i32>} : memref<128x128xf32, #tpu.memory_space<vmem>>, vector<16xf32>,
            %parallel_loop3A_206 = arith.index_cast %parallel_loop3A_198 : i32 to index
            %parallel_loop3A_207 = arith.constant 0 : index
            %parallel_loop3A_208 = tpu.vector_load %arg15[%parallel_loop3A_206, %parallel_loop3A_207] {strides = array<i32>} : memref<64x128xf32, #tpu.memory_space<vmem>>, vector<16xf32>,
            tpu.vector_store %arg15[%parallel_loop3A_206, %parallel_loop3A_207], %parallel_loop3A_205 {strides = array<i32>} : memref<64x128xf32, #tpu.memory_space<vmem>>, vector<16xf32>,
            %parallel_loop3A_209 = arith.index_cast %parallel_loop3A_202 : i32 to index
            %parallel_loop3A_210 = arith.constant 16 : index
            %parallel_loop3A_211 = tpu.vector_load %arg11[%parallel_loop3A_209, %parallel_loop3A_210] {strides = array<i32>} : memref<128x128xf32, #tpu.memory_space<vmem>>, vector<16xf32>,
            %parallel_loop3A_212 = arith.index_cast %parallel_loop3A_198 : i32 to index
            %parallel_loop3A_213 = arith.constant 16 : index
            %parallel_loop3A_214 = tpu.vector_load %arg15[%parallel_loop3A_212, %parallel_loop3A_213] {strides = array<i32>} : memref<64x128xf32, #tpu.memory_space<vmem>>, vector<16xf32>,
            tpu.vector_store %arg15[%parallel_loop3A_212, %parallel_loop3A_213], %parallel_loop3A_211 {strides = array<i32>} : memref<64x128xf32, #tpu.memory_space<vmem>>, vector<16xf32>,
            %parallel_loop3A_215 = arith.index_cast %parallel_loop3A_202 : i32 to index
            %parallel_loop3A_216 = arith.constant 32 : index
            %parallel_loop3A_217 = tpu.vector_load %arg11[%parallel_loop3A_215, %parallel_loop3A_216] {strides = array<i32>} : memref<128x128xf32, #tpu.memory_space<vmem>>, vector<16xf32>,
            %parallel_loop3A_218 = arith.index_cast %parallel_loop3A_198 : i32 to index
            %parallel_loop3A_219 = arith.constant 32 : index
            %parallel_loop3A_220 = tpu.vector_load %arg15[%parallel_loop3A_218, %parallel_loop3A_219] {strides = array<i32>} : memref<64x128xf32, #tpu.memory_space<vmem>>, vector<16xf32>,
            tpu.vector_store %arg15[%parallel_loop3A_218, %parallel_loop3A_219], %parallel_loop3A_217 {strides = array<i32>} : memref<64x128xf32, #tpu.memory_space<vmem>>, vector<16xf32>,
            %parallel_loop3A_221 = arith.index_cast %parallel_loop3A_202 : i32 to index
            %parallel_loop3A_222 = arith.constant 48 : index
            %parallel_loop3A_223 = tpu.vector_load %arg11[%parallel_loop3A_221, %parallel_loop3A_222] {strides = array<i32>} : memref<128x128xf32, #tpu.memory_space<vmem>>, vector<16xf32>,
            %parallel_loop3A_224 = arith.index_cast %parallel_loop3A_198 : i32 to index
            %parallel_loop3A_225 = arith.constant 48 : index
            %parallel_loop3A_226 = tpu.vector_load %arg15[%parallel_loop3A_224, %parallel_loop3A_225] {strides = array<i32>} : memref<64x128xf32, #tpu.memory_space<vmem>>, vector<16xf32>,
            tpu.vector_store %arg15[%parallel_loop3A_224, %parallel_loop3A_225], %parallel_loop3A_223 {strides = array<i32>} : memref<64x128xf32, #tpu.memory_space<vmem>>, vector<16xf32>,
            %parallel_loop3A_227 = arith.constant 2 : i32
            %parallel_loop3A_228 = arith.muli %parallel_loop3A_227, %parallel_loop3A_198 : i32
            %parallel_loop3A_229 = arith.constant 1 : i32
            %parallel_loop3A_230 = arith.addi %parallel_loop3A_228, %parallel_loop3A_229 : i32
            %parallel_loop3A_231 = arith.index_cast %parallel_loop3A_230 : i32 to index
            %parallel_loop3A_232 = arith.constant 0 : index
            %parallel_loop3A_233 = tpu.vector_load %arg11[%parallel_loop3A_231, %parallel_loop3A_232] {strides = array<i32>} : memref<128x128xf32, #tpu.memory_space<vmem>>, vector<16xf32>,
            %parallel_loop3A_234 = arith.index_cast %parallel_loop3A_198 : i32 to index
            %parallel_loop3A_235 = arith.constant 64 : index
            %parallel_loop3A_236 = tpu.vector_load %arg15[%parallel_loop3A_234, %parallel_loop3A_235] {strides = array<i32>} : memref<64x128xf32, #tpu.memory_space<vmem>>, vector<16xf32>,
            tpu.vector_store %arg15[%parallel_loop3A_234, %parallel_loop3A_235], %parallel_loop3A_233 {strides = array<i32>} : memref<64x128xf32, #tpu.memory_space<vmem>>, vector<16xf32>,
            %parallel_loop3A_237 = arith.index_cast %parallel_loop3A_230 : i32 to index
            %parallel_loop3A_238 = arith.constant 16 : index
            %parallel_loop3A_239 = tpu.vector_load %arg11[%parallel_loop3A_237, %parallel_loop3A_238] {strides = array<i32>} : memref<128x128xf32, #tpu.memory_space<vmem>>, vector<16xf32>,
            %parallel_loop3A_240 = arith.index_cast %parallel_loop3A_198 : i32 to index
            %parallel_loop3A_241 = arith.constant 80 : index
            %parallel_loop3A_242 = tpu.vector_load %arg15[%parallel_loop3A_240, %parallel_loop3A_241] {strides = array<i32>} : memref<64x128xf32, #tpu.memory_space<vmem>>, vector<16xf32>,
            tpu.vector_store %arg15[%parallel_loop3A_240, %parallel_loop3A_241], %parallel_loop3A_239 {strides = array<i32>} : memref<64x128xf32, #tpu.memory_space<vmem>>, vector<16xf32>,
            %parallel_loop3A_243 = arith.index_cast %parallel_loop3A_230 : i32 to index
            %parallel_loop3A_244 = arith.constant 32 : index
            %parallel_loop3A_245 = tpu.vector_load %arg11[%parallel_loop3A_243, %parallel_loop3A_244] {strides = array<i32>} : memref<128x128xf32, #tpu.memory_space<vmem>>, vector<16xf32>,
            %parallel_loop3A_246 = arith.index_cast %parallel_loop3A_198 : i32 to index
            %parallel_loop3A_247 = arith.constant 96 : index
            %parallel_loop3A_248 = tpu.vector_load %arg15[%parallel_loop3A_246, %parallel_loop3A_247] {strides = array<i32>} : memref<64x128xf32, #tpu.memory_space<vmem>>, vector<16xf32>,
            tpu.vector_store %arg15[%parallel_loop3A_246, %parallel_loop3A_247], %parallel_loop3A_245 {strides = array<i32>} : memref<64x128xf32, #tpu.memory_space<vmem>>, vector<16xf32>,
            %parallel_loop3A_249 = arith.index_cast %parallel_loop3A_230 : i32 to index
            %parallel_loop3A_250 = arith.constant 48 : index
            %parallel_loop3A_251 = tpu.vector_load %arg11[%parallel_loop3A_249, %parallel_loop3A_250] {strides = array<i32>} : memref<128x128xf32, #tpu.memory_space<vmem>>, vector<16xf32>,
            %parallel_loop3A_252 = arith.index_cast %parallel_loop3A_198 : i32 to index
            %parallel_loop3A_253 = arith.constant 112 : index
            %parallel_loop3A_254 = tpu.vector_load %arg15[%parallel_loop3A_252, %parallel_loop3A_253] {strides = array<i32>} : memref<64x128xf32, #tpu.memory_space<vmem>>, vector<16xf32>,
            tpu.vector_store %arg15[%parallel_loop3A_252, %parallel_loop3A_253], %parallel_loop3A_251 {strides = array<i32>} : memref<64x128xf32, #tpu.memory_space<vmem>>, vector<16xf32>,
          } {sc.loop_unroll_factor = 4 : i64, sc.parallel_access}
        } else {
        }
        %sub3A_185 = arith.constant 1 : i32
        %sub3A_186 = arith.subi %mul3A_76, %sub3A_185 : i32
        %mul3A_187 = arith.constant 32 : i32
        %mul3A_188 = arith.muli %sub3A_186, %mul3A_187 : i32
        %add3A_189 = arith.addi %add3A, %mul3A_188 : i32
        %mul3A_190 = arith.constant 64 : i32
        %mul3A_191 = arith.muli %add3A_189, %mul3A_190 : i32
        %dma_start3A_192 = arith.constant 0 : i32
        %dma_start3A_193 = tpu.memref_slice %arg5[%mul3A_191, %dma_start3A_192] : memref<500000x128xf32, #tpu.memory_space<hbm>> -> memref<64x128xf32, #tpu.memory_space<hbm>>
        %dma_start3A_194 = arith.constant 0 : i32
        %dma_start3A_195 = tpu.memref_slice %arg5[%mul3A_191, %dma_start3A_194] : memref<500000x128xf32, #tpu.memory_space<hbm>> -> memref<64x128xf32, #tpu.memory_space<hbm>>
        tpu.enqueue_dma source(%arg15 : memref<64x128xf32, #tpu.memory_space<vmem>>) target(%dma_start3A_195 : memref<64x128xf32, #tpu.memory_space<hbm>>) target_semaphore(%arg21 : memref<!tpu.dma_semaphore, #tpu.memory_space<semaphore_mem>>)
      } else {
      }
      %add3A_103 = arith.constant 1 : i32
      %add3A_104 = arith.addi %mul3A_76, %add3A_103 : i32
      %mul3A_105 = arith.constant 32 : i32
      %mul3A_106 = arith.muli %add3A_104, %mul3A_105 : i32
      %add3A_107 = arith.addi %add3A, %mul3A_106 : i32
      %lt3A_108 = arith.constant 7812 : i32
      %lt3A_109 = arith.cmpi slt, %add3A_107, %lt3A_108 : i32
      %convert_element_type3A_110 = arith.extui %lt3A_109 : i1 to i32
      %cond3A_111 = arith.constant 0 : i32
      %cond3A_112 = arith.cmpi ne, %convert_element_type3A_110, %cond3A_111 : i32
      scf.if %cond3A_112 {
        %add3A_153 = arith.constant 1 : i32
        %add3A_154 = arith.addi %mul3A_76, %add3A_153 : i32
        %mul3A_155 = arith.constant 32 : i32
        %mul3A_156 = arith.muli %add3A_154, %mul3A_155 : i32
        %add3A_157 = arith.addi %add3A, %mul3A_156 : i32
        %mul3A_158 = arith.constant 128 : i32
        %mul3A_159 = arith.muli %add3A_157, %mul3A_158 : i32
        %dma_start3A_160 = tpu.memref_slice %arg3[%mul3A_159] : memref<1000000xi32, #tpu.memory_space<hbm>> -> memref<128xi32, #tpu.memory_space<hbm>>
        %dma_start3A_161 = tpu.memref_slice %arg3[%mul3A_159] : memref<1000000xi32, #tpu.memory_space<hbm>> -> memref<128xi32, #tpu.memory_space<hbm>>
        tpu.enqueue_dma source(%dma_start3A_161 : memref<128xi32, #tpu.memory_space<hbm>>) target(%arg7 : memref<128xi32, #tpu.memory_space<vmem>>) target_semaphore(%arg17 : memref<!tpu.dma_semaphore, #tpu.memory_space<semaphore_mem>>)
        %dma_start3A_162 = tpu.memref_slice %arg4[%mul3A_159] : memref<1000000xi32, #tpu.memory_space<hbm>> -> memref<128xi32, #tpu.memory_space<hbm>>
        %dma_start3A_163 = tpu.memref_slice %arg4[%mul3A_159] : memref<1000000xi32, #tpu.memory_space<hbm>> -> memref<128xi32, #tpu.memory_space<hbm>>
        tpu.enqueue_dma source(%dma_start3A_163 : memref<128xi32, #tpu.memory_space<hbm>>) target(%arg9 : memref<128xi32, #tpu.memory_space<vmem>>) target_semaphore(%arg17 : memref<!tpu.dma_semaphore, #tpu.memory_space<semaphore_mem>>)
      } else {
      }
      %mul3A_113 = arith.constant 2 : i32
      %mul3A_114 = arith.muli %mul3A_113, %scan3A_74 : i32
      %add3A_115 = arith.constant 1 : i32
      %add3A_116 = arith.addi %mul3A_114, %add3A_115 : i32
      %dma_wait3A_117 = arith.constant 0 : i32
      %dma_wait3A_118 = tpu.memref_slice %arg3[%dma_wait3A_117] : memref<1000000xi32, #tpu.memory_space<hbm>> -> memref<128xi32, #tpu.memory_space<hbm>>
      %dma_wait3A_119 = arith.constant 0 : i32
      %dma_wait3A_120 = tpu.memref_slice %arg3[%dma_wait3A_119] : memref<1000000xi32, #tpu.memory_space<hbm>> -> memref<128xi32, #tpu.memory_space<hbm>>
      tpu.wait_dma2 semaphore(%arg17 : memref<!tpu.dma_semaphore, #tpu.memory_space<semaphore_mem>>) src(%dma_wait3A_120 : memref<128xi32, #tpu.memory_space<hbm>>) dst(%arg7 : memref<128xi32, #tpu.memory_space<vmem>>)
      %dma_wait3A_121 = arith.constant 0 : i32
      %dma_wait3A_122 = tpu.memref_slice %arg4[%dma_wait3A_121] : memref<1000000xi32, #tpu.memory_space<hbm>> -> memref<128xi32, #tpu.memory_space<hbm>>
      %dma_wait3A_123 = arith.constant 0 : i32
      %dma_wait3A_124 = tpu.memref_slice %arg4[%dma_wait3A_123] : memref<1000000xi32, #tpu.memory_space<hbm>> -> memref<128xi32, #tpu.memory_space<hbm>>
      tpu.wait_dma2 semaphore(%arg17 : memref<!tpu.dma_semaphore, #tpu.memory_space<semaphore_mem>>) src(%dma_wait3A_124 : memref<128xi32, #tpu.memory_space<hbm>>) dst(%arg9 : memref<128xi32, #tpu.memory_space<vmem>>)
      %mul3A_125 = arith.constant 32 : i32
      %mul3A_126 = arith.muli %add3A_116, %mul3A_125 : i32
      %add3A_127 = arith.addi %add3A, %mul3A_126 : i32
      %lt3A_128 = arith.constant 3907 : i32
      %lt3A_129 = arith.cmpi slt, %add3A_127, %lt3A_128 : i32
      %convert_element_type3A_130 = arith.extui %lt3A_129 : i1 to i32
      %cond3A_131 = arith.constant 0 : i32
      %cond3A_132 = arith.cmpi ne, %convert_element_type3A_130, %cond3A_131 : i32
      scf.if %cond3A_132 {
        %dma_start3A_153 = arith.constant 0 : i32
        %dma_start3A_154 = arith.constant 0 : i32
        %dma_start3A_155 = tpu.memref_slice %arg2[%dma_start3A_153, %dma_start3A_154] : memref<202000x128xf32, #tpu.memory_space<hbm>> -> memref<202000x128xf32, #tpu.memory_space<hbm>>
        tpu.enqueue_indirect_dma source(%dma_start3A_155 : memref<202000x128xf32, #tpu.memory_space<hbm>>) target(%arg11 : memref<128x128xf32, #tpu.memory_space<vmem>>) offsets(%arg7 : memref<128xi32, #tpu.memory_space<vmem>>) semaphore(%arg19 : memref<!tpu.dma_semaphore, #tpu.memory_space<semaphore_mem>>)
        %dma_start3A_156 = arith.constant 0 : i32
        %dma_start3A_157 = arith.constant 0 : i32
        %dma_start3A_158 = tpu.memref_slice %arg2[%dma_start3A_156, %dma_start3A_157] : memref<202000x128xf32, #tpu.memory_space<hbm>> -> memref<202000x128xf32, #tpu.memory_space<hbm>>
        tpu.enqueue_indirect_dma source(%dma_start3A_158 : memref<202000x128xf32, #tpu.memory_space<hbm>>) target(%arg13 : memref<128x128xf32, #tpu.memory_space<vmem>>) offsets(%arg9 : memref<128xi32, #tpu.memory_space<vmem>>) semaphore(%arg19 : memref<!tpu.dma_semaphore, #tpu.memory_space<semaphore_mem>>)
      } else {
      }
      %ge3A_133 = arith.constant 3907 : i32
      %ge3A_134 = arith.cmpi sge, %add3A_127, %ge3A_133 : i32
      %convert_element_type3A_135 = arith.extui %ge3A_134 : i1 to i32
      %cond3A_136 = arith.constant 0 : i32
      %cond3A_137 = arith.cmpi ne, %convert_element_type3A_135, %cond3A_136 : i32
      scf.if %cond3A_137 {
        %dma_start3A_153 = arith.constant 0 : i32
        %dma_start3A_154 = arith.constant 0 : i32
        %dma_start3A_155 = tpu.memref_slice %arg2[%dma_start3A_153, %dma_start3A_154] : memref<202000x128xf32, #tpu.memory_space<hbm>> -> memref<202000x128xf32, #tpu.memory_space<hbm>>
        tpu.enqueue_indirect_dma source(%dma_start3A_155 : memref<202000x128xf32, #tpu.memory_space<hbm>>) target(%arg11 : memref<128x128xf32, #tpu.memory_space<vmem>>) offsets(%arg7 : memref<128xi32, #tpu.memory_space<vmem>>) semaphore(%arg19 : memref<!tpu.dma_semaphore, #tpu.memory_space<semaphore_mem>>)
      } else {
      }
      %ge3A_138 = arith.constant 1 : i32
      %ge3A_139 = arith.cmpi sge, %add3A_116, %ge3A_138 : i32
      %convert_element_type3A_140 = arith.extui %ge3A_139 : i1 to i32
      %cond3A_141 = arith.constant 0 : i32
      %cond3A_142 = arith.cmpi ne, %convert_element_type3A_140, %cond3A_141 : i32
      scf.if %cond3A_142 {
        %sub3A = arith.constant 1 : i32
        %sub3A_153 = arith.subi %add3A_116, %sub3A : i32
        %mul3A_154 = arith.constant 32 : i32
        %mul3A_155 = arith.muli %sub3A_153, %mul3A_154 : i32
        %add3A_156 = arith.addi %add3A, %mul3A_155 : i32
        %dma_wait3A_157 = arith.constant 0 : i32
        %dma_wait3A_158 = arith.constant 0 : i32
        %dma_wait3A_159 = tpu.memref_slice %arg2[%dma_wait3A_157, %dma_wait3A_158] : memref<202000x128xf32, #tpu.memory_space<hbm>> -> memref<202000x128xf32, #tpu.memory_space<hbm>>
        tpu.wait_indirect_dma semaphore(%arg18 : memref<!tpu.dma_semaphore, #tpu.memory_space<semaphore_mem>>) src(%dma_wait3A_159 : memref<202000x128xf32, #tpu.memory_space<hbm>>) dst(%arg10 : memref<128x128xf32, #tpu.memory_space<vmem>>)
        %lt3A_160 = arith.constant 3907 : i32
        %lt3A_161 = arith.cmpi slt, %add3A_156, %lt3A_160 : i32
        %convert_element_type3A_162 = arith.extui %lt3A_161 : i1 to i32
        %cond3A_163 = arith.constant 0 : i32
        %cond3A_164 = arith.cmpi ne, %convert_element_type3A_162, %cond3A_163 : i32
        scf.if %cond3A_164 {
          %dma_wait3A_196 = arith.constant 0 : i32
          %dma_wait3A_197 = arith.constant 0 : i32
          %dma_wait3A_198 = tpu.memref_slice %arg2[%dma_wait3A_196, %dma_wait3A_197] : memref<202000x128xf32, #tpu.memory_space<hbm>> -> memref<202000x128xf32, #tpu.memory_space<hbm>>
          tpu.wait_indirect_dma semaphore(%arg18 : memref<!tpu.dma_semaphore, #tpu.memory_space<semaphore_mem>>) src(%dma_wait3A_198 : memref<202000x128xf32, #tpu.memory_space<hbm>>) dst(%arg12 : memref<128x128xf32, #tpu.memory_space<vmem>>)
        } else {
        }
        %ge3A_165 = arith.constant 3 : i32
        %ge3A_166 = arith.cmpi sge, %add3A_116, %ge3A_165 : i32
        %convert_element_type3A_167 = arith.extui %ge3A_166 : i1 to i32
        %cond3A_168 = arith.constant 0 : i32
        %cond3A_169 = arith.cmpi ne, %convert_element_type3A_167, %cond3A_168 : i32
        scf.if %cond3A_169 {
          %dma_wait3A_196 = arith.constant 0 : i32
          %dma_wait3A_197 = arith.constant 0 : i32
          %dma_wait3A_198 = tpu.memref_slice %arg5[%dma_wait3A_196, %dma_wait3A_197] : memref<500000x128xf32, #tpu.memory_space<hbm>> -> memref<64x128xf32, #tpu.memory_space<hbm>>
          %dma_wait3A_199 = arith.constant 0 : i32
          %dma_wait3A_200 = arith.constant 0 : i32
          %dma_wait3A_201 = tpu.memref_slice %arg5[%dma_wait3A_199, %dma_wait3A_200] : memref<500000x128xf32, #tpu.memory_space<hbm>> -> memref<64x128xf32, #tpu.memory_space<hbm>>
          tpu.wait_dma2 semaphore(%arg20 : memref<!tpu.dma_semaphore, #tpu.memory_space<semaphore_mem>>) src(%arg14 : memref<64x128xf32, #tpu.memory_space<vmem>>) dst(%dma_wait3A_201 : memref<64x128xf32, #tpu.memory_space<hbm>>)
        } else {
        }
        %sub3A_170 = arith.constant 1 : i32
        %sub3A_171 = arith.subi %add3A_116, %sub3A_170 : i32
        %mul3A_172 = arith.constant 32 : i32
        %mul3A_173 = arith.muli %sub3A_171, %mul3A_172 : i32
        %add3A_174 = arith.addi %add3A, %mul3A_173 : i32
        %lt3A_175 = arith.constant 3907 : i32
        %lt3A_176 = arith.cmpi slt, %add3A_174, %lt3A_175 : i32
        %convert_element_type3A_177 = arith.extui %lt3A_176 : i1 to i32
        %cond3A_178 = arith.constant 0 : i32
        %cond3A_179 = arith.cmpi ne, %convert_element_type3A_177, %cond3A_178 : i32
        scf.if %cond3A_179 {
          %parallel_loop3A = arith.constant 0 : i32
          %parallel_loop3A_196 = arith.constant 64 : i32
          %parallel_loop3A_197 = arith.constant 1 : i32
          scf.for %parallel_loop3A_198 = %parallel_loop3A to %parallel_loop3A_196 step %parallel_loop3A_197  : i32 {
            %parallel_loop3A_199 = arith.constant 2 : i32
            %parallel_loop3A_200 = arith.muli %parallel_loop3A_199, %parallel_loop3A_198 : i32
            %parallel_loop3A_201 = arith.constant 0 : i32
            %parallel_loop3A_202 = arith.addi %parallel_loop3A_200, %parallel_loop3A_201 : i32
            %parallel_loop3A_203 = arith.index_cast %parallel_loop3A_202 : i32 to index
            %parallel_loop3A_204 = arith.constant 0 : index
            %parallel_loop3A_205 = tpu.vector_load %arg10[%parallel_loop3A_203, %parallel_loop3A_204] {strides = array<i32>} : memref<128x128xf32, #tpu.memory_space<vmem>>, vector<16xf32>,
            %parallel_loop3A_206 = arith.index_cast %parallel_loop3A_202 : i32 to index
            %parallel_loop3A_207 = arith.constant 64 : index
            %parallel_loop3A_208 = tpu.vector_load %arg12[%parallel_loop3A_206, %parallel_loop3A_207] {strides = array<i32>} : memref<128x128xf32, #tpu.memory_space<vmem>>, vector<16xf32>,
            %parallel_loop3A_209 = arith.addf %parallel_loop3A_205, %parallel_loop3A_208 : vector<16xf32>
            %parallel_loop3A_210 = arith.index_cast %parallel_loop3A_198 : i32 to index
            %parallel_loop3A_211 = arith.constant 0 : index
            %parallel_loop3A_212 = tpu.vector_load %arg14[%parallel_loop3A_210, %parallel_loop3A_211] {strides = array<i32>} : memref<64x128xf32, #tpu.memory_space<vmem>>, vector<16xf32>,
            tpu.vector_store %arg14[%parallel_loop3A_210, %parallel_loop3A_211], %parallel_loop3A_209 {strides = array<i32>} : memref<64x128xf32, #tpu.memory_space<vmem>>, vector<16xf32>,
            %parallel_loop3A_213 = arith.index_cast %parallel_loop3A_202 : i32 to index
            %parallel_loop3A_214 = arith.constant 16 : index
            %parallel_loop3A_215 = tpu.vector_load %arg10[%parallel_loop3A_213, %parallel_loop3A_214] {strides = array<i32>} : memref<128x128xf32, #tpu.memory_space<vmem>>, vector<16xf32>,
            %parallel_loop3A_216 = arith.index_cast %parallel_loop3A_202 : i32 to index
            %parallel_loop3A_217 = arith.constant 80 : index
            %parallel_loop3A_218 = tpu.vector_load %arg12[%parallel_loop3A_216, %parallel_loop3A_217] {strides = array<i32>} : memref<128x128xf32, #tpu.memory_space<vmem>>, vector<16xf32>,
            %parallel_loop3A_219 = arith.addf %parallel_loop3A_215, %parallel_loop3A_218 : vector<16xf32>
            %parallel_loop3A_220 = arith.index_cast %parallel_loop3A_198 : i32 to index
            %parallel_loop3A_221 = arith.constant 16 : index
            %parallel_loop3A_222 = tpu.vector_load %arg14[%parallel_loop3A_220, %parallel_loop3A_221] {strides = array<i32>} : memref<64x128xf32, #tpu.memory_space<vmem>>, vector<16xf32>,
            tpu.vector_store %arg14[%parallel_loop3A_220, %parallel_loop3A_221], %parallel_loop3A_219 {strides = array<i32>} : memref<64x128xf32, #tpu.memory_space<vmem>>, vector<16xf32>,
            %parallel_loop3A_223 = arith.index_cast %parallel_loop3A_202 : i32 to index
            %parallel_loop3A_224 = arith.constant 32 : index
            %parallel_loop3A_225 = tpu.vector_load %arg10[%parallel_loop3A_223, %parallel_loop3A_224] {strides = array<i32>} : memref<128x128xf32, #tpu.memory_space<vmem>>, vector<16xf32>,
            %parallel_loop3A_226 = arith.index_cast %parallel_loop3A_202 : i32 to index
            %parallel_loop3A_227 = arith.constant 96 : index
            %parallel_loop3A_228 = tpu.vector_load %arg12[%parallel_loop3A_226, %parallel_loop3A_227] {strides = array<i32>} : memref<128x128xf32, #tpu.memory_space<vmem>>, vector<16xf32>,
            %parallel_loop3A_229 = arith.addf %parallel_loop3A_225, %parallel_loop3A_228 : vector<16xf32>
            %parallel_loop3A_230 = arith.index_cast %parallel_loop3A_198 : i32 to index
            %parallel_loop3A_231 = arith.constant 32 : index
            %parallel_loop3A_232 = tpu.vector_load %arg14[%parallel_loop3A_230, %parallel_loop3A_231] {strides = array<i32>} : memref<64x128xf32, #tpu.memory_space<vmem>>, vector<16xf32>,
            tpu.vector_store %arg14[%parallel_loop3A_230, %parallel_loop3A_231], %parallel_loop3A_229 {strides = array<i32>} : memref<64x128xf32, #tpu.memory_space<vmem>>, vector<16xf32>,
            %parallel_loop3A_233 = arith.index_cast %parallel_loop3A_202 : i32 to index
            %parallel_loop3A_234 = arith.constant 48 : index
            %parallel_loop3A_235 = tpu.vector_load %arg10[%parallel_loop3A_233, %parallel_loop3A_234] {strides = array<i32>} : memref<128x128xf32, #tpu.memory_space<vmem>>, vector<16xf32>,
            %parallel_loop3A_236 = arith.index_cast %parallel_loop3A_202 : i32 to index
            %parallel_loop3A_237 = arith.constant 112 : index
            %parallel_loop3A_238 = tpu.vector_load %arg12[%parallel_loop3A_236, %parallel_loop3A_237] {strides = array<i32>} : memref<128x128xf32, #tpu.memory_space<vmem>>, vector<16xf32>,
            %parallel_loop3A_239 = arith.addf %parallel_loop3A_235, %parallel_loop3A_238 : vector<16xf32>
            %parallel_loop3A_240 = arith.index_cast %parallel_loop3A_198 : i32 to index
            %parallel_loop3A_241 = arith.constant 48 : index
            %parallel_loop3A_242 = tpu.vector_load %arg14[%parallel_loop3A_240, %parallel_loop3A_241] {strides = array<i32>} : memref<64x128xf32, #tpu.memory_space<vmem>>, vector<16xf32>,
            tpu.vector_store %arg14[%parallel_loop3A_240, %parallel_loop3A_241], %parallel_loop3A_239 {strides = array<i32>} : memref<64x128xf32, #tpu.memory_space<vmem>>, vector<16xf32>,
            %parallel_loop3A_243 = arith.constant 2 : i32
            %parallel_loop3A_244 = arith.muli %parallel_loop3A_243, %parallel_loop3A_198 : i32
            %parallel_loop3A_245 = arith.constant 1 : i32
            %parallel_loop3A_246 = arith.addi %parallel_loop3A_244, %parallel_loop3A_245 : i32
            %parallel_loop3A_247 = arith.index_cast %parallel_loop3A_246 : i32 to index
            %parallel_loop3A_248 = arith.constant 0 : index
            %parallel_loop3A_249 = tpu.vector_load %arg10[%parallel_loop3A_247, %parallel_loop3A_248] {strides = array<i32>} : memref<128x128xf32, #tpu.memory_space<vmem>>, vector<16xf32>,
            %parallel_loop3A_250 = arith.index_cast %parallel_loop3A_246 : i32 to index
            %parallel_loop3A_251 = arith.constant 64 : index
            %parallel_loop3A_252 = tpu.vector_load %arg12[%parallel_loop3A_250, %parallel_loop3A_251] {strides = array<i32>} : memref<128x128xf32, #tpu.memory_space<vmem>>, vector<16xf32>,
            %parallel_loop3A_253 = arith.addf %parallel_loop3A_249, %parallel_loop3A_252 : vector<16xf32>
            %parallel_loop3A_254 = arith.index_cast %parallel_loop3A_198 : i32 to index
            %parallel_loop3A_255 = arith.constant 64 : index
            %parallel_loop3A_256 = tpu.vector_load %arg14[%parallel_loop3A_254, %parallel_loop3A_255] {strides = array<i32>} : memref<64x128xf32, #tpu.memory_space<vmem>>, vector<16xf32>,
            tpu.vector_store %arg14[%parallel_loop3A_254, %parallel_loop3A_255], %parallel_loop3A_253 {strides = array<i32>} : memref<64x128xf32, #tpu.memory_space<vmem>>, vector<16xf32>,
            %parallel_loop3A_257 = arith.index_cast %parallel_loop3A_246 : i32 to index
            %parallel_loop3A_258 = arith.constant 16 : index
            %parallel_loop3A_259 = tpu.vector_load %arg10[%parallel_loop3A_257, %parallel_loop3A_258] {strides = array<i32>} : memref<128x128xf32, #tpu.memory_space<vmem>>, vector<16xf32>,
            %parallel_loop3A_260 = arith.index_cast %parallel_loop3A_246 : i32 to index
            %parallel_loop3A_261 = arith.constant 80 : index
            %parallel_loop3A_262 = tpu.vector_load %arg12[%parallel_loop3A_260, %parallel_loop3A_261] {strides = array<i32>} : memref<128x128xf32, #tpu.memory_space<vmem>>, vector<16xf32>,
            %parallel_loop3A_263 = arith.addf %parallel_loop3A_259, %parallel_loop3A_262 : vector<16xf32>
            %parallel_loop3A_264 = arith.index_cast %parallel_loop3A_198 : i32 to index
            %parallel_loop3A_265 = arith.constant 80 : index
            %parallel_loop3A_266 = tpu.vector_load %arg14[%parallel_loop3A_264, %parallel_loop3A_265] {strides = array<i32>} : memref<64x128xf32, #tpu.memory_space<vmem>>, vector<16xf32>,
            tpu.vector_store %arg14[%parallel_loop3A_264, %parallel_loop3A_265], %parallel_loop3A_263 {strides = array<i32>} : memref<64x128xf32, #tpu.memory_space<vmem>>, vector<16xf32>,
            %parallel_loop3A_267 = arith.index_cast %parallel_loop3A_246 : i32 to index
            %parallel_loop3A_268 = arith.constant 32 : index
            %parallel_loop3A_269 = tpu.vector_load %arg10[%parallel_loop3A_267, %parallel_loop3A_268] {strides = array<i32>} : memref<128x128xf32, #tpu.memory_space<vmem>>, vector<16xf32>,
            %parallel_loop3A_270 = arith.index_cast %parallel_loop3A_246 : i32 to index
            %parallel_loop3A_271 = arith.constant 96 : index
            %parallel_loop3A_272 = tpu.vector_load %arg12[%parallel_loop3A_270, %parallel_loop3A_271] {strides = array<i32>} : memref<128x128xf32, #tpu.memory_space<vmem>>, vector<16xf32>,
            %parallel_loop3A_273 = arith.addf %parallel_loop3A_269, %parallel_loop3A_272 : vector<16xf32>
            %parallel_loop3A_274 = arith.index_cast %parallel_loop3A_198 : i32 to index
            %parallel_loop3A_275 = arith.constant 96 : index
            %parallel_loop3A_276 = tpu.vector_load %arg14[%parallel_loop3A_274, %parallel_loop3A_275] {strides = array<i32>} : memref<64x128xf32, #tpu.memory_space<vmem>>, vector<16xf32>,
            tpu.vector_store %arg14[%parallel_loop3A_274, %parallel_loop3A_275], %parallel_loop3A_273 {strides = array<i32>} : memref<64x128xf32, #tpu.memory_space<vmem>>, vector<16xf32>,
            %parallel_loop3A_277 = arith.index_cast %parallel_loop3A_246 : i32 to index
            %parallel_loop3A_278 = arith.constant 48 : index
            %parallel_loop3A_279 = tpu.vector_load %arg10[%parallel_loop3A_277, %parallel_loop3A_278] {strides = array<i32>} : memref<128x128xf32, #tpu.memory_space<vmem>>, vector<16xf32>,
            %parallel_loop3A_280 = arith.index_cast %parallel_loop3A_246 : i32 to index
            %parallel_loop3A_281 = arith.constant 112 : index
            %parallel_loop3A_282 = tpu.vector_load %arg12[%parallel_loop3A_280, %parallel_loop3A_281] {strides = array<i32>} : memref<128x128xf32, #tpu.memory_space<vmem>>, vector<16xf32>,
            %parallel_loop3A_283 = arith.addf %parallel_loop3A_279, %parallel_loop3A_282 : vector<16xf32>
            %parallel_loop3A_284 = arith.index_cast %parallel_loop3A_198 : i32 to index
            %parallel_loop3A_285 = arith.constant 112 : index
            %parallel_loop3A_286 = tpu.vector_load %arg14[%parallel_loop3A_284, %parallel_loop3A_285] {strides = array<i32>} : memref<64x128xf32, #tpu.memory_space<vmem>>, vector<16xf32>,
            tpu.vector_store %arg14[%parallel_loop3A_284, %parallel_loop3A_285], %parallel_loop3A_283 {strides = array<i32>} : memref<64x128xf32, #tpu.memory_space<vmem>>, vector<16xf32>,
          } {sc.loop_unroll_factor = 4 : i64, sc.parallel_access}
        } else {
        }
        %ge3A_180 = arith.constant 3907 : i32
        %ge3A_181 = arith.cmpi sge, %add3A_174, %ge3A_180 : i32
        %convert_element_type3A_182 = arith.extui %ge3A_181 : i1 to i32
        %cond3A_183 = arith.constant 0 : i32
        %cond3A_184 = arith.cmpi ne, %convert_element_type3A_182, %cond3A_183 : i32
        scf.if %cond3A_184 {
          %parallel_loop3A = arith.constant 0 : i32
          %parallel_loop3A_196 = arith.constant 64 : i32
          %parallel_loop3A_197 = arith.constant 1 : i32
          scf.for %parallel_loop3A_198 = %parallel_loop3A to %parallel_loop3A_196 step %parallel_loop3A_197  : i32 {
            %parallel_loop3A_199 = arith.constant 2 : i32
            %parallel_loop3A_200 = arith.muli %parallel_loop3A_199, %parallel_loop3A_198 : i32
            %parallel_loop3A_201 = arith.constant 0 : i32
            %parallel_loop3A_202 = arith.addi %parallel_loop3A_200, %parallel_loop3A_201 : i32
            %parallel_loop3A_203 = arith.index_cast %parallel_loop3A_202 : i32 to index
            %parallel_loop3A_204 = arith.constant 0 : index
            %parallel_loop3A_205 = tpu.vector_load %arg10[%parallel_loop3A_203, %parallel_loop3A_204] {strides = array<i32>} : memref<128x128xf32, #tpu.memory_space<vmem>>, vector<16xf32>,
            %parallel_loop3A_206 = arith.index_cast %parallel_loop3A_198 : i32 to index
            %parallel_loop3A_207 = arith.constant 0 : index
            %parallel_loop3A_208 = tpu.vector_load %arg14[%parallel_loop3A_206, %parallel_loop3A_207] {strides = array<i32>} : memref<64x128xf32, #tpu.memory_space<vmem>>, vector<16xf32>,
            tpu.vector_store %arg14[%parallel_loop3A_206, %parallel_loop3A_207], %parallel_loop3A_205 {strides = array<i32>} : memref<64x128xf32, #tpu.memory_space<vmem>>, vector<16xf32>,
            %parallel_loop3A_209 = arith.index_cast %parallel_loop3A_202 : i32 to index
            %parallel_loop3A_210 = arith.constant 16 : index
            %parallel_loop3A_211 = tpu.vector_load %arg10[%parallel_loop3A_209, %parallel_loop3A_210] {strides = array<i32>} : memref<128x128xf32, #tpu.memory_space<vmem>>, vector<16xf32>,
            %parallel_loop3A_212 = arith.index_cast %parallel_loop3A_198 : i32 to index
            %parallel_loop3A_213 = arith.constant 16 : index
            %parallel_loop3A_214 = tpu.vector_load %arg14[%parallel_loop3A_212, %parallel_loop3A_213] {strides = array<i32>} : memref<64x128xf32, #tpu.memory_space<vmem>>, vector<16xf32>,
            tpu.vector_store %arg14[%parallel_loop3A_212, %parallel_loop3A_213], %parallel_loop3A_211 {strides = array<i32>} : memref<64x128xf32, #tpu.memory_space<vmem>>, vector<16xf32>,
            %parallel_loop3A_215 = arith.index_cast %parallel_loop3A_202 : i32 to index
            %parallel_loop3A_216 = arith.constant 32 : index
            %parallel_loop3A_217 = tpu.vector_load %arg10[%parallel_loop3A_215, %parallel_loop3A_216] {strides = array<i32>} : memref<128x128xf32, #tpu.memory_space<vmem>>, vector<16xf32>,
            %parallel_loop3A_218 = arith.index_cast %parallel_loop3A_198 : i32 to index
            %parallel_loop3A_219 = arith.constant 32 : index
            %parallel_loop3A_220 = tpu.vector_load %arg14[%parallel_loop3A_218, %parallel_loop3A_219] {strides = array<i32>} : memref<64x128xf32, #tpu.memory_space<vmem>>, vector<16xf32>,
            tpu.vector_store %arg14[%parallel_loop3A_218, %parallel_loop3A_219], %parallel_loop3A_217 {strides = array<i32>} : memref<64x128xf32, #tpu.memory_space<vmem>>, vector<16xf32>,
            %parallel_loop3A_221 = arith.index_cast %parallel_loop3A_202 : i32 to index
            %parallel_loop3A_222 = arith.constant 48 : index
            %parallel_loop3A_223 = tpu.vector_load %arg10[%parallel_loop3A_221, %parallel_loop3A_222] {strides = array<i32>} : memref<128x128xf32, #tpu.memory_space<vmem>>, vector<16xf32>,
            %parallel_loop3A_224 = arith.index_cast %parallel_loop3A_198 : i32 to index
            %parallel_loop3A_225 = arith.constant 48 : index
            %parallel_loop3A_226 = tpu.vector_load %arg14[%parallel_loop3A_224, %parallel_loop3A_225] {strides = array<i32>} : memref<64x128xf32, #tpu.memory_space<vmem>>, vector<16xf32>,
            tpu.vector_store %arg14[%parallel_loop3A_224, %parallel_loop3A_225], %parallel_loop3A_223 {strides = array<i32>} : memref<64x128xf32, #tpu.memory_space<vmem>>, vector<16xf32>,
            %parallel_loop3A_227 = arith.constant 2 : i32
            %parallel_loop3A_228 = arith.muli %parallel_loop3A_227, %parallel_loop3A_198 : i32
            %parallel_loop3A_229 = arith.constant 1 : i32
            %parallel_loop3A_230 = arith.addi %parallel_loop3A_228, %parallel_loop3A_229 : i32
            %parallel_loop3A_231 = arith.index_cast %parallel_loop3A_230 : i32 to index
            %parallel_loop3A_232 = arith.constant 0 : index
            %parallel_loop3A_233 = tpu.vector_load %arg10[%parallel_loop3A_231, %parallel_loop3A_232] {strides = array<i32>} : memref<128x128xf32, #tpu.memory_space<vmem>>, vector<16xf32>,
            %parallel_loop3A_234 = arith.index_cast %parallel_loop3A_198 : i32 to index
            %parallel_loop3A_235 = arith.constant 64 : index
            %parallel_loop3A_236 = tpu.vector_load %arg14[%parallel_loop3A_234, %parallel_loop3A_235] {strides = array<i32>} : memref<64x128xf32, #tpu.memory_space<vmem>>, vector<16xf32>,
            tpu.vector_store %arg14[%parallel_loop3A_234, %parallel_loop3A_235], %parallel_loop3A_233 {strides = array<i32>} : memref<64x128xf32, #tpu.memory_space<vmem>>, vector<16xf32>,
            %parallel_loop3A_237 = arith.index_cast %parallel_loop3A_230 : i32 to index
            %parallel_loop3A_238 = arith.constant 16 : index
            %parallel_loop3A_239 = tpu.vector_load %arg10[%parallel_loop3A_237, %parallel_loop3A_238] {strides = array<i32>} : memref<128x128xf32, #tpu.memory_space<vmem>>, vector<16xf32>,
            %parallel_loop3A_240 = arith.index_cast %parallel_loop3A_198 : i32 to index
            %parallel_loop3A_241 = arith.constant 80 : index
            %parallel_loop3A_242 = tpu.vector_load %arg14[%parallel_loop3A_240, %parallel_loop3A_241] {strides = array<i32>} : memref<64x128xf32, #tpu.memory_space<vmem>>, vector<16xf32>,
            tpu.vector_store %arg14[%parallel_loop3A_240, %parallel_loop3A_241], %parallel_loop3A_239 {strides = array<i32>} : memref<64x128xf32, #tpu.memory_space<vmem>>, vector<16xf32>,
            %parallel_loop3A_243 = arith.index_cast %parallel_loop3A_230 : i32 to index
            %parallel_loop3A_244 = arith.constant 32 : index
            %parallel_loop3A_245 = tpu.vector_load %arg10[%parallel_loop3A_243, %parallel_loop3A_244] {strides = array<i32>} : memref<128x128xf32, #tpu.memory_space<vmem>>, vector<16xf32>,
            %parallel_loop3A_246 = arith.index_cast %parallel_loop3A_198 : i32 to index
            %parallel_loop3A_247 = arith.constant 96 : index
            %parallel_loop3A_248 = tpu.vector_load %arg14[%parallel_loop3A_246, %parallel_loop3A_247] {strides = array<i32>} : memref<64x128xf32, #tpu.memory_space<vmem>>, vector<16xf32>,
            tpu.vector_store %arg14[%parallel_loop3A_246, %parallel_loop3A_247], %parallel_loop3A_245 {strides = array<i32>} : memref<64x128xf32, #tpu.memory_space<vmem>>, vector<16xf32>,
            %parallel_loop3A_249 = arith.index_cast %parallel_loop3A_230 : i32 to index
            %parallel_loop3A_250 = arith.constant 48 : index
            %parallel_loop3A_251 = tpu.vector_load %arg10[%parallel_loop3A_249, %parallel_loop3A_250] {strides = array<i32>} : memref<128x128xf32, #tpu.memory_space<vmem>>, vector<16xf32>,
            %parallel_loop3A_252 = arith.index_cast %parallel_loop3A_198 : i32 to index
            %parallel_loop3A_253 = arith.constant 112 : index
            %parallel_loop3A_254 = tpu.vector_load %arg14[%parallel_loop3A_252, %parallel_loop3A_253] {strides = array<i32>} : memref<64x128xf32, #tpu.memory_space<vmem>>, vector<16xf32>,
            tpu.vector_store %arg14[%parallel_loop3A_252, %parallel_loop3A_253], %parallel_loop3A_251 {strides = array<i32>} : memref<64x128xf32, #tpu.memory_space<vmem>>, vector<16xf32>,
          } {sc.loop_unroll_factor = 4 : i64, sc.parallel_access}
        } else {
        }
        %sub3A_185 = arith.constant 1 : i32
        %sub3A_186 = arith.subi %add3A_116, %sub3A_185 : i32
        %mul3A_187 = arith.constant 32 : i32
        %mul3A_188 = arith.muli %sub3A_186, %mul3A_187 : i32
        %add3A_189 = arith.addi %add3A, %mul3A_188 : i32
        %mul3A_190 = arith.constant 64 : i32
        %mul3A_191 = arith.muli %add3A_189, %mul3A_190 : i32
        %dma_start3A_192 = arith.constant 0 : i32
        %dma_start3A_193 = tpu.memref_slice %arg5[%mul3A_191, %dma_start3A_192] : memref<500000x128xf32, #tpu.memory_space<hbm>> -> memref<64x128xf32, #tpu.memory_space<hbm>>
        %dma_start3A_194 = arith.constant 0 : i32
        %dma_start3A_195 = tpu.memref_slice %arg5[%mul3A_191, %dma_start3A_194] : memref<500000x128xf32, #tpu.memory_space<hbm>> -> memref<64x128xf32, #tpu.memory_space<hbm>>
        tpu.enqueue_dma source(%arg14 : memref<64x128xf32, #tpu.memory_space<vmem>>) target(%dma_start3A_195 : memref<64x128xf32, #tpu.memory_space<hbm>>) target_semaphore(%arg20 : memref<!tpu.dma_semaphore, #tpu.memory_space<semaphore_mem>>)
      } else {
      }
      %add3A_143 = arith.constant 1 : i32
      %add3A_144 = arith.addi %add3A_116, %add3A_143 : i32
      %mul3A_145 = arith.constant 32 : i32
      %mul3A_146 = arith.muli %add3A_144, %mul3A_145 : i32
      %add3A_147 = arith.addi %add3A, %mul3A_146 : i32
      %lt3A_148 = arith.constant 7812 : i32
      %lt3A_149 = arith.cmpi slt, %add3A_147, %lt3A_148 : i32
      %convert_element_type3A_150 = arith.extui %lt3A_149 : i1 to i32
      %cond3A_151 = arith.constant 0 : i32
      %cond3A_152 = arith.cmpi ne, %convert_element_type3A_150, %cond3A_151 : i32
      scf.if %cond3A_152 {
        %add3A_153 = arith.constant 1 : i32
        %add3A_154 = arith.addi %add3A_116, %add3A_153 : i32
        %mul3A_155 = arith.constant 32 : i32
        %mul3A_156 = arith.muli %add3A_154, %mul3A_155 : i32
        %add3A_157 = arith.addi %add3A, %mul3A_156 : i32
        %mul3A_158 = arith.constant 128 : i32
        %mul3A_159 = arith.muli %add3A_157, %mul3A_158 : i32
        %dma_start3A_160 = tpu.memref_slice %arg3[%mul3A_159] : memref<1000000xi32, #tpu.memory_space<hbm>> -> memref<128xi32, #tpu.memory_space<hbm>>
        %dma_start3A_161 = tpu.memref_slice %arg3[%mul3A_159] : memref<1000000xi32, #tpu.memory_space<hbm>> -> memref<128xi32, #tpu.memory_space<hbm>>
        tpu.enqueue_dma source(%dma_start3A_161 : memref<128xi32, #tpu.memory_space<hbm>>) target(%arg6 : memref<128xi32, #tpu.memory_space<vmem>>) target_semaphore(%arg16 : memref<!tpu.dma_semaphore, #tpu.memory_space<semaphore_mem>>)
        %dma_start3A_162 = tpu.memref_slice %arg4[%mul3A_159] : memref<1000000xi32, #tpu.memory_space<hbm>> -> memref<128xi32, #tpu.memory_space<hbm>>
        %dma_start3A_163 = tpu.memref_slice %arg4[%mul3A_159] : memref<1000000xi32, #tpu.memory_space<hbm>> -> memref<128xi32, #tpu.memory_space<hbm>>
        tpu.enqueue_dma source(%dma_start3A_163 : memref<128xi32, #tpu.memory_space<hbm>>) target(%arg8 : memref<128xi32, #tpu.memory_space<vmem>>) target_semaphore(%arg16 : memref<!tpu.dma_semaphore, #tpu.memory_space<semaphore_mem>>)
      } else {
      }
    }
    %scan3A_12 = arith.constant 122 : i32
    %add3A_13 = arith.constant 7776 : i32
    %add3A_14 = arith.addi %add3A, %add3A_13 : i32
    %dma_wait3A = arith.constant 0 : i32
    %dma_wait3A_15 = arith.constant 0 : i32
    %dma_wait3A_16 = tpu.memref_slice %arg2[%dma_wait3A, %dma_wait3A_15] : memref<202000x128xf32, #tpu.memory_space<hbm>> -> memref<202000x128xf32, #tpu.memory_space<hbm>>
    tpu.wait_indirect_dma semaphore(%arg19 : memref<!tpu.dma_semaphore, #tpu.memory_space<semaphore_mem>>) src(%dma_wait3A_16 : memref<202000x128xf32, #tpu.memory_space<hbm>>) dst(%arg11 : memref<128x128xf32, #tpu.memory_space<vmem>>)
    %lt3A = arith.constant 3907 : i32
    %lt3A_17 = arith.cmpi slt, %add3A_14, %lt3A : i32
    %convert_element_type3A = arith.extui %lt3A_17 : i1 to i32
    %cond3A = arith.constant 0 : i32
    %cond3A_18 = arith.cmpi ne, %convert_element_type3A, %cond3A : i32
    scf.if %cond3A_18 {
      %dma_wait3A_74 = arith.constant 0 : i32
      %dma_wait3A_75 = arith.constant 0 : i32
      %dma_wait3A_76 = tpu.memref_slice %arg2[%dma_wait3A_74, %dma_wait3A_75] : memref<202000x128xf32, #tpu.memory_space<hbm>> -> memref<202000x128xf32, #tpu.memory_space<hbm>>
      tpu.wait_indirect_dma semaphore(%arg19 : memref<!tpu.dma_semaphore, #tpu.memory_space<semaphore_mem>>) src(%dma_wait3A_76 : memref<202000x128xf32, #tpu.memory_space<hbm>>) dst(%arg13 : memref<128x128xf32, #tpu.memory_space<vmem>>)
    } else {
    }
    %dma_wait3A_19 = arith.constant 0 : i32
    %dma_wait3A_20 = arith.constant 0 : i32
    %dma_wait3A_21 = tpu.memref_slice %arg5[%dma_wait3A_19, %dma_wait3A_20] : memref<500000x128xf32, #tpu.memory_space<hbm>> -> memref<64x128xf32, #tpu.memory_space<hbm>>
    %dma_wait3A_22 = arith.constant 0 : i32
    %dma_wait3A_23 = arith.constant 0 : i32
    %dma_wait3A_24 = tpu.memref_slice %arg5[%dma_wait3A_22, %dma_wait3A_23] : memref<500000x128xf32, #tpu.memory_space<hbm>> -> memref<64x128xf32, #tpu.memory_space<hbm>>
    tpu.wait_dma2 semaphore(%arg21 : memref<!tpu.dma_semaphore, #tpu.memory_space<semaphore_mem>>) src(%arg15 : memref<64x128xf32, #tpu.memory_space<vmem>>) dst(%dma_wait3A_24 : memref<64x128xf32, #tpu.memory_space<hbm>>)
    %add3A_25 = arith.constant 7776 : i32
    %add3A_26 = arith.addi %add3A, %add3A_25 : i32
    %lt3A_27 = arith.constant 3907 : i32
    %lt3A_28 = arith.cmpi slt, %add3A_26, %lt3A_27 : i32
    %convert_element_type3A_29 = arith.extui %lt3A_28 : i1 to i32
    %cond3A_30 = arith.constant 0 : i32
    %cond3A_31 = arith.cmpi ne, %convert_element_type3A_29, %cond3A_30 : i32
    scf.if %cond3A_31 {
      %parallel_loop3A = arith.constant 0 : i32
      %parallel_loop3A_74 = arith.constant 64 : i32
      %parallel_loop3A_75 = arith.constant 1 : i32
      scf.for %parallel_loop3A_76 = %parallel_loop3A to %parallel_loop3A_74 step %parallel_loop3A_75  : i32 {
        %parallel_loop3A_77 = arith.constant 2 : i32
        %parallel_loop3A_78 = arith.muli %parallel_loop3A_77, %parallel_loop3A_76 : i32
        %parallel_loop3A_79 = arith.constant 0 : i32
        %parallel_loop3A_80 = arith.addi %parallel_loop3A_78, %parallel_loop3A_79 : i32
        %parallel_loop3A_81 = arith.index_cast %parallel_loop3A_80 : i32 to index
        %parallel_loop3A_82 = arith.constant 0 : index
        %parallel_loop3A_83 = tpu.vector_load %arg11[%parallel_loop3A_81, %parallel_loop3A_82] {strides = array<i32>} : memref<128x128xf32, #tpu.memory_space<vmem>>, vector<16xf32>,
        %parallel_loop3A_84 = arith.index_cast %parallel_loop3A_80 : i32 to index
        %parallel_loop3A_85 = arith.constant 64 : index
        %parallel_loop3A_86 = tpu.vector_load %arg13[%parallel_loop3A_84, %parallel_loop3A_85] {strides = array<i32>} : memref<128x128xf32, #tpu.memory_space<vmem>>, vector<16xf32>,
        %parallel_loop3A_87 = arith.addf %parallel_loop3A_83, %parallel_loop3A_86 : vector<16xf32>
        %parallel_loop3A_88 = arith.index_cast %parallel_loop3A_76 : i32 to index
        %parallel_loop3A_89 = arith.constant 0 : index
        %parallel_loop3A_90 = tpu.vector_load %arg15[%parallel_loop3A_88, %parallel_loop3A_89] {strides = array<i32>} : memref<64x128xf32, #tpu.memory_space<vmem>>, vector<16xf32>,
        tpu.vector_store %arg15[%parallel_loop3A_88, %parallel_loop3A_89], %parallel_loop3A_87 {strides = array<i32>} : memref<64x128xf32, #tpu.memory_space<vmem>>, vector<16xf32>,
        %parallel_loop3A_91 = arith.index_cast %parallel_loop3A_80 : i32 to index
        %parallel_loop3A_92 = arith.constant 16 : index
        %parallel_loop3A_93 = tpu.vector_load %arg11[%parallel_loop3A_91, %parallel_loop3A_92] {strides = array<i32>} : memref<128x128xf32, #tpu.memory_space<vmem>>, vector<16xf32>,
        %parallel_loop3A_94 = arith.index_cast %parallel_loop3A_80 : i32 to index
        %parallel_loop3A_95 = arith.constant 80 : index
        %parallel_loop3A_96 = tpu.vector_load %arg13[%parallel_loop3A_94, %parallel_loop3A_95] {strides = array<i32>} : memref<128x128xf32, #tpu.memory_space<vmem>>, vector<16xf32>,
        %parallel_loop3A_97 = arith.addf %parallel_loop3A_93, %parallel_loop3A_96 : vector<16xf32>
        %parallel_loop3A_98 = arith.index_cast %parallel_loop3A_76 : i32 to index
        %parallel_loop3A_99 = arith.constant 16 : index
        %parallel_loop3A_100 = tpu.vector_load %arg15[%parallel_loop3A_98, %parallel_loop3A_99] {strides = array<i32>} : memref<64x128xf32, #tpu.memory_space<vmem>>, vector<16xf32>,
        tpu.vector_store %arg15[%parallel_loop3A_98, %parallel_loop3A_99], %parallel_loop3A_97 {strides = array<i32>} : memref<64x128xf32, #tpu.memory_space<vmem>>, vector<16xf32>,
        %parallel_loop3A_101 = arith.index_cast %parallel_loop3A_80 : i32 to index
        %parallel_loop3A_102 = arith.constant 32 : index
        %parallel_loop3A_103 = tpu.vector_load %arg11[%parallel_loop3A_101, %parallel_loop3A_102] {strides = array<i32>} : memref<128x128xf32, #tpu.memory_space<vmem>>, vector<16xf32>,
        %parallel_loop3A_104 = arith.index_cast %parallel_loop3A_80 : i32 to index
        %parallel_loop3A_105 = arith.constant 96 : index
        %parallel_loop3A_106 = tpu.vector_load %arg13[%parallel_loop3A_104, %parallel_loop3A_105] {strides = array<i32>} : memref<128x128xf32, #tpu.memory_space<vmem>>, vector<16xf32>,
        %parallel_loop3A_107 = arith.addf %parallel_loop3A_103, %parallel_loop3A_106 : vector<16xf32>
        %parallel_loop3A_108 = arith.index_cast %parallel_loop3A_76 : i32 to index
        %parallel_loop3A_109 = arith.constant 32 : index
        %parallel_loop3A_110 = tpu.vector_load %arg15[%parallel_loop3A_108, %parallel_loop3A_109] {strides = array<i32>} : memref<64x128xf32, #tpu.memory_space<vmem>>, vector<16xf32>,
        tpu.vector_store %arg15[%parallel_loop3A_108, %parallel_loop3A_109], %parallel_loop3A_107 {strides = array<i32>} : memref<64x128xf32, #tpu.memory_space<vmem>>, vector<16xf32>,
        %parallel_loop3A_111 = arith.index_cast %parallel_loop3A_80 : i32 to index
        %parallel_loop3A_112 = arith.constant 48 : index
        %parallel_loop3A_113 = tpu.vector_load %arg11[%parallel_loop3A_111, %parallel_loop3A_112] {strides = array<i32>} : memref<128x128xf32, #tpu.memory_space<vmem>>, vector<16xf32>,
        %parallel_loop3A_114 = arith.index_cast %parallel_loop3A_80 : i32 to index
        %parallel_loop3A_115 = arith.constant 112 : index
        %parallel_loop3A_116 = tpu.vector_load %arg13[%parallel_loop3A_114, %parallel_loop3A_115] {strides = array<i32>} : memref<128x128xf32, #tpu.memory_space<vmem>>, vector<16xf32>,
        %parallel_loop3A_117 = arith.addf %parallel_loop3A_113, %parallel_loop3A_116 : vector<16xf32>
        %parallel_loop3A_118 = arith.index_cast %parallel_loop3A_76 : i32 to index
        %parallel_loop3A_119 = arith.constant 48 : index
        %parallel_loop3A_120 = tpu.vector_load %arg15[%parallel_loop3A_118, %parallel_loop3A_119] {strides = array<i32>} : memref<64x128xf32, #tpu.memory_space<vmem>>, vector<16xf32>,
        tpu.vector_store %arg15[%parallel_loop3A_118, %parallel_loop3A_119], %parallel_loop3A_117 {strides = array<i32>} : memref<64x128xf32, #tpu.memory_space<vmem>>, vector<16xf32>,
        %parallel_loop3A_121 = arith.constant 2 : i32
        %parallel_loop3A_122 = arith.muli %parallel_loop3A_121, %parallel_loop3A_76 : i32
        %parallel_loop3A_123 = arith.constant 1 : i32
        %parallel_loop3A_124 = arith.addi %parallel_loop3A_122, %parallel_loop3A_123 : i32
        %parallel_loop3A_125 = arith.index_cast %parallel_loop3A_124 : i32 to index
        %parallel_loop3A_126 = arith.constant 0 : index
        %parallel_loop3A_127 = tpu.vector_load %arg11[%parallel_loop3A_125, %parallel_loop3A_126] {strides = array<i32>} : memref<128x128xf32, #tpu.memory_space<vmem>>, vector<16xf32>,
        %parallel_loop3A_128 = arith.index_cast %parallel_loop3A_124 : i32 to index
        %parallel_loop3A_129 = arith.constant 64 : index
        %parallel_loop3A_130 = tpu.vector_load %arg13[%parallel_loop3A_128, %parallel_loop3A_129] {strides = array<i32>} : memref<128x128xf32, #tpu.memory_space<vmem>>, vector<16xf32>,
        %parallel_loop3A_131 = arith.addf %parallel_loop3A_127, %parallel_loop3A_130 : vector<16xf32>
        %parallel_loop3A_132 = arith.index_cast %parallel_loop3A_76 : i32 to index
        %parallel_loop3A_133 = arith.constant 64 : index
        %parallel_loop3A_134 = tpu.vector_load %arg15[%parallel_loop3A_132, %parallel_loop3A_133] {strides = array<i32>} : memref<64x128xf32, #tpu.memory_space<vmem>>, vector<16xf32>,
        tpu.vector_store %arg15[%parallel_loop3A_132, %parallel_loop3A_133], %parallel_loop3A_131 {strides = array<i32>} : memref<64x128xf32, #tpu.memory_space<vmem>>, vector<16xf32>,
        %parallel_loop3A_135 = arith.index_cast %parallel_loop3A_124 : i32 to index
        %parallel_loop3A_136 = arith.constant 16 : index
        %parallel_loop3A_137 = tpu.vector_load %arg11[%parallel_loop3A_135, %parallel_loop3A_136] {strides = array<i32>} : memref<128x128xf32, #tpu.memory_space<vmem>>, vector<16xf32>,
        %parallel_loop3A_138 = arith.index_cast %parallel_loop3A_124 : i32 to index
        %parallel_loop3A_139 = arith.constant 80 : index
        %parallel_loop3A_140 = tpu.vector_load %arg13[%parallel_loop3A_138, %parallel_loop3A_139] {strides = array<i32>} : memref<128x128xf32, #tpu.memory_space<vmem>>, vector<16xf32>,
        %parallel_loop3A_141 = arith.addf %parallel_loop3A_137, %parallel_loop3A_140 : vector<16xf32>
        %parallel_loop3A_142 = arith.index_cast %parallel_loop3A_76 : i32 to index
        %parallel_loop3A_143 = arith.constant 80 : index
        %parallel_loop3A_144 = tpu.vector_load %arg15[%parallel_loop3A_142, %parallel_loop3A_143] {strides = array<i32>} : memref<64x128xf32, #tpu.memory_space<vmem>>, vector<16xf32>,
        tpu.vector_store %arg15[%parallel_loop3A_142, %parallel_loop3A_143], %parallel_loop3A_141 {strides = array<i32>} : memref<64x128xf32, #tpu.memory_space<vmem>>, vector<16xf32>,
        %parallel_loop3A_145 = arith.index_cast %parallel_loop3A_124 : i32 to index
        %parallel_loop3A_146 = arith.constant 32 : index
        %parallel_loop3A_147 = tpu.vector_load %arg11[%parallel_loop3A_145, %parallel_loop3A_146] {strides = array<i32>} : memref<128x128xf32, #tpu.memory_space<vmem>>, vector<16xf32>,
        %parallel_loop3A_148 = arith.index_cast %parallel_loop3A_124 : i32 to index
        %parallel_loop3A_149 = arith.constant 96 : index
        %parallel_loop3A_150 = tpu.vector_load %arg13[%parallel_loop3A_148, %parallel_loop3A_149] {strides = array<i32>} : memref<128x128xf32, #tpu.memory_space<vmem>>, vector<16xf32>,
        %parallel_loop3A_151 = arith.addf %parallel_loop3A_147, %parallel_loop3A_150 : vector<16xf32>
        %parallel_loop3A_152 = arith.index_cast %parallel_loop3A_76 : i32 to index
        %parallel_loop3A_153 = arith.constant 96 : index
        %parallel_loop3A_154 = tpu.vector_load %arg15[%parallel_loop3A_152, %parallel_loop3A_153] {strides = array<i32>} : memref<64x128xf32, #tpu.memory_space<vmem>>, vector<16xf32>,
        tpu.vector_store %arg15[%parallel_loop3A_152, %parallel_loop3A_153], %parallel_loop3A_151 {strides = array<i32>} : memref<64x128xf32, #tpu.memory_space<vmem>>, vector<16xf32>,
        %parallel_loop3A_155 = arith.index_cast %parallel_loop3A_124 : i32 to index
        %parallel_loop3A_156 = arith.constant 48 : index
        %parallel_loop3A_157 = tpu.vector_load %arg11[%parallel_loop3A_155, %parallel_loop3A_156] {strides = array<i32>} : memref<128x128xf32, #tpu.memory_space<vmem>>, vector<16xf32>,
        %parallel_loop3A_158 = arith.index_cast %parallel_loop3A_124 : i32 to index
        %parallel_loop3A_159 = arith.constant 112 : index
        %parallel_loop3A_160 = tpu.vector_load %arg13[%parallel_loop3A_158, %parallel_loop3A_159] {strides = array<i32>} : memref<128x128xf32, #tpu.memory_space<vmem>>, vector<16xf32>,
        %parallel_loop3A_161 = arith.addf %parallel_loop3A_157, %parallel_loop3A_160 : vector<16xf32>
        %parallel_loop3A_162 = arith.index_cast %parallel_loop3A_76 : i32 to index
        %parallel_loop3A_163 = arith.constant 112 : index
        %parallel_loop3A_164 = tpu.vector_load %arg15[%parallel_loop3A_162, %parallel_loop3A_163] {strides = array<i32>} : memref<64x128xf32, #tpu.memory_space<vmem>>, vector<16xf32>,
        tpu.vector_store %arg15[%parallel_loop3A_162, %parallel_loop3A_163], %parallel_loop3A_161 {strides = array<i32>} : memref<64x128xf32, #tpu.memory_space<vmem>>, vector<16xf32>,
      } {sc.loop_unroll_factor = 4 : i64, sc.parallel_access}
    } else {
    }
    %ge3A = arith.constant 3907 : i32
    %ge3A_32 = arith.cmpi sge, %add3A_26, %ge3A : i32
    %convert_element_type3A_33 = arith.extui %ge3A_32 : i1 to i32
    %cond3A_34 = arith.constant 0 : i32
    %cond3A_35 = arith.cmpi ne, %convert_element_type3A_33, %cond3A_34 : i32
    scf.if %cond3A_35 {
      %parallel_loop3A = arith.constant 0 : i32
      %parallel_loop3A_74 = arith.constant 64 : i32
      %parallel_loop3A_75 = arith.constant 1 : i32
      scf.for %parallel_loop3A_76 = %parallel_loop3A to %parallel_loop3A_74 step %parallel_loop3A_75  : i32 {
        %parallel_loop3A_77 = arith.constant 2 : i32
        %parallel_loop3A_78 = arith.muli %parallel_loop3A_77, %parallel_loop3A_76 : i32
        %parallel_loop3A_79 = arith.constant 0 : i32
        %parallel_loop3A_80 = arith.addi %parallel_loop3A_78, %parallel_loop3A_79 : i32
        %parallel_loop3A_81 = arith.index_cast %parallel_loop3A_80 : i32 to index
        %parallel_loop3A_82 = arith.constant 0 : index
        %parallel_loop3A_83 = tpu.vector_load %arg11[%parallel_loop3A_81, %parallel_loop3A_82] {strides = array<i32>} : memref<128x128xf32, #tpu.memory_space<vmem>>, vector<16xf32>,
        %parallel_loop3A_84 = arith.index_cast %parallel_loop3A_76 : i32 to index
        %parallel_loop3A_85 = arith.constant 0 : index
        %parallel_loop3A_86 = tpu.vector_load %arg15[%parallel_loop3A_84, %parallel_loop3A_85] {strides = array<i32>} : memref<64x128xf32, #tpu.memory_space<vmem>>, vector<16xf32>,
        tpu.vector_store %arg15[%parallel_loop3A_84, %parallel_loop3A_85], %parallel_loop3A_83 {strides = array<i32>} : memref<64x128xf32, #tpu.memory_space<vmem>>, vector<16xf32>,
        %parallel_loop3A_87 = arith.index_cast %parallel_loop3A_80 : i32 to index
        %parallel_loop3A_88 = arith.constant 16 : index
        %parallel_loop3A_89 = tpu.vector_load %arg11[%parallel_loop3A_87, %parallel_loop3A_88] {strides = array<i32>} : memref<128x128xf32, #tpu.memory_space<vmem>>, vector<16xf32>,
        %parallel_loop3A_90 = arith.index_cast %parallel_loop3A_76 : i32 to index
        %parallel_loop3A_91 = arith.constant 16 : index
        %parallel_loop3A_92 = tpu.vector_load %arg15[%parallel_loop3A_90, %parallel_loop3A_91] {strides = array<i32>} : memref<64x128xf32, #tpu.memory_space<vmem>>, vector<16xf32>,
        tpu.vector_store %arg15[%parallel_loop3A_90, %parallel_loop3A_91], %parallel_loop3A_89 {strides = array<i32>} : memref<64x128xf32, #tpu.memory_space<vmem>>, vector<16xf32>,
        %parallel_loop3A_93 = arith.index_cast %parallel_loop3A_80 : i32 to index
        %parallel_loop3A_94 = arith.constant 32 : index
        %parallel_loop3A_95 = tpu.vector_load %arg11[%parallel_loop3A_93, %parallel_loop3A_94] {strides = array<i32>} : memref<128x128xf32, #tpu.memory_space<vmem>>, vector<16xf32>,
        %parallel_loop3A_96 = arith.index_cast %parallel_loop3A_76 : i32 to index
        %parallel_loop3A_97 = arith.constant 32 : index
        %parallel_loop3A_98 = tpu.vector_load %arg15[%parallel_loop3A_96, %parallel_loop3A_97] {strides = array<i32>} : memref<64x128xf32, #tpu.memory_space<vmem>>, vector<16xf32>,
        tpu.vector_store %arg15[%parallel_loop3A_96, %parallel_loop3A_97], %parallel_loop3A_95 {strides = array<i32>} : memref<64x128xf32, #tpu.memory_space<vmem>>, vector<16xf32>,
        %parallel_loop3A_99 = arith.index_cast %parallel_loop3A_80 : i32 to index
        %parallel_loop3A_100 = arith.constant 48 : index
        %parallel_loop3A_101 = tpu.vector_load %arg11[%parallel_loop3A_99, %parallel_loop3A_100] {strides = array<i32>} : memref<128x128xf32, #tpu.memory_space<vmem>>, vector<16xf32>,
        %parallel_loop3A_102 = arith.index_cast %parallel_loop3A_76 : i32 to index
        %parallel_loop3A_103 = arith.constant 48 : index
        %parallel_loop3A_104 = tpu.vector_load %arg15[%parallel_loop3A_102, %parallel_loop3A_103] {strides = array<i32>} : memref<64x128xf32, #tpu.memory_space<vmem>>, vector<16xf32>,
        tpu.vector_store %arg15[%parallel_loop3A_102, %parallel_loop3A_103], %parallel_loop3A_101 {strides = array<i32>} : memref<64x128xf32, #tpu.memory_space<vmem>>, vector<16xf32>,
        %parallel_loop3A_105 = arith.constant 2 : i32
        %parallel_loop3A_106 = arith.muli %parallel_loop3A_105, %parallel_loop3A_76 : i32
        %parallel_loop3A_107 = arith.constant 1 : i32
        %parallel_loop3A_108 = arith.addi %parallel_loop3A_106, %parallel_loop3A_107 : i32
        %parallel_loop3A_109 = arith.index_cast %parallel_loop3A_108 : i32 to index
        %parallel_loop3A_110 = arith.constant 0 : index
        %parallel_loop3A_111 = tpu.vector_load %arg11[%parallel_loop3A_109, %parallel_loop3A_110] {strides = array<i32>} : memref<128x128xf32, #tpu.memory_space<vmem>>, vector<16xf32>,
        %parallel_loop3A_112 = arith.index_cast %parallel_loop3A_76 : i32 to index
        %parallel_loop3A_113 = arith.constant 64 : index
        %parallel_loop3A_114 = tpu.vector_load %arg15[%parallel_loop3A_112, %parallel_loop3A_113] {strides = array<i32>} : memref<64x128xf32, #tpu.memory_space<vmem>>, vector<16xf32>,
        tpu.vector_store %arg15[%parallel_loop3A_112, %parallel_loop3A_113], %parallel_loop3A_111 {strides = array<i32>} : memref<64x128xf32, #tpu.memory_space<vmem>>, vector<16xf32>,
        %parallel_loop3A_115 = arith.index_cast %parallel_loop3A_108 : i32 to index
        %parallel_loop3A_116 = arith.constant 16 : index
        %parallel_loop3A_117 = tpu.vector_load %arg11[%parallel_loop3A_115, %parallel_loop3A_116] {strides = array<i32>} : memref<128x128xf32, #tpu.memory_space<vmem>>, vector<16xf32>,
        %parallel_loop3A_118 = arith.index_cast %parallel_loop3A_76 : i32 to index
        %parallel_loop3A_119 = arith.constant 80 : index
        %parallel_loop3A_120 = tpu.vector_load %arg15[%parallel_loop3A_118, %parallel_loop3A_119] {strides = array<i32>} : memref<64x128xf32, #tpu.memory_space<vmem>>, vector<16xf32>,
        tpu.vector_store %arg15[%parallel_loop3A_118, %parallel_loop3A_119], %parallel_loop3A_117 {strides = array<i32>} : memref<64x128xf32, #tpu.memory_space<vmem>>, vector<16xf32>,
        %parallel_loop3A_121 = arith.index_cast %parallel_loop3A_108 : i32 to index
        %parallel_loop3A_122 = arith.constant 32 : index
        %parallel_loop3A_123 = tpu.vector_load %arg11[%parallel_loop3A_121, %parallel_loop3A_122] {strides = array<i32>} : memref<128x128xf32, #tpu.memory_space<vmem>>, vector<16xf32>,
        %parallel_loop3A_124 = arith.index_cast %parallel_loop3A_76 : i32 to index
        %parallel_loop3A_125 = arith.constant 96 : index
        %parallel_loop3A_126 = tpu.vector_load %arg15[%parallel_loop3A_124, %parallel_loop3A_125] {strides = array<i32>} : memref<64x128xf32, #tpu.memory_space<vmem>>, vector<16xf32>,
        tpu.vector_store %arg15[%parallel_loop3A_124, %parallel_loop3A_125], %parallel_loop3A_123 {strides = array<i32>} : memref<64x128xf32, #tpu.memory_space<vmem>>, vector<16xf32>,
        %parallel_loop3A_127 = arith.index_cast %parallel_loop3A_108 : i32 to index
        %parallel_loop3A_128 = arith.constant 48 : index
        %parallel_loop3A_129 = tpu.vector_load %arg11[%parallel_loop3A_127, %parallel_loop3A_128] {strides = array<i32>} : memref<128x128xf32, #tpu.memory_space<vmem>>, vector<16xf32>,
        %parallel_loop3A_130 = arith.index_cast %parallel_loop3A_76 : i32 to index
        %parallel_loop3A_131 = arith.constant 112 : index
        %parallel_loop3A_132 = tpu.vector_load %arg15[%parallel_loop3A_130, %parallel_loop3A_131] {strides = array<i32>} : memref<64x128xf32, #tpu.memory_space<vmem>>, vector<16xf32>,
        tpu.vector_store %arg15[%parallel_loop3A_130, %parallel_loop3A_131], %parallel_loop3A_129 {strides = array<i32>} : memref<64x128xf32, #tpu.memory_space<vmem>>, vector<16xf32>,
      } {sc.loop_unroll_factor = 4 : i64, sc.parallel_access}
    } else {
    }
    %add3A_36 = arith.constant 7776 : i32
    %add3A_37 = arith.addi %add3A, %add3A_36 : i32
    %mul3A_38 = arith.constant 64 : i32
    %mul3A_39 = arith.muli %add3A_37, %mul3A_38 : i32
    %dma_start3A_40 = arith.constant 0 : i32
    %dma_start3A_41 = tpu.memref_slice %arg5[%mul3A_39, %dma_start3A_40] : memref<500000x128xf32, #tpu.memory_space<hbm>> -> memref<64x128xf32, #tpu.memory_space<hbm>>
    %dma_start3A_42 = arith.constant 0 : i32
    %dma_start3A_43 = tpu.memref_slice %arg5[%mul3A_39, %dma_start3A_42] : memref<500000x128xf32, #tpu.memory_space<hbm>> -> memref<64x128xf32, #tpu.memory_space<hbm>>
    tpu.enqueue_dma source(%arg15 : memref<64x128xf32, #tpu.memory_space<vmem>>) target(%dma_start3A_43 : memref<64x128xf32, #tpu.memory_space<hbm>>) target_semaphore(%arg21 : memref<!tpu.dma_semaphore, #tpu.memory_space<semaphore_mem>>)
    %add3A_44 = arith.constant 7808 : i32
    %add3A_45 = arith.addi %add3A, %add3A_44 : i32
    %lt3A_46 = arith.constant 7812 : i32
    %lt3A_47 = arith.cmpi slt, %add3A_45, %lt3A_46 : i32
    %convert_element_type3A_48 = arith.extui %lt3A_47 : i1 to i32
    %cond3A_49 = arith.constant 0 : i32
    %cond3A_50 = arith.cmpi ne, %convert_element_type3A_48, %cond3A_49 : i32
    scf.if %cond3A_50 {
      %dma_wait3A_74 = arith.constant 0 : i32
      %dma_wait3A_75 = tpu.memref_slice %arg3[%dma_wait3A_74] : memref<1000000xi32, #tpu.memory_space<hbm>> -> memref<128xi32, #tpu.memory_space<hbm>>
      %dma_wait3A_76 = arith.constant 0 : i32
      %dma_wait3A_77 = tpu.memref_slice %arg3[%dma_wait3A_76] : memref<1000000xi32, #tpu.memory_space<hbm>> -> memref<128xi32, #tpu.memory_space<hbm>>
      tpu.wait_dma2 semaphore(%arg16 : memref<!tpu.dma_semaphore, #tpu.memory_space<semaphore_mem>>) src(%dma_wait3A_77 : memref<128xi32, #tpu.memory_space<hbm>>) dst(%arg6 : memref<128xi32, #tpu.memory_space<vmem>>)
      %dma_wait3A_78 = arith.constant 0 : i32
      %dma_wait3A_79 = tpu.memref_slice %arg4[%dma_wait3A_78] : memref<1000000xi32, #tpu.memory_space<hbm>> -> memref<128xi32, #tpu.memory_space<hbm>>
      %dma_wait3A_80 = arith.constant 0 : i32
      %dma_wait3A_81 = tpu.memref_slice %arg4[%dma_wait3A_80] : memref<1000000xi32, #tpu.memory_space<hbm>> -> memref<128xi32, #tpu.memory_space<hbm>>
      tpu.wait_dma2 semaphore(%arg16 : memref<!tpu.dma_semaphore, #tpu.memory_space<semaphore_mem>>) src(%dma_wait3A_81 : memref<128xi32, #tpu.memory_space<hbm>>) dst(%arg8 : memref<128xi32, #tpu.memory_space<vmem>>)
      %add3A_82 = arith.constant 7808 : i32
      %add3A_83 = arith.addi %add3A, %add3A_82 : i32
      %lt3A_84 = arith.constant 3907 : i32
      %lt3A_85 = arith.cmpi slt, %add3A_83, %lt3A_84 : i32
      %convert_element_type3A_86 = arith.extui %lt3A_85 : i1 to i32
      %cond3A_87 = arith.constant 0 : i32
      %cond3A_88 = arith.cmpi ne, %convert_element_type3A_86, %cond3A_87 : i32
      scf.if %cond3A_88 {
        %dma_start3A_130 = arith.constant 0 : i32
        %dma_start3A_131 = arith.constant 0 : i32
        %dma_start3A_132 = tpu.memref_slice %arg2[%dma_start3A_130, %dma_start3A_131] : memref<202000x128xf32, #tpu.memory_space<hbm>> -> memref<202000x128xf32, #tpu.memory_space<hbm>>
        tpu.enqueue_indirect_dma source(%dma_start3A_132 : memref<202000x128xf32, #tpu.memory_space<hbm>>) target(%arg10 : memref<128x128xf32, #tpu.memory_space<vmem>>) offsets(%arg6 : memref<128xi32, #tpu.memory_space<vmem>>) semaphore(%arg18 : memref<!tpu.dma_semaphore, #tpu.memory_space<semaphore_mem>>)
        %dma_start3A_133 = arith.constant 0 : i32
        %dma_start3A_134 = arith.constant 0 : i32
        %dma_start3A_135 = tpu.memref_slice %arg2[%dma_start3A_133, %dma_start3A_134] : memref<202000x128xf32, #tpu.memory_space<hbm>> -> memref<202000x128xf32, #tpu.memory_space<hbm>>
        tpu.enqueue_indirect_dma source(%dma_start3A_135 : memref<202000x128xf32, #tpu.memory_space<hbm>>) target(%arg12 : memref<128x128xf32, #tpu.memory_space<vmem>>) offsets(%arg8 : memref<128xi32, #tpu.memory_space<vmem>>) semaphore(%arg18 : memref<!tpu.dma_semaphore, #tpu.memory_space<semaphore_mem>>)
      } else {
      }
      %ge3A_89 = arith.constant 3907 : i32
      %ge3A_90 = arith.cmpi sge, %add3A_83, %ge3A_89 : i32
      %convert_element_type3A_91 = arith.extui %ge3A_90 : i1 to i32
      %cond3A_92 = arith.constant 0 : i32
      %cond3A_93 = arith.cmpi ne, %convert_element_type3A_91, %cond3A_92 : i32
      scf.if %cond3A_93 {
        %dma_start3A_130 = arith.constant 0 : i32
        %dma_start3A_131 = arith.constant 0 : i32
        %dma_start3A_132 = tpu.memref_slice %arg2[%dma_start3A_130, %dma_start3A_131] : memref<202000x128xf32, #tpu.memory_space<hbm>> -> memref<202000x128xf32, #tpu.memory_space<hbm>>
        tpu.enqueue_indirect_dma source(%dma_start3A_132 : memref<202000x128xf32, #tpu.memory_space<hbm>>) target(%arg10 : memref<128x128xf32, #tpu.memory_space<vmem>>) offsets(%arg6 : memref<128xi32, #tpu.memory_space<vmem>>) semaphore(%arg18 : memref<!tpu.dma_semaphore, #tpu.memory_space<semaphore_mem>>)
      } else {
      }
      %add3A_94 = arith.constant 7808 : i32
      %add3A_95 = arith.addi %add3A, %add3A_94 : i32
      %dma_wait3A_96 = arith.constant 0 : i32
      %dma_wait3A_97 = arith.constant 0 : i32
      %dma_wait3A_98 = tpu.memref_slice %arg2[%dma_wait3A_96, %dma_wait3A_97] : memref<202000x128xf32, #tpu.memory_space<hbm>> -> memref<202000x128xf32, #tpu.memory_space<hbm>>
      tpu.wait_indirect_dma semaphore(%arg18 : memref<!tpu.dma_semaphore, #tpu.memory_space<semaphore_mem>>) src(%dma_wait3A_98 : memref<202000x128xf32, #tpu.memory_space<hbm>>) dst(%arg10 : memref<128x128xf32, #tpu.memory_space<vmem>>)
      %lt3A_99 = arith.constant 3907 : i32
      %lt3A_100 = arith.cmpi slt, %add3A_95, %lt3A_99 : i32
      %convert_element_type3A_101 = arith.extui %lt3A_100 : i1 to i32
      %cond3A_102 = arith.constant 0 : i32
      %cond3A_103 = arith.cmpi ne, %convert_element_type3A_101, %cond3A_102 : i32
      scf.if %cond3A_103 {
        %dma_wait3A_130 = arith.constant 0 : i32
        %dma_wait3A_131 = arith.constant 0 : i32
        %dma_wait3A_132 = tpu.memref_slice %arg2[%dma_wait3A_130, %dma_wait3A_131] : memref<202000x128xf32, #tpu.memory_space<hbm>> -> memref<202000x128xf32, #tpu.memory_space<hbm>>
        tpu.wait_indirect_dma semaphore(%arg18 : memref<!tpu.dma_semaphore, #tpu.memory_space<semaphore_mem>>) src(%dma_wait3A_132 : memref<202000x128xf32, #tpu.memory_space<hbm>>) dst(%arg12 : memref<128x128xf32, #tpu.memory_space<vmem>>)
      } else {
      }
      %dma_wait3A_104 = arith.constant 0 : i32
      %dma_wait3A_105 = arith.constant 0 : i32
      %dma_wait3A_106 = tpu.memref_slice %arg5[%dma_wait3A_104, %dma_wait3A_105] : memref<500000x128xf32, #tpu.memory_space<hbm>> -> memref<64x128xf32, #tpu.memory_space<hbm>>
      %dma_wait3A_107 = arith.constant 0 : i32
      %dma_wait3A_108 = arith.constant 0 : i32
      %dma_wait3A_109 = tpu.memref_slice %arg5[%dma_wait3A_107, %dma_wait3A_108] : memref<500000x128xf32, #tpu.memory_space<hbm>> -> memref<64x128xf32, #tpu.memory_space<hbm>>
      tpu.wait_dma2 semaphore(%arg20 : memref<!tpu.dma_semaphore, #tpu.memory_space<semaphore_mem>>) src(%arg14 : memref<64x128xf32, #tpu.memory_space<vmem>>) dst(%dma_wait3A_109 : memref<64x128xf32, #tpu.memory_space<hbm>>)
      %add3A_110 = arith.constant 7808 : i32
      %add3A_111 = arith.addi %add3A, %add3A_110 : i32
      %lt3A_112 = arith.constant 3907 : i32
      %lt3A_113 = arith.cmpi slt, %add3A_111, %lt3A_112 : i32
      %convert_element_type3A_114 = arith.extui %lt3A_113 : i1 to i32
      %cond3A_115 = arith.constant 0 : i32
      %cond3A_116 = arith.cmpi ne, %convert_element_type3A_114, %cond3A_115 : i32
      scf.if %cond3A_116 {
        %parallel_loop3A = arith.constant 0 : i32
        %parallel_loop3A_130 = arith.constant 64 : i32
        %parallel_loop3A_131 = arith.constant 1 : i32
        scf.for %parallel_loop3A_132 = %parallel_loop3A to %parallel_loop3A_130 step %parallel_loop3A_131  : i32 {
          %parallel_loop3A_133 = arith.constant 2 : i32
          %parallel_loop3A_134 = arith.muli %parallel_loop3A_133, %parallel_loop3A_132 : i32
          %parallel_loop3A_135 = arith.constant 0 : i32
          %parallel_loop3A_136 = arith.addi %parallel_loop3A_134, %parallel_loop3A_135 : i32
          %parallel_loop3A_137 = arith.index_cast %parallel_loop3A_136 : i32 to index
          %parallel_loop3A_138 = arith.constant 0 : index
          %parallel_loop3A_139 = tpu.vector_load %arg10[%parallel_loop3A_137, %parallel_loop3A_138] {strides = array<i32>} : memref<128x128xf32, #tpu.memory_space<vmem>>, vector<16xf32>,
          %parallel_loop3A_140 = arith.index_cast %parallel_loop3A_136 : i32 to index
          %parallel_loop3A_141 = arith.constant 64 : index
          %parallel_loop3A_142 = tpu.vector_load %arg12[%parallel_loop3A_140, %parallel_loop3A_141] {strides = array<i32>} : memref<128x128xf32, #tpu.memory_space<vmem>>, vector<16xf32>,
          %parallel_loop3A_143 = arith.addf %parallel_loop3A_139, %parallel_loop3A_142 : vector<16xf32>
          %parallel_loop3A_144 = arith.index_cast %parallel_loop3A_132 : i32 to index
          %parallel_loop3A_145 = arith.constant 0 : index
          %parallel_loop3A_146 = tpu.vector_load %arg14[%parallel_loop3A_144, %parallel_loop3A_145] {strides = array<i32>} : memref<64x128xf32, #tpu.memory_space<vmem>>, vector<16xf32>,
          tpu.vector_store %arg14[%parallel_loop3A_144, %parallel_loop3A_145], %parallel_loop3A_143 {strides = array<i32>} : memref<64x128xf32, #tpu.memory_space<vmem>>, vector<16xf32>,
          %parallel_loop3A_147 = arith.index_cast %parallel_loop3A_136 : i32 to index
          %parallel_loop3A_148 = arith.constant 16 : index
          %parallel_loop3A_149 = tpu.vector_load %arg10[%parallel_loop3A_147, %parallel_loop3A_148] {strides = array<i32>} : memref<128x128xf32, #tpu.memory_space<vmem>>, vector<16xf32>,
          %parallel_loop3A_150 = arith.index_cast %parallel_loop3A_136 : i32 to index
          %parallel_loop3A_151 = arith.constant 80 : index
          %parallel_loop3A_152 = tpu.vector_load %arg12[%parallel_loop3A_150, %parallel_loop3A_151] {strides = array<i32>} : memref<128x128xf32, #tpu.memory_space<vmem>>, vector<16xf32>,
          %parallel_loop3A_153 = arith.addf %parallel_loop3A_149, %parallel_loop3A_152 : vector<16xf32>
          %parallel_loop3A_154 = arith.index_cast %parallel_loop3A_132 : i32 to index
          %parallel_loop3A_155 = arith.constant 16 : index
          %parallel_loop3A_156 = tpu.vector_load %arg14[%parallel_loop3A_154, %parallel_loop3A_155] {strides = array<i32>} : memref<64x128xf32, #tpu.memory_space<vmem>>, vector<16xf32>,
          tpu.vector_store %arg14[%parallel_loop3A_154, %parallel_loop3A_155], %parallel_loop3A_153 {strides = array<i32>} : memref<64x128xf32, #tpu.memory_space<vmem>>, vector<16xf32>,
          %parallel_loop3A_157 = arith.index_cast %parallel_loop3A_136 : i32 to index
          %parallel_loop3A_158 = arith.constant 32 : index
          %parallel_loop3A_159 = tpu.vector_load %arg10[%parallel_loop3A_157, %parallel_loop3A_158] {strides = array<i32>} : memref<128x128xf32, #tpu.memory_space<vmem>>, vector<16xf32>,
          %parallel_loop3A_160 = arith.index_cast %parallel_loop3A_136 : i32 to index
          %parallel_loop3A_161 = arith.constant 96 : index
          %parallel_loop3A_162 = tpu.vector_load %arg12[%parallel_loop3A_160, %parallel_loop3A_161] {strides = array<i32>} : memref<128x128xf32, #tpu.memory_space<vmem>>, vector<16xf32>,
          %parallel_loop3A_163 = arith.addf %parallel_loop3A_159, %parallel_loop3A_162 : vector<16xf32>
          %parallel_loop3A_164 = arith.index_cast %parallel_loop3A_132 : i32 to index
          %parallel_loop3A_165 = arith.constant 32 : index
          %parallel_loop3A_166 = tpu.vector_load %arg14[%parallel_loop3A_164, %parallel_loop3A_165] {strides = array<i32>} : memref<64x128xf32, #tpu.memory_space<vmem>>, vector<16xf32>,
          tpu.vector_store %arg14[%parallel_loop3A_164, %parallel_loop3A_165], %parallel_loop3A_163 {strides = array<i32>} : memref<64x128xf32, #tpu.memory_space<vmem>>, vector<16xf32>,
          %parallel_loop3A_167 = arith.index_cast %parallel_loop3A_136 : i32 to index
          %parallel_loop3A_168 = arith.constant 48 : index
          %parallel_loop3A_169 = tpu.vector_load %arg10[%parallel_loop3A_167, %parallel_loop3A_168] {strides = array<i32>} : memref<128x128xf32, #tpu.memory_space<vmem>>, vector<16xf32>,
          %parallel_loop3A_170 = arith.index_cast %parallel_loop3A_136 : i32 to index
          %parallel_loop3A_171 = arith.constant 112 : index
          %parallel_loop3A_172 = tpu.vector_load %arg12[%parallel_loop3A_170, %parallel_loop3A_171] {strides = array<i32>} : memref<128x128xf32, #tpu.memory_space<vmem>>, vector<16xf32>,
          %parallel_loop3A_173 = arith.addf %parallel_loop3A_169, %parallel_loop3A_172 : vector<16xf32>
          %parallel_loop3A_174 = arith.index_cast %parallel_loop3A_132 : i32 to index
          %parallel_loop3A_175 = arith.constant 48 : index
          %parallel_loop3A_176 = tpu.vector_load %arg14[%parallel_loop3A_174, %parallel_loop3A_175] {strides = array<i32>} : memref<64x128xf32, #tpu.memory_space<vmem>>, vector<16xf32>,
          tpu.vector_store %arg14[%parallel_loop3A_174, %parallel_loop3A_175], %parallel_loop3A_173 {strides = array<i32>} : memref<64x128xf32, #tpu.memory_space<vmem>>, vector<16xf32>,
          %parallel_loop3A_177 = arith.constant 2 : i32
          %parallel_loop3A_178 = arith.muli %parallel_loop3A_177, %parallel_loop3A_132 : i32
          %parallel_loop3A_179 = arith.constant 1 : i32
          %parallel_loop3A_180 = arith.addi %parallel_loop3A_178, %parallel_loop3A_179 : i32
          %parallel_loop3A_181 = arith.index_cast %parallel_loop3A_180 : i32 to index
          %parallel_loop3A_182 = arith.constant 0 : index
          %parallel_loop3A_183 = tpu.vector_load %arg10[%parallel_loop3A_181, %parallel_loop3A_182] {strides = array<i32>} : memref<128x128xf32, #tpu.memory_space<vmem>>, vector<16xf32>,
          %parallel_loop3A_184 = arith.index_cast %parallel_loop3A_180 : i32 to index
          %parallel_loop3A_185 = arith.constant 64 : index
          %parallel_loop3A_186 = tpu.vector_load %arg12[%parallel_loop3A_184, %parallel_loop3A_185] {strides = array<i32>} : memref<128x128xf32, #tpu.memory_space<vmem>>, vector<16xf32>,
          %parallel_loop3A_187 = arith.addf %parallel_loop3A_183, %parallel_loop3A_186 : vector<16xf32>
          %parallel_loop3A_188 = arith.index_cast %parallel_loop3A_132 : i32 to index
          %parallel_loop3A_189 = arith.constant 64 : index
          %parallel_loop3A_190 = tpu.vector_load %arg14[%parallel_loop3A_188, %parallel_loop3A_189] {strides = array<i32>} : memref<64x128xf32, #tpu.memory_space<vmem>>, vector<16xf32>,
          tpu.vector_store %arg14[%parallel_loop3A_188, %parallel_loop3A_189], %parallel_loop3A_187 {strides = array<i32>} : memref<64x128xf32, #tpu.memory_space<vmem>>, vector<16xf32>,
          %parallel_loop3A_191 = arith.index_cast %parallel_loop3A_180 : i32 to index
          %parallel_loop3A_192 = arith.constant 16 : index
          %parallel_loop3A_193 = tpu.vector_load %arg10[%parallel_loop3A_191, %parallel_loop3A_192] {strides = array<i32>} : memref<128x128xf32, #tpu.memory_space<vmem>>, vector<16xf32>,
          %parallel_loop3A_194 = arith.index_cast %parallel_loop3A_180 : i32 to index
          %parallel_loop3A_195 = arith.constant 80 : index
          %parallel_loop3A_196 = tpu.vector_load %arg12[%parallel_loop3A_194, %parallel_loop3A_195] {strides = array<i32>} : memref<128x128xf32, #tpu.memory_space<vmem>>, vector<16xf32>,
          %parallel_loop3A_197 = arith.addf %parallel_loop3A_193, %parallel_loop3A_196 : vector<16xf32>
          %parallel_loop3A_198 = arith.index_cast %parallel_loop3A_132 : i32 to index
          %parallel_loop3A_199 = arith.constant 80 : index
          %parallel_loop3A_200 = tpu.vector_load %arg14[%parallel_loop3A_198, %parallel_loop3A_199] {strides = array<i32>} : memref<64x128xf32, #tpu.memory_space<vmem>>, vector<16xf32>,
          tpu.vector_store %arg14[%parallel_loop3A_198, %parallel_loop3A_199], %parallel_loop3A_197 {strides = array<i32>} : memref<64x128xf32, #tpu.memory_space<vmem>>, vector<16xf32>,
          %parallel_loop3A_201 = arith.index_cast %parallel_loop3A_180 : i32 to index
          %parallel_loop3A_202 = arith.constant 32 : index
          %parallel_loop3A_203 = tpu.vector_load %arg10[%parallel_loop3A_201, %parallel_loop3A_202] {strides = array<i32>} : memref<128x128xf32, #tpu.memory_space<vmem>>, vector<16xf32>,
          %parallel_loop3A_204 = arith.index_cast %parallel_loop3A_180 : i32 to index
          %parallel_loop3A_205 = arith.constant 96 : index
          %parallel_loop3A_206 = tpu.vector_load %arg12[%parallel_loop3A_204, %parallel_loop3A_205] {strides = array<i32>} : memref<128x128xf32, #tpu.memory_space<vmem>>, vector<16xf32>,
          %parallel_loop3A_207 = arith.addf %parallel_loop3A_203, %parallel_loop3A_206 : vector<16xf32>
          %parallel_loop3A_208 = arith.index_cast %parallel_loop3A_132 : i32 to index
          %parallel_loop3A_209 = arith.constant 96 : index
          %parallel_loop3A_210 = tpu.vector_load %arg14[%parallel_loop3A_208, %parallel_loop3A_209] {strides = array<i32>} : memref<64x128xf32, #tpu.memory_space<vmem>>, vector<16xf32>,
          tpu.vector_store %arg14[%parallel_loop3A_208, %parallel_loop3A_209], %parallel_loop3A_207 {strides = array<i32>} : memref<64x128xf32, #tpu.memory_space<vmem>>, vector<16xf32>,
          %parallel_loop3A_211 = arith.index_cast %parallel_loop3A_180 : i32 to index
          %parallel_loop3A_212 = arith.constant 48 : index
          %parallel_loop3A_213 = tpu.vector_load %arg10[%parallel_loop3A_211, %parallel_loop3A_212] {strides = array<i32>} : memref<128x128xf32, #tpu.memory_space<vmem>>, vector<16xf32>,
          %parallel_loop3A_214 = arith.index_cast %parallel_loop3A_180 : i32 to index
          %parallel_loop3A_215 = arith.constant 112 : index
          %parallel_loop3A_216 = tpu.vector_load %arg12[%parallel_loop3A_214, %parallel_loop3A_215] {strides = array<i32>} : memref<128x128xf32, #tpu.memory_space<vmem>>, vector<16xf32>,
          %parallel_loop3A_217 = arith.addf %parallel_loop3A_213, %parallel_loop3A_216 : vector<16xf32>
          %parallel_loop3A_218 = arith.index_cast %parallel_loop3A_132 : i32 to index
          %parallel_loop3A_219 = arith.constant 112 : index
          %parallel_loop3A_220 = tpu.vector_load %arg14[%parallel_loop3A_218, %parallel_loop3A_219] {strides = array<i32>} : memref<64x128xf32, #tpu.memory_space<vmem>>, vector<16xf32>,
          tpu.vector_store %arg14[%parallel_loop3A_218, %parallel_loop3A_219], %parallel_loop3A_217 {strides = array<i32>} : memref<64x128xf32, #tpu.memory_space<vmem>>, vector<16xf32>,
        } {sc.loop_unroll_factor = 4 : i64, sc.parallel_access}
      } else {
      }
      %ge3A_117 = arith.constant 3907 : i32
      %ge3A_118 = arith.cmpi sge, %add3A_111, %ge3A_117 : i32
      %convert_element_type3A_119 = arith.extui %ge3A_118 : i1 to i32
      %cond3A_120 = arith.constant 0 : i32
      %cond3A_121 = arith.cmpi ne, %convert_element_type3A_119, %cond3A_120 : i32
      scf.if %cond3A_121 {
        %parallel_loop3A = arith.constant 0 : i32
        %parallel_loop3A_130 = arith.constant 64 : i32
        %parallel_loop3A_131 = arith.constant 1 : i32
        scf.for %parallel_loop3A_132 = %parallel_loop3A to %parallel_loop3A_130 step %parallel_loop3A_131  : i32 {
          %parallel_loop3A_133 = arith.constant 2 : i32
          %parallel_loop3A_134 = arith.muli %parallel_loop3A_133, %parallel_loop3A_132 : i32
          %parallel_loop3A_135 = arith.constant 0 : i32
          %parallel_loop3A_136 = arith.addi %parallel_loop3A_134, %parallel_loop3A_135 : i32
          %parallel_loop3A_137 = arith.index_cast %parallel_loop3A_136 : i32 to index
          %parallel_loop3A_138 = arith.constant 0 : index
          %parallel_loop3A_139 = tpu.vector_load %arg10[%parallel_loop3A_137, %parallel_loop3A_138] {strides = array<i32>} : memref<128x128xf32, #tpu.memory_space<vmem>>, vector<16xf32>,
          %parallel_loop3A_140 = arith.index_cast %parallel_loop3A_132 : i32 to index
          %parallel_loop3A_141 = arith.constant 0 : index
          %parallel_loop3A_142 = tpu.vector_load %arg14[%parallel_loop3A_140, %parallel_loop3A_141] {strides = array<i32>} : memref<64x128xf32, #tpu.memory_space<vmem>>, vector<16xf32>,
          tpu.vector_store %arg14[%parallel_loop3A_140, %parallel_loop3A_141], %parallel_loop3A_139 {strides = array<i32>} : memref<64x128xf32, #tpu.memory_space<vmem>>, vector<16xf32>,
          %parallel_loop3A_143 = arith.index_cast %parallel_loop3A_136 : i32 to index
          %parallel_loop3A_144 = arith.constant 16 : index
          %parallel_loop3A_145 = tpu.vector_load %arg10[%parallel_loop3A_143, %parallel_loop3A_144] {strides = array<i32>} : memref<128x128xf32, #tpu.memory_space<vmem>>, vector<16xf32>,
          %parallel_loop3A_146 = arith.index_cast %parallel_loop3A_132 : i32 to index
          %parallel_loop3A_147 = arith.constant 16 : index
          %parallel_loop3A_148 = tpu.vector_load %arg14[%parallel_loop3A_146, %parallel_loop3A_147] {strides = array<i32>} : memref<64x128xf32, #tpu.memory_space<vmem>>, vector<16xf32>,
          tpu.vector_store %arg14[%parallel_loop3A_146, %parallel_loop3A_147], %parallel_loop3A_145 {strides = array<i32>} : memref<64x128xf32, #tpu.memory_space<vmem>>, vector<16xf32>,
          %parallel_loop3A_149 = arith.index_cast %parallel_loop3A_136 : i32 to index
          %parallel_loop3A_150 = arith.constant 32 : index
          %parallel_loop3A_151 = tpu.vector_load %arg10[%parallel_loop3A_149, %parallel_loop3A_150] {strides = array<i32>} : memref<128x128xf32, #tpu.memory_space<vmem>>, vector<16xf32>,
          %parallel_loop3A_152 = arith.index_cast %parallel_loop3A_132 : i32 to index
          %parallel_loop3A_153 = arith.constant 32 : index
          %parallel_loop3A_154 = tpu.vector_load %arg14[%parallel_loop3A_152, %parallel_loop3A_153] {strides = array<i32>} : memref<64x128xf32, #tpu.memory_space<vmem>>, vector<16xf32>,
          tpu.vector_store %arg14[%parallel_loop3A_152, %parallel_loop3A_153], %parallel_loop3A_151 {strides = array<i32>} : memref<64x128xf32, #tpu.memory_space<vmem>>, vector<16xf32>,
          %parallel_loop3A_155 = arith.index_cast %parallel_loop3A_136 : i32 to index
          %parallel_loop3A_156 = arith.constant 48 : index
          %parallel_loop3A_157 = tpu.vector_load %arg10[%parallel_loop3A_155, %parallel_loop3A_156] {strides = array<i32>} : memref<128x128xf32, #tpu.memory_space<vmem>>, vector<16xf32>,
          %parallel_loop3A_158 = arith.index_cast %parallel_loop3A_132 : i32 to index
          %parallel_loop3A_159 = arith.constant 48 : index
          %parallel_loop3A_160 = tpu.vector_load %arg14[%parallel_loop3A_158, %parallel_loop3A_159] {strides = array<i32>} : memref<64x128xf32, #tpu.memory_space<vmem>>, vector<16xf32>,
          tpu.vector_store %arg14[%parallel_loop3A_158, %parallel_loop3A_159], %parallel_loop3A_157 {strides = array<i32>} : memref<64x128xf32, #tpu.memory_space<vmem>>, vector<16xf32>,
          %parallel_loop3A_161 = arith.constant 2 : i32
          %parallel_loop3A_162 = arith.muli %parallel_loop3A_161, %parallel_loop3A_132 : i32
          %parallel_loop3A_163 = arith.constant 1 : i32
          %parallel_loop3A_164 = arith.addi %parallel_loop3A_162, %parallel_loop3A_163 : i32
          %parallel_loop3A_165 = arith.index_cast %parallel_loop3A_164 : i32 to index
          %parallel_loop3A_166 = arith.constant 0 : index
          %parallel_loop3A_167 = tpu.vector_load %arg10[%parallel_loop3A_165, %parallel_loop3A_166] {strides = array<i32>} : memref<128x128xf32, #tpu.memory_space<vmem>>, vector<16xf32>,
          %parallel_loop3A_168 = arith.index_cast %parallel_loop3A_132 : i32 to index
          %parallel_loop3A_169 = arith.constant 64 : index
          %parallel_loop3A_170 = tpu.vector_load %arg14[%parallel_loop3A_168, %parallel_loop3A_169] {strides = array<i32>} : memref<64x128xf32, #tpu.memory_space<vmem>>, vector<16xf32>,
          tpu.vector_store %arg14[%parallel_loop3A_168, %parallel_loop3A_169], %parallel_loop3A_167 {strides = array<i32>} : memref<64x128xf32, #tpu.memory_space<vmem>>, vector<16xf32>,
          %parallel_loop3A_171 = arith.index_cast %parallel_loop3A_164 : i32 to index
          %parallel_loop3A_172 = arith.constant 16 : index
          %parallel_loop3A_173 = tpu.vector_load %arg10[%parallel_loop3A_171, %parallel_loop3A_172] {strides = array<i32>} : memref<128x128xf32, #tpu.memory_space<vmem>>, vector<16xf32>,
          %parallel_loop3A_174 = arith.index_cast %parallel_loop3A_132 : i32 to index
          %parallel_loop3A_175 = arith.constant 80 : index
          %parallel_loop3A_176 = tpu.vector_load %arg14[%parallel_loop3A_174, %parallel_loop3A_175] {strides = array<i32>} : memref<64x128xf32, #tpu.memory_space<vmem>>, vector<16xf32>,
          tpu.vector_store %arg14[%parallel_loop3A_174, %parallel_loop3A_175], %parallel_loop3A_173 {strides = array<i32>} : memref<64x128xf32, #tpu.memory_space<vmem>>, vector<16xf32>,
          %parallel_loop3A_177 = arith.index_cast %parallel_loop3A_164 : i32 to index
          %parallel_loop3A_178 = arith.constant 32 : index
          %parallel_loop3A_179 = tpu.vector_load %arg10[%parallel_loop3A_177, %parallel_loop3A_178] {strides = array<i32>} : memref<128x128xf32, #tpu.memory_space<vmem>>, vector<16xf32>,
          %parallel_loop3A_180 = arith.index_cast %parallel_loop3A_132 : i32 to index
          %parallel_loop3A_181 = arith.constant 96 : index
          %parallel_loop3A_182 = tpu.vector_load %arg14[%parallel_loop3A_180, %parallel_loop3A_181] {strides = array<i32>} : memref<64x128xf32, #tpu.memory_space<vmem>>, vector<16xf32>,
          tpu.vector_store %arg14[%parallel_loop3A_180, %parallel_loop3A_181], %parallel_loop3A_179 {strides = array<i32>} : memref<64x128xf32, #tpu.memory_space<vmem>>, vector<16xf32>,
          %parallel_loop3A_183 = arith.index_cast %parallel_loop3A_164 : i32 to index
          %parallel_loop3A_184 = arith.constant 48 : index
          %parallel_loop3A_185 = tpu.vector_load %arg10[%parallel_loop3A_183, %parallel_loop3A_184] {strides = array<i32>} : memref<128x128xf32, #tpu.memory_space<vmem>>, vector<16xf32>,
          %parallel_loop3A_186 = arith.index_cast %parallel_loop3A_132 : i32 to index
          %parallel_loop3A_187 = arith.constant 112 : index
          %parallel_loop3A_188 = tpu.vector_load %arg14[%parallel_loop3A_186, %parallel_loop3A_187] {strides = array<i32>} : memref<64x128xf32, #tpu.memory_space<vmem>>, vector<16xf32>,
          tpu.vector_store %arg14[%parallel_loop3A_186, %parallel_loop3A_187], %parallel_loop3A_185 {strides = array<i32>} : memref<64x128xf32, #tpu.memory_space<vmem>>, vector<16xf32>,
        } {sc.loop_unroll_factor = 4 : i64, sc.parallel_access}
      } else {
      }
      %add3A_122 = arith.constant 7808 : i32
      %add3A_123 = arith.addi %add3A, %add3A_122 : i32
      %mul3A_124 = arith.constant 64 : i32
      %mul3A_125 = arith.muli %add3A_123, %mul3A_124 : i32
      %dma_start3A_126 = arith.constant 0 : i32
      %dma_start3A_127 = tpu.memref_slice %arg5[%mul3A_125, %dma_start3A_126] : memref<500000x128xf32, #tpu.memory_space<hbm>> -> memref<64x128xf32, #tpu.memory_space<hbm>>
      %dma_start3A_128 = arith.constant 0 : i32
      %dma_start3A_129 = tpu.memref_slice %arg5[%mul3A_125, %dma_start3A_128] : memref<500000x128xf32, #tpu.memory_space<hbm>> -> memref<64x128xf32, #tpu.memory_space<hbm>>
      tpu.enqueue_dma source(%arg14 : memref<64x128xf32, #tpu.memory_space<vmem>>) target(%dma_start3A_129 : memref<64x128xf32, #tpu.memory_space<hbm>>) target_semaphore(%arg20 : memref<!tpu.dma_semaphore, #tpu.memory_space<semaphore_mem>>)
    } else {
    }
    %add3A_51 = arith.constant 7840 : i32
    %add3A_52 = arith.addi %add3A, %add3A_51 : i32
    %lt3A_53 = arith.constant 7812 : i32
    %lt3A_54 = arith.cmpi slt, %add3A_52, %lt3A_53 : i32
    %convert_element_type3A_55 = arith.extui %lt3A_54 : i1 to i32
    %cond3A_56 = arith.constant 0 : i32
    %cond3A_57 = arith.cmpi ne, %convert_element_type3A_55, %cond3A_56 : i32
    scf.if %cond3A_57 {
      %dma_wait3A_74 = arith.constant 0 : i32
      %dma_wait3A_75 = tpu.memref_slice %arg3[%dma_wait3A_74] : memref<1000000xi32, #tpu.memory_space<hbm>> -> memref<128xi32, #tpu.memory_space<hbm>>
      %dma_wait3A_76 = arith.constant 0 : i32
      %dma_wait3A_77 = tpu.memref_slice %arg3[%dma_wait3A_76] : memref<1000000xi32, #tpu.memory_space<hbm>> -> memref<128xi32, #tpu.memory_space<hbm>>
      tpu.wait_dma2 semaphore(%arg17 : memref<!tpu.dma_semaphore, #tpu.memory_space<semaphore_mem>>) src(%dma_wait3A_77 : memref<128xi32, #tpu.memory_space<hbm>>) dst(%arg7 : memref<128xi32, #tpu.memory_space<vmem>>)
      %dma_wait3A_78 = arith.constant 0 : i32
      %dma_wait3A_79 = tpu.memref_slice %arg4[%dma_wait3A_78] : memref<1000000xi32, #tpu.memory_space<hbm>> -> memref<128xi32, #tpu.memory_space<hbm>>
      %dma_wait3A_80 = arith.constant 0 : i32
      %dma_wait3A_81 = tpu.memref_slice %arg4[%dma_wait3A_80] : memref<1000000xi32, #tpu.memory_space<hbm>> -> memref<128xi32, #tpu.memory_space<hbm>>
      tpu.wait_dma2 semaphore(%arg17 : memref<!tpu.dma_semaphore, #tpu.memory_space<semaphore_mem>>) src(%dma_wait3A_81 : memref<128xi32, #tpu.memory_space<hbm>>) dst(%arg9 : memref<128xi32, #tpu.memory_space<vmem>>)
      %add3A_82 = arith.constant 7840 : i32
      %add3A_83 = arith.addi %add3A, %add3A_82 : i32
      %lt3A_84 = arith.constant 3907 : i32
      %lt3A_85 = arith.cmpi slt, %add3A_83, %lt3A_84 : i32
      %convert_element_type3A_86 = arith.extui %lt3A_85 : i1 to i32
      %cond3A_87 = arith.constant 0 : i32
      %cond3A_88 = arith.cmpi ne, %convert_element_type3A_86, %cond3A_87 : i32
      scf.if %cond3A_88 {
        %dma_start3A_130 = arith.constant 0 : i32
        %dma_start3A_131 = arith.constant 0 : i32
        %dma_start3A_132 = tpu.memref_slice %arg2[%dma_start3A_130, %dma_start3A_131] : memref<202000x128xf32, #tpu.memory_space<hbm>> -> memref<202000x128xf32, #tpu.memory_space<hbm>>
        tpu.enqueue_indirect_dma source(%dma_start3A_132 : memref<202000x128xf32, #tpu.memory_space<hbm>>) target(%arg11 : memref<128x128xf32, #tpu.memory_space<vmem>>) offsets(%arg7 : memref<128xi32, #tpu.memory_space<vmem>>) semaphore(%arg19 : memref<!tpu.dma_semaphore, #tpu.memory_space<semaphore_mem>>)
        %dma_start3A_133 = arith.constant 0 : i32
        %dma_start3A_134 = arith.constant 0 : i32
        %dma_start3A_135 = tpu.memref_slice %arg2[%dma_start3A_133, %dma_start3A_134] : memref<202000x128xf32, #tpu.memory_space<hbm>> -> memref<202000x128xf32, #tpu.memory_space<hbm>>
        tpu.enqueue_indirect_dma source(%dma_start3A_135 : memref<202000x128xf32, #tpu.memory_space<hbm>>) target(%arg13 : memref<128x128xf32, #tpu.memory_space<vmem>>) offsets(%arg9 : memref<128xi32, #tpu.memory_space<vmem>>) semaphore(%arg19 : memref<!tpu.dma_semaphore, #tpu.memory_space<semaphore_mem>>)
      } else {
      }
      %ge3A_89 = arith.constant 3907 : i32
      %ge3A_90 = arith.cmpi sge, %add3A_83, %ge3A_89 : i32
      %convert_element_type3A_91 = arith.extui %ge3A_90 : i1 to i32
      %cond3A_92 = arith.constant 0 : i32
      %cond3A_93 = arith.cmpi ne, %convert_element_type3A_91, %cond3A_92 : i32
      scf.if %cond3A_93 {
        %dma_start3A_130 = arith.constant 0 : i32
        %dma_start3A_131 = arith.constant 0 : i32
        %dma_start3A_132 = tpu.memref_slice %arg2[%dma_start3A_130, %dma_start3A_131] : memref<202000x128xf32, #tpu.memory_space<hbm>> -> memref<202000x128xf32, #tpu.memory_space<hbm>>
        tpu.enqueue_indirect_dma source(%dma_start3A_132 : memref<202000x128xf32, #tpu.memory_space<hbm>>) target(%arg11 : memref<128x128xf32, #tpu.memory_space<vmem>>) offsets(%arg7 : memref<128xi32, #tpu.memory_space<vmem>>) semaphore(%arg19 : memref<!tpu.dma_semaphore, #tpu.memory_space<semaphore_mem>>)
      } else {
      }
      %add3A_94 = arith.constant 7840 : i32
      %add3A_95 = arith.addi %add3A, %add3A_94 : i32
      %dma_wait3A_96 = arith.constant 0 : i32
      %dma_wait3A_97 = arith.constant 0 : i32
      %dma_wait3A_98 = tpu.memref_slice %arg2[%dma_wait3A_96, %dma_wait3A_97] : memref<202000x128xf32, #tpu.memory_space<hbm>> -> memref<202000x128xf32, #tpu.memory_space<hbm>>
      tpu.wait_indirect_dma semaphore(%arg19 : memref<!tpu.dma_semaphore, #tpu.memory_space<semaphore_mem>>) src(%dma_wait3A_98 : memref<202000x128xf32, #tpu.memory_space<hbm>>) dst(%arg11 : memref<128x128xf32, #tpu.memory_space<vmem>>)
      %lt3A_99 = arith.constant 3907 : i32
      %lt3A_100 = arith.cmpi slt, %add3A_95, %lt3A_99 : i32
      %convert_element_type3A_101 = arith.extui %lt3A_100 : i1 to i32
      %cond3A_102 = arith.constant 0 : i32
      %cond3A_103 = arith.cmpi ne, %convert_element_type3A_101, %cond3A_102 : i32
      scf.if %cond3A_103 {
        %dma_wait3A_130 = arith.constant 0 : i32
        %dma_wait3A_131 = arith.constant 0 : i32
        %dma_wait3A_132 = tpu.memref_slice %arg2[%dma_wait3A_130, %dma_wait3A_131] : memref<202000x128xf32, #tpu.memory_space<hbm>> -> memref<202000x128xf32, #tpu.memory_space<hbm>>
        tpu.wait_indirect_dma semaphore(%arg19 : memref<!tpu.dma_semaphore, #tpu.memory_space<semaphore_mem>>) src(%dma_wait3A_132 : memref<202000x128xf32, #tpu.memory_space<hbm>>) dst(%arg13 : memref<128x128xf32, #tpu.memory_space<vmem>>)
      } else {
      }
      %dma_wait3A_104 = arith.constant 0 : i32
      %dma_wait3A_105 = arith.constant 0 : i32
      %dma_wait3A_106 = tpu.memref_slice %arg5[%dma_wait3A_104, %dma_wait3A_105] : memref<500000x128xf32, #tpu.memory_space<hbm>> -> memref<64x128xf32, #tpu.memory_space<hbm>>
      %dma_wait3A_107 = arith.constant 0 : i32
      %dma_wait3A_108 = arith.constant 0 : i32
      %dma_wait3A_109 = tpu.memref_slice %arg5[%dma_wait3A_107, %dma_wait3A_108] : memref<500000x128xf32, #tpu.memory_space<hbm>> -> memref<64x128xf32, #tpu.memory_space<hbm>>
      tpu.wait_dma2 semaphore(%arg21 : memref<!tpu.dma_semaphore, #tpu.memory_space<semaphore_mem>>) src(%arg15 : memref<64x128xf32, #tpu.memory_space<vmem>>) dst(%dma_wait3A_109 : memref<64x128xf32, #tpu.memory_space<hbm>>)
      %add3A_110 = arith.constant 7840 : i32
      %add3A_111 = arith.addi %add3A, %add3A_110 : i32
      %lt3A_112 = arith.constant 3907 : i32
      %lt3A_113 = arith.cmpi slt, %add3A_111, %lt3A_112 : i32
      %convert_element_type3A_114 = arith.extui %lt3A_113 : i1 to i32
      %cond3A_115 = arith.constant 0 : i32
      %cond3A_116 = arith.cmpi ne, %convert_element_type3A_114, %cond3A_115 : i32
      scf.if %cond3A_116 {
        %parallel_loop3A = arith.constant 0 : i32
        %parallel_loop3A_130 = arith.constant 64 : i32
        %parallel_loop3A_131 = arith.constant 1 : i32
        scf.for %parallel_loop3A_132 = %parallel_loop3A to %parallel_loop3A_130 step %parallel_loop3A_131  : i32 {
          %parallel_loop3A_133 = arith.constant 2 : i32
          %parallel_loop3A_134 = arith.muli %parallel_loop3A_133, %parallel_loop3A_132 : i32
          %parallel_loop3A_135 = arith.constant 0 : i32
          %parallel_loop3A_136 = arith.addi %parallel_loop3A_134, %parallel_loop3A_135 : i32
          %parallel_loop3A_137 = arith.index_cast %parallel_loop3A_136 : i32 to index
          %parallel_loop3A_138 = arith.constant 0 : index
          %parallel_loop3A_139 = tpu.vector_load %arg11[%parallel_loop3A_137, %parallel_loop3A_138] {strides = array<i32>} : memref<128x128xf32, #tpu.memory_space<vmem>>, vector<16xf32>,
          %parallel_loop3A_140 = arith.index_cast %parallel_loop3A_136 : i32 to index
          %parallel_loop3A_141 = arith.constant 64 : index
          %parallel_loop3A_142 = tpu.vector_load %arg13[%parallel_loop3A_140, %parallel_loop3A_141] {strides = array<i32>} : memref<128x128xf32, #tpu.memory_space<vmem>>, vector<16xf32>,
          %parallel_loop3A_143 = arith.addf %parallel_loop3A_139, %parallel_loop3A_142 : vector<16xf32>
          %parallel_loop3A_144 = arith.index_cast %parallel_loop3A_132 : i32 to index
          %parallel_loop3A_145 = arith.constant 0 : index
          %parallel_loop3A_146 = tpu.vector_load %arg15[%parallel_loop3A_144, %parallel_loop3A_145] {strides = array<i32>} : memref<64x128xf32, #tpu.memory_space<vmem>>, vector<16xf32>,
          tpu.vector_store %arg15[%parallel_loop3A_144, %parallel_loop3A_145], %parallel_loop3A_143 {strides = array<i32>} : memref<64x128xf32, #tpu.memory_space<vmem>>, vector<16xf32>,
          %parallel_loop3A_147 = arith.index_cast %parallel_loop3A_136 : i32 to index
          %parallel_loop3A_148 = arith.constant 16 : index
          %parallel_loop3A_149 = tpu.vector_load %arg11[%parallel_loop3A_147, %parallel_loop3A_148] {strides = array<i32>} : memref<128x128xf32, #tpu.memory_space<vmem>>, vector<16xf32>,
          %parallel_loop3A_150 = arith.index_cast %parallel_loop3A_136 : i32 to index
          %parallel_loop3A_151 = arith.constant 80 : index
          %parallel_loop3A_152 = tpu.vector_load %arg13[%parallel_loop3A_150, %parallel_loop3A_151] {strides = array<i32>} : memref<128x128xf32, #tpu.memory_space<vmem>>, vector<16xf32>,
          %parallel_loop3A_153 = arith.addf %parallel_loop3A_149, %parallel_loop3A_152 : vector<16xf32>
          %parallel_loop3A_154 = arith.index_cast %parallel_loop3A_132 : i32 to index
          %parallel_loop3A_155 = arith.constant 16 : index
          %parallel_loop3A_156 = tpu.vector_load %arg15[%parallel_loop3A_154, %parallel_loop3A_155] {strides = array<i32>} : memref<64x128xf32, #tpu.memory_space<vmem>>, vector<16xf32>,
          tpu.vector_store %arg15[%parallel_loop3A_154, %parallel_loop3A_155], %parallel_loop3A_153 {strides = array<i32>} : memref<64x128xf32, #tpu.memory_space<vmem>>, vector<16xf32>,
          %parallel_loop3A_157 = arith.index_cast %parallel_loop3A_136 : i32 to index
          %parallel_loop3A_158 = arith.constant 32 : index
          %parallel_loop3A_159 = tpu.vector_load %arg11[%parallel_loop3A_157, %parallel_loop3A_158] {strides = array<i32>} : memref<128x128xf32, #tpu.memory_space<vmem>>, vector<16xf32>,
          %parallel_loop3A_160 = arith.index_cast %parallel_loop3A_136 : i32 to index
          %parallel_loop3A_161 = arith.constant 96 : index
          %parallel_loop3A_162 = tpu.vector_load %arg13[%parallel_loop3A_160, %parallel_loop3A_161] {strides = array<i32>} : memref<128x128xf32, #tpu.memory_space<vmem>>, vector<16xf32>,
          %parallel_loop3A_163 = arith.addf %parallel_loop3A_159, %parallel_loop3A_162 : vector<16xf32>
          %parallel_loop3A_164 = arith.index_cast %parallel_loop3A_132 : i32 to index
          %parallel_loop3A_165 = arith.constant 32 : index
          %parallel_loop3A_166 = tpu.vector_load %arg15[%parallel_loop3A_164, %parallel_loop3A_165] {strides = array<i32>} : memref<64x128xf32, #tpu.memory_space<vmem>>, vector<16xf32>,
          tpu.vector_store %arg15[%parallel_loop3A_164, %parallel_loop3A_165], %parallel_loop3A_163 {strides = array<i32>} : memref<64x128xf32, #tpu.memory_space<vmem>>, vector<16xf32>,
          %parallel_loop3A_167 = arith.index_cast %parallel_loop3A_136 : i32 to index
          %parallel_loop3A_168 = arith.constant 48 : index
          %parallel_loop3A_169 = tpu.vector_load %arg11[%parallel_loop3A_167, %parallel_loop3A_168] {strides = array<i32>} : memref<128x128xf32, #tpu.memory_space<vmem>>, vector<16xf32>,
          %parallel_loop3A_170 = arith.index_cast %parallel_loop3A_136 : i32 to index
          %parallel_loop3A_171 = arith.constant 112 : index
          %parallel_loop3A_172 = tpu.vector_load %arg13[%parallel_loop3A_170, %parallel_loop3A_171] {strides = array<i32>} : memref<128x128xf32, #tpu.memory_space<vmem>>, vector<16xf32>,
          %parallel_loop3A_173 = arith.addf %parallel_loop3A_169, %parallel_loop3A_172 : vector<16xf32>
          %parallel_loop3A_174 = arith.index_cast %parallel_loop3A_132 : i32 to index
          %parallel_loop3A_175 = arith.constant 48 : index
          %parallel_loop3A_176 = tpu.vector_load %arg15[%parallel_loop3A_174, %parallel_loop3A_175] {strides = array<i32>} : memref<64x128xf32, #tpu.memory_space<vmem>>, vector<16xf32>,
          tpu.vector_store %arg15[%parallel_loop3A_174, %parallel_loop3A_175], %parallel_loop3A_173 {strides = array<i32>} : memref<64x128xf32, #tpu.memory_space<vmem>>, vector<16xf32>,
          %parallel_loop3A_177 = arith.constant 2 : i32
          %parallel_loop3A_178 = arith.muli %parallel_loop3A_177, %parallel_loop3A_132 : i32
          %parallel_loop3A_179 = arith.constant 1 : i32
          %parallel_loop3A_180 = arith.addi %parallel_loop3A_178, %parallel_loop3A_179 : i32
          %parallel_loop3A_181 = arith.index_cast %parallel_loop3A_180 : i32 to index
          %parallel_loop3A_182 = arith.constant 0 : index
          %parallel_loop3A_183 = tpu.vector_load %arg11[%parallel_loop3A_181, %parallel_loop3A_182] {strides = array<i32>} : memref<128x128xf32, #tpu.memory_space<vmem>>, vector<16xf32>,
          %parallel_loop3A_184 = arith.index_cast %parallel_loop3A_180 : i32 to index
          %parallel_loop3A_185 = arith.constant 64 : index
          %parallel_loop3A_186 = tpu.vector_load %arg13[%parallel_loop3A_184, %parallel_loop3A_185] {strides = array<i32>} : memref<128x128xf32, #tpu.memory_space<vmem>>, vector<16xf32>,
          %parallel_loop3A_187 = arith.addf %parallel_loop3A_183, %parallel_loop3A_186 : vector<16xf32>
          %parallel_loop3A_188 = arith.index_cast %parallel_loop3A_132 : i32 to index
          %parallel_loop3A_189 = arith.constant 64 : index
          %parallel_loop3A_190 = tpu.vector_load %arg15[%parallel_loop3A_188, %parallel_loop3A_189] {strides = array<i32>} : memref<64x128xf32, #tpu.memory_space<vmem>>, vector<16xf32>,
          tpu.vector_store %arg15[%parallel_loop3A_188, %parallel_loop3A_189], %parallel_loop3A_187 {strides = array<i32>} : memref<64x128xf32, #tpu.memory_space<vmem>>, vector<16xf32>,
          %parallel_loop3A_191 = arith.index_cast %parallel_loop3A_180 : i32 to index
          %parallel_loop3A_192 = arith.constant 16 : index
          %parallel_loop3A_193 = tpu.vector_load %arg11[%parallel_loop3A_191, %parallel_loop3A_192] {strides = array<i32>} : memref<128x128xf32, #tpu.memory_space<vmem>>, vector<16xf32>,
          %parallel_loop3A_194 = arith.index_cast %parallel_loop3A_180 : i32 to index
          %parallel_loop3A_195 = arith.constant 80 : index
          %parallel_loop3A_196 = tpu.vector_load %arg13[%parallel_loop3A_194, %parallel_loop3A_195] {strides = array<i32>} : memref<128x128xf32, #tpu.memory_space<vmem>>, vector<16xf32>,
          %parallel_loop3A_197 = arith.addf %parallel_loop3A_193, %parallel_loop3A_196 : vector<16xf32>
          %parallel_loop3A_198 = arith.index_cast %parallel_loop3A_132 : i32 to index
          %parallel_loop3A_199 = arith.constant 80 : index
          %parallel_loop3A_200 = tpu.vector_load %arg15[%parallel_loop3A_198, %parallel_loop3A_199] {strides = array<i32>} : memref<64x128xf32, #tpu.memory_space<vmem>>, vector<16xf32>,
          tpu.vector_store %arg15[%parallel_loop3A_198, %parallel_loop3A_199], %parallel_loop3A_197 {strides = array<i32>} : memref<64x128xf32, #tpu.memory_space<vmem>>, vector<16xf32>,
          %parallel_loop3A_201 = arith.index_cast %parallel_loop3A_180 : i32 to index
          %parallel_loop3A_202 = arith.constant 32 : index
          %parallel_loop3A_203 = tpu.vector_load %arg11[%parallel_loop3A_201, %parallel_loop3A_202] {strides = array<i32>} : memref<128x128xf32, #tpu.memory_space<vmem>>, vector<16xf32>,
          %parallel_loop3A_204 = arith.index_cast %parallel_loop3A_180 : i32 to index
          %parallel_loop3A_205 = arith.constant 96 : index
          %parallel_loop3A_206 = tpu.vector_load %arg13[%parallel_loop3A_204, %parallel_loop3A_205] {strides = array<i32>} : memref<128x128xf32, #tpu.memory_space<vmem>>, vector<16xf32>,
          %parallel_loop3A_207 = arith.addf %parallel_loop3A_203, %parallel_loop3A_206 : vector<16xf32>
          %parallel_loop3A_208 = arith.index_cast %parallel_loop3A_132 : i32 to index
          %parallel_loop3A_209 = arith.constant 96 : index
          %parallel_loop3A_210 = tpu.vector_load %arg15[%parallel_loop3A_208, %parallel_loop3A_209] {strides = array<i32>} : memref<64x128xf32, #tpu.memory_space<vmem>>, vector<16xf32>,
          tpu.vector_store %arg15[%parallel_loop3A_208, %parallel_loop3A_209], %parallel_loop3A_207 {strides = array<i32>} : memref<64x128xf32, #tpu.memory_space<vmem>>, vector<16xf32>,
          %parallel_loop3A_211 = arith.index_cast %parallel_loop3A_180 : i32 to index
          %parallel_loop3A_212 = arith.constant 48 : index
          %parallel_loop3A_213 = tpu.vector_load %arg11[%parallel_loop3A_211, %parallel_loop3A_212] {strides = array<i32>} : memref<128x128xf32, #tpu.memory_space<vmem>>, vector<16xf32>,
          %parallel_loop3A_214 = arith.index_cast %parallel_loop3A_180 : i32 to index
          %parallel_loop3A_215 = arith.constant 112 : index
          %parallel_loop3A_216 = tpu.vector_load %arg13[%parallel_loop3A_214, %parallel_loop3A_215] {strides = array<i32>} : memref<128x128xf32, #tpu.memory_space<vmem>>, vector<16xf32>,
          %parallel_loop3A_217 = arith.addf %parallel_loop3A_213, %parallel_loop3A_216 : vector<16xf32>
          %parallel_loop3A_218 = arith.index_cast %parallel_loop3A_132 : i32 to index
          %parallel_loop3A_219 = arith.constant 112 : index
          %parallel_loop3A_220 = tpu.vector_load %arg15[%parallel_loop3A_218, %parallel_loop3A_219] {strides = array<i32>} : memref<64x128xf32, #tpu.memory_space<vmem>>, vector<16xf32>,
          tpu.vector_store %arg15[%parallel_loop3A_218, %parallel_loop3A_219], %parallel_loop3A_217 {strides = array<i32>} : memref<64x128xf32, #tpu.memory_space<vmem>>, vector<16xf32>,
        } {sc.loop_unroll_factor = 4 : i64, sc.parallel_access}
      } else {
      }
      %ge3A_117 = arith.constant 3907 : i32
      %ge3A_118 = arith.cmpi sge, %add3A_111, %ge3A_117 : i32
      %convert_element_type3A_119 = arith.extui %ge3A_118 : i1 to i32
      %cond3A_120 = arith.constant 0 : i32
      %cond3A_121 = arith.cmpi ne, %convert_element_type3A_119, %cond3A_120 : i32
      scf.if %cond3A_121 {
        %parallel_loop3A = arith.constant 0 : i32
        %parallel_loop3A_130 = arith.constant 64 : i32
        %parallel_loop3A_131 = arith.constant 1 : i32
        scf.for %parallel_loop3A_132 = %parallel_loop3A to %parallel_loop3A_130 step %parallel_loop3A_131  : i32 {
          %parallel_loop3A_133 = arith.constant 2 : i32
          %parallel_loop3A_134 = arith.muli %parallel_loop3A_133, %parallel_loop3A_132 : i32
          %parallel_loop3A_135 = arith.constant 0 : i32
          %parallel_loop3A_136 = arith.addi %parallel_loop3A_134, %parallel_loop3A_135 : i32
          %parallel_loop3A_137 = arith.index_cast %parallel_loop3A_136 : i32 to index
          %parallel_loop3A_138 = arith.constant 0 : index
          %parallel_loop3A_139 = tpu.vector_load %arg11[%parallel_loop3A_137, %parallel_loop3A_138] {strides = array<i32>} : memref<128x128xf32, #tpu.memory_space<vmem>>, vector<16xf32>,
          %parallel_loop3A_140 = arith.index_cast %parallel_loop3A_132 : i32 to index
          %parallel_loop3A_141 = arith.constant 0 : index
          %parallel_loop3A_142 = tpu.vector_load %arg15[%parallel_loop3A_140, %parallel_loop3A_141] {strides = array<i32>} : memref<64x128xf32, #tpu.memory_space<vmem>>, vector<16xf32>,
          tpu.vector_store %arg15[%parallel_loop3A_140, %parallel_loop3A_141], %parallel_loop3A_139 {strides = array<i32>} : memref<64x128xf32, #tpu.memory_space<vmem>>, vector<16xf32>,
          %parallel_loop3A_143 = arith.index_cast %parallel_loop3A_136 : i32 to index
          %parallel_loop3A_144 = arith.constant 16 : index
          %parallel_loop3A_145 = tpu.vector_load %arg11[%parallel_loop3A_143, %parallel_loop3A_144] {strides = array<i32>} : memref<128x128xf32, #tpu.memory_space<vmem>>, vector<16xf32>,
          %parallel_loop3A_146 = arith.index_cast %parallel_loop3A_132 : i32 to index
          %parallel_loop3A_147 = arith.constant 16 : index
          %parallel_loop3A_148 = tpu.vector_load %arg15[%parallel_loop3A_146, %parallel_loop3A_147] {strides = array<i32>} : memref<64x128xf32, #tpu.memory_space<vmem>>, vector<16xf32>,
          tpu.vector_store %arg15[%parallel_loop3A_146, %parallel_loop3A_147], %parallel_loop3A_145 {strides = array<i32>} : memref<64x128xf32, #tpu.memory_space<vmem>>, vector<16xf32>,
          %parallel_loop3A_149 = arith.index_cast %parallel_loop3A_136 : i32 to index
          %parallel_loop3A_150 = arith.constant 32 : index
          %parallel_loop3A_151 = tpu.vector_load %arg11[%parallel_loop3A_149, %parallel_loop3A_150] {strides = array<i32>} : memref<128x128xf32, #tpu.memory_space<vmem>>, vector<16xf32>,
          %parallel_loop3A_152 = arith.index_cast %parallel_loop3A_132 : i32 to index
          %parallel_loop3A_153 = arith.constant 32 : index
          %parallel_loop3A_154 = tpu.vector_load %arg15[%parallel_loop3A_152, %parallel_loop3A_153] {strides = array<i32>} : memref<64x128xf32, #tpu.memory_space<vmem>>, vector<16xf32>,
          tpu.vector_store %arg15[%parallel_loop3A_152, %parallel_loop3A_153], %parallel_loop3A_151 {strides = array<i32>} : memref<64x128xf32, #tpu.memory_space<vmem>>, vector<16xf32>,
          %parallel_loop3A_155 = arith.index_cast %parallel_loop3A_136 : i32 to index
          %parallel_loop3A_156 = arith.constant 48 : index
          %parallel_loop3A_157 = tpu.vector_load %arg11[%parallel_loop3A_155, %parallel_loop3A_156] {strides = array<i32>} : memref<128x128xf32, #tpu.memory_space<vmem>>, vector<16xf32>,
          %parallel_loop3A_158 = arith.index_cast %parallel_loop3A_132 : i32 to index
          %parallel_loop3A_159 = arith.constant 48 : index
          %parallel_loop3A_160 = tpu.vector_load %arg15[%parallel_loop3A_158, %parallel_loop3A_159] {strides = array<i32>} : memref<64x128xf32, #tpu.memory_space<vmem>>, vector<16xf32>,
          tpu.vector_store %arg15[%parallel_loop3A_158, %parallel_loop3A_159], %parallel_loop3A_157 {strides = array<i32>} : memref<64x128xf32, #tpu.memory_space<vmem>>, vector<16xf32>,
          %parallel_loop3A_161 = arith.constant 2 : i32
          %parallel_loop3A_162 = arith.muli %parallel_loop3A_161, %parallel_loop3A_132 : i32
          %parallel_loop3A_163 = arith.constant 1 : i32
          %parallel_loop3A_164 = arith.addi %parallel_loop3A_162, %parallel_loop3A_163 : i32
          %parallel_loop3A_165 = arith.index_cast %parallel_loop3A_164 : i32 to index
          %parallel_loop3A_166 = arith.constant 0 : index
          %parallel_loop3A_167 = tpu.vector_load %arg11[%parallel_loop3A_165, %parallel_loop3A_166] {strides = array<i32>} : memref<128x128xf32, #tpu.memory_space<vmem>>, vector<16xf32>,
          %parallel_loop3A_168 = arith.index_cast %parallel_loop3A_132 : i32 to index
          %parallel_loop3A_169 = arith.constant 64 : index
          %parallel_loop3A_170 = tpu.vector_load %arg15[%parallel_loop3A_168, %parallel_loop3A_169] {strides = array<i32>} : memref<64x128xf32, #tpu.memory_space<vmem>>, vector<16xf32>,
          tpu.vector_store %arg15[%parallel_loop3A_168, %parallel_loop3A_169], %parallel_loop3A_167 {strides = array<i32>} : memref<64x128xf32, #tpu.memory_space<vmem>>, vector<16xf32>,
          %parallel_loop3A_171 = arith.index_cast %parallel_loop3A_164 : i32 to index
          %parallel_loop3A_172 = arith.constant 16 : index
          %parallel_loop3A_173 = tpu.vector_load %arg11[%parallel_loop3A_171, %parallel_loop3A_172] {strides = array<i32>} : memref<128x128xf32, #tpu.memory_space<vmem>>, vector<16xf32>,
          %parallel_loop3A_174 = arith.index_cast %parallel_loop3A_132 : i32 to index
          %parallel_loop3A_175 = arith.constant 80 : index
          %parallel_loop3A_176 = tpu.vector_load %arg15[%parallel_loop3A_174, %parallel_loop3A_175] {strides = array<i32>} : memref<64x128xf32, #tpu.memory_space<vmem>>, vector<16xf32>,
          tpu.vector_store %arg15[%parallel_loop3A_174, %parallel_loop3A_175], %parallel_loop3A_173 {strides = array<i32>} : memref<64x128xf32, #tpu.memory_space<vmem>>, vector<16xf32>,
          %parallel_loop3A_177 = arith.index_cast %parallel_loop3A_164 : i32 to index
          %parallel_loop3A_178 = arith.constant 32 : index
          %parallel_loop3A_179 = tpu.vector_load %arg11[%parallel_loop3A_177, %parallel_loop3A_178] {strides = array<i32>} : memref<128x128xf32, #tpu.memory_space<vmem>>, vector<16xf32>,
          %parallel_loop3A_180 = arith.index_cast %parallel_loop3A_132 : i32 to index
          %parallel_loop3A_181 = arith.constant 96 : index
          %parallel_loop3A_182 = tpu.vector_load %arg15[%parallel_loop3A_180, %parallel_loop3A_181] {strides = array<i32>} : memref<64x128xf32, #tpu.memory_space<vmem>>, vector<16xf32>,
          tpu.vector_store %arg15[%parallel_loop3A_180, %parallel_loop3A_181], %parallel_loop3A_179 {strides = array<i32>} : memref<64x128xf32, #tpu.memory_space<vmem>>, vector<16xf32>,
          %parallel_loop3A_183 = arith.index_cast %parallel_loop3A_164 : i32 to index
          %parallel_loop3A_184 = arith.constant 48 : index
          %parallel_loop3A_185 = tpu.vector_load %arg11[%parallel_loop3A_183, %parallel_loop3A_184] {strides = array<i32>} : memref<128x128xf32, #tpu.memory_space<vmem>>, vector<16xf32>,
          %parallel_loop3A_186 = arith.index_cast %parallel_loop3A_132 : i32 to index
          %parallel_loop3A_187 = arith.constant 112 : index
          %parallel_loop3A_188 = tpu.vector_load %arg15[%parallel_loop3A_186, %parallel_loop3A_187] {strides = array<i32>} : memref<64x128xf32, #tpu.memory_space<vmem>>, vector<16xf32>,
          tpu.vector_store %arg15[%parallel_loop3A_186, %parallel_loop3A_187], %parallel_loop3A_185 {strides = array<i32>} : memref<64x128xf32, #tpu.memory_space<vmem>>, vector<16xf32>,
        } {sc.loop_unroll_factor = 4 : i64, sc.parallel_access}
      } else {
      }
      %add3A_122 = arith.constant 7840 : i32
      %add3A_123 = arith.addi %add3A, %add3A_122 : i32
      %mul3A_124 = arith.constant 64 : i32
      %mul3A_125 = arith.muli %add3A_123, %mul3A_124 : i32
      %dma_start3A_126 = arith.constant 0 : i32
      %dma_start3A_127 = tpu.memref_slice %arg5[%mul3A_125, %dma_start3A_126] : memref<500000x128xf32, #tpu.memory_space<hbm>> -> memref<64x128xf32, #tpu.memory_space<hbm>>
      %dma_start3A_128 = arith.constant 0 : i32
      %dma_start3A_129 = tpu.memref_slice %arg5[%mul3A_125, %dma_start3A_128] : memref<500000x128xf32, #tpu.memory_space<hbm>> -> memref<64x128xf32, #tpu.memory_space<hbm>>
      tpu.enqueue_dma source(%arg15 : memref<64x128xf32, #tpu.memory_space<vmem>>) target(%dma_start3A_129 : memref<64x128xf32, #tpu.memory_space<hbm>>) target_semaphore(%arg21 : memref<!tpu.dma_semaphore, #tpu.memory_space<semaphore_mem>>)
    } else {
    }
    %dma_wait3A_58 = arith.constant 0 : i32
    %dma_wait3A_59 = arith.constant 0 : i32
    %dma_wait3A_60 = tpu.memref_slice %arg5[%dma_wait3A_58, %dma_wait3A_59] : memref<500000x128xf32, #tpu.memory_space<hbm>> -> memref<64x128xf32, #tpu.memory_space<hbm>>
    %dma_wait3A_61 = arith.constant 0 : i32
    %dma_wait3A_62 = arith.constant 0 : i32
    %dma_wait3A_63 = tpu.memref_slice %arg5[%dma_wait3A_61, %dma_wait3A_62] : memref<500000x128xf32, #tpu.memory_space<hbm>> -> memref<64x128xf32, #tpu.memory_space<hbm>>
    tpu.wait_dma2 semaphore(%arg20 : memref<!tpu.dma_semaphore, #tpu.memory_space<semaphore_mem>>) src(%arg14 : memref<64x128xf32, #tpu.memory_space<vmem>>) dst(%dma_wait3A_63 : memref<64x128xf32, #tpu.memory_space<hbm>>)
    %dma_wait3A_64 = arith.constant 0 : i32
    %dma_wait3A_65 = arith.constant 0 : i32
    %dma_wait3A_66 = tpu.memref_slice %arg5[%dma_wait3A_64, %dma_wait3A_65] : memref<500000x128xf32, #tpu.memory_space<hbm>> -> memref<64x128xf32, #tpu.memory_space<hbm>>
    %dma_wait3A_67 = arith.constant 0 : i32
    %dma_wait3A_68 = arith.constant 0 : i32
    %dma_wait3A_69 = tpu.memref_slice %arg5[%dma_wait3A_67, %dma_wait3A_68] : memref<500000x128xf32, #tpu.memory_space<hbm>> -> memref<64x128xf32, #tpu.memory_space<hbm>>
    tpu.wait_dma2 semaphore(%arg21 : memref<!tpu.dma_semaphore, #tpu.memory_space<semaphore_mem>>) src(%arg15 : memref<64x128xf32, #tpu.memory_space<vmem>>) dst(%dma_wait3A_69 : memref<64x128xf32, #tpu.memory_space<hbm>>)
    %eq3A = arith.constant 0 : i32
    %eq3A_70 = arith.cmpi eq, %add3A, %eq3A : i32
    %convert_element_type3A_71 = arith.extui %eq3A_70 : i1 to i32
    %cond3A_72 = arith.constant 0 : i32
    %cond3A_73 = arith.cmpi ne, %convert_element_type3A_71, %cond3A_72 : i32
    scf.if %cond3A_73 {
      "tpu.region"() ({
        %run_scoped3A = tpu.sem_alloc : memref<!tpu.dma_semaphore, #tpu.memory_space<semaphore_mem>>
        %dma_start3A_92 = arith.constant 0 : i32
        %dma_start3A_93 = tpu.memref_slice %arg6[%dma_start3A_92] : memref<128xi32, #tpu.memory_space<vmem>> -> memref<64xi32, #tpu.memory_space<vmem>>
        %dma_start3A_94 = arith.constant 999936 : i32
        %dma_start3A_95 = tpu.memref_slice %arg3[%dma_start3A_94] : memref<1000000xi32, #tpu.memory_space<hbm>> -> memref<64xi32, #tpu.memory_space<hbm>>
        %dma_start3A_96 = arith.constant 0 : i32
        %dma_start3A_97 = tpu.memref_slice %arg6[%dma_start3A_96] : memref<128xi32, #tpu.memory_space<vmem>> -> memref<64xi32, #tpu.memory_space<vmem>>
        %dma_start3A_98 = arith.constant 999936 : i32
        %dma_start3A_99 = tpu.memref_slice %arg3[%dma_start3A_98] : memref<1000000xi32, #tpu.memory_space<hbm>> -> memref<64xi32, #tpu.memory_space<hbm>>
        tpu.enqueue_dma source(%dma_start3A_99 : memref<64xi32, #tpu.memory_space<hbm>>) target(%dma_start3A_97 : memref<64xi32, #tpu.memory_space<vmem>>) target_semaphore(%run_scoped3A : memref<!tpu.dma_semaphore, #tpu.memory_space<semaphore_mem>>)
        %dma_wait3A_100 = arith.constant 0 : i32
        %dma_wait3A_101 = tpu.memref_slice %arg6[%dma_wait3A_100] : memref<128xi32, #tpu.memory_space<vmem>> -> memref<64xi32, #tpu.memory_space<vmem>>
        %dma_wait3A_102 = arith.constant 999936 : i32
        %dma_wait3A_103 = tpu.memref_slice %arg3[%dma_wait3A_102] : memref<1000000xi32, #tpu.memory_space<hbm>> -> memref<64xi32, #tpu.memory_space<hbm>>
        %dma_wait3A_104 = arith.constant 0 : i32
        %dma_wait3A_105 = tpu.memref_slice %arg6[%dma_wait3A_104] : memref<128xi32, #tpu.memory_space<vmem>> -> memref<64xi32, #tpu.memory_space<vmem>>
        %dma_wait3A_106 = arith.constant 999936 : i32
        %dma_wait3A_107 = tpu.memref_slice %arg3[%dma_wait3A_106] : memref<1000000xi32, #tpu.memory_space<hbm>> -> memref<64xi32, #tpu.memory_space<hbm>>
        tpu.wait_dma2 semaphore(%run_scoped3A : memref<!tpu.dma_semaphore, #tpu.memory_space<semaphore_mem>>) src(%dma_wait3A_107 : memref<64xi32, #tpu.memory_space<hbm>>) dst(%dma_wait3A_105 : memref<64xi32, #tpu.memory_space<vmem>>)
        tpu.yield
      }) : () -> ()
      %dma_start3A_74 = arith.constant 0 : i32
      %dma_start3A_75 = arith.constant 0 : i32
      %dma_start3A_76 = tpu.memref_slice %arg10[%dma_start3A_74, %dma_start3A_75] : memref<128x128xf32, #tpu.memory_space<vmem>> -> memref<64x128xf32, #tpu.memory_space<vmem>>
      %dma_start3A_77 = arith.constant 0 : i32
      %dma_start3A_78 = tpu.memref_slice %arg6[%dma_start3A_77] : memref<128xi32, #tpu.memory_space<vmem>> -> memref<64xi32, #tpu.memory_space<vmem>>
      %dma_start3A_79 = arith.constant 0 : i32
      %dma_start3A_80 = arith.constant 0 : i32
      %dma_start3A_81 = tpu.memref_slice %arg2[%dma_start3A_79, %dma_start3A_80] : memref<202000x128xf32, #tpu.memory_space<hbm>> -> memref<202000x128xf32, #tpu.memory_space<hbm>>
      tpu.enqueue_indirect_dma source(%dma_start3A_81 : memref<202000x128xf32, #tpu.memory_space<hbm>>) target(%dma_start3A_76 : memref<64x128xf32, #tpu.memory_space<vmem>>) offsets(%dma_start3A_78 : memref<64xi32, #tpu.memory_space<vmem>>) semaphore(%arg18 : memref<!tpu.dma_semaphore, #tpu.memory_space<semaphore_mem>>)
      %dma_wait3A_82 = arith.constant 0 : i32
      %dma_wait3A_83 = arith.constant 0 : i32
      %dma_wait3A_84 = tpu.memref_slice %arg10[%dma_wait3A_82, %dma_wait3A_83] : memref<128x128xf32, #tpu.memory_space<vmem>> -> memref<64x128xf32, #tpu.memory_space<vmem>>
      %dma_wait3A_85 = arith.constant 0 : i32
      %dma_wait3A_86 = tpu.memref_slice %arg6[%dma_wait3A_85] : memref<128xi32, #tpu.memory_space<vmem>> -> memref<64xi32, #tpu.memory_space<vmem>>
      %dma_wait3A_87 = arith.constant 0 : i32
      %dma_wait3A_88 = arith.constant 0 : i32
      %dma_wait3A_89 = tpu.memref_slice %arg2[%dma_wait3A_87, %dma_wait3A_88] : memref<202000x128xf32, #tpu.memory_space<hbm>> -> memref<202000x128xf32, #tpu.memory_space<hbm>>
      tpu.wait_indirect_dma semaphore(%arg18 : memref<!tpu.dma_semaphore, #tpu.memory_space<semaphore_mem>>) src(%dma_wait3A_89 : memref<202000x128xf32, #tpu.memory_space<hbm>>) dst(%dma_wait3A_84 : memref<64x128xf32, #tpu.memory_space<vmem>>)
      %parallel_loop3A = arith.constant 0 : i32
      %parallel_loop3A_90 = arith.constant 32 : i32
      %parallel_loop3A_91 = arith.constant 1 : i32
      scf.for %parallel_loop3A_92 = %parallel_loop3A to %parallel_loop3A_90 step %parallel_loop3A_91  : i32 {
        %parallel_loop3A_93 = arith.constant 2 : i32
        %parallel_loop3A_94 = arith.muli %parallel_loop3A_93, %parallel_loop3A_92 : i32
        %parallel_loop3A_95 = arith.constant 0 : i32
        %parallel_loop3A_96 = arith.addi %parallel_loop3A_94, %parallel_loop3A_95 : i32
        %parallel_loop3A_97 = arith.index_cast %parallel_loop3A_96 : i32 to index
        %parallel_loop3A_98 = arith.constant 0 : index
        %parallel_loop3A_99 = tpu.vector_load %arg10[%parallel_loop3A_97, %parallel_loop3A_98] {strides = array<i32>} : memref<128x128xf32, #tpu.memory_space<vmem>>, vector<16xf32>,
        %parallel_loop3A_100 = arith.index_cast %parallel_loop3A_92 : i32 to index
        %parallel_loop3A_101 = arith.constant 0 : index
        %parallel_loop3A_102 = tpu.vector_load %arg14[%parallel_loop3A_100, %parallel_loop3A_101] {strides = array<i32>} : memref<64x128xf32, #tpu.memory_space<vmem>>, vector<16xf32>,
        tpu.vector_store %arg14[%parallel_loop3A_100, %parallel_loop3A_101], %parallel_loop3A_99 {strides = array<i32>} : memref<64x128xf32, #tpu.memory_space<vmem>>, vector<16xf32>,
        %parallel_loop3A_103 = arith.index_cast %parallel_loop3A_96 : i32 to index
        %parallel_loop3A_104 = arith.constant 16 : index
        %parallel_loop3A_105 = tpu.vector_load %arg10[%parallel_loop3A_103, %parallel_loop3A_104] {strides = array<i32>} : memref<128x128xf32, #tpu.memory_space<vmem>>, vector<16xf32>,
        %parallel_loop3A_106 = arith.index_cast %parallel_loop3A_92 : i32 to index
        %parallel_loop3A_107 = arith.constant 16 : index
        %parallel_loop3A_108 = tpu.vector_load %arg14[%parallel_loop3A_106, %parallel_loop3A_107] {strides = array<i32>} : memref<64x128xf32, #tpu.memory_space<vmem>>, vector<16xf32>,
        tpu.vector_store %arg14[%parallel_loop3A_106, %parallel_loop3A_107], %parallel_loop3A_105 {strides = array<i32>} : memref<64x128xf32, #tpu.memory_space<vmem>>, vector<16xf32>,
        %parallel_loop3A_109 = arith.index_cast %parallel_loop3A_96 : i32 to index
        %parallel_loop3A_110 = arith.constant 32 : index
        %parallel_loop3A_111 = tpu.vector_load %arg10[%parallel_loop3A_109, %parallel_loop3A_110] {strides = array<i32>} : memref<128x128xf32, #tpu.memory_space<vmem>>, vector<16xf32>,
        %parallel_loop3A_112 = arith.index_cast %parallel_loop3A_92 : i32 to index
        %parallel_loop3A_113 = arith.constant 32 : index
        %parallel_loop3A_114 = tpu.vector_load %arg14[%parallel_loop3A_112, %parallel_loop3A_113] {strides = array<i32>} : memref<64x128xf32, #tpu.memory_space<vmem>>, vector<16xf32>,
        tpu.vector_store %arg14[%parallel_loop3A_112, %parallel_loop3A_113], %parallel_loop3A_111 {strides = array<i32>} : memref<64x128xf32, #tpu.memory_space<vmem>>, vector<16xf32>,
        %parallel_loop3A_115 = arith.index_cast %parallel_loop3A_96 : i32 to index
        %parallel_loop3A_116 = arith.constant 48 : index
        %parallel_loop3A_117 = tpu.vector_load %arg10[%parallel_loop3A_115, %parallel_loop3A_116] {strides = array<i32>} : memref<128x128xf32, #tpu.memory_space<vmem>>, vector<16xf32>,
        %parallel_loop3A_118 = arith.index_cast %parallel_loop3A_92 : i32 to index
        %parallel_loop3A_119 = arith.constant 48 : index
        %parallel_loop3A_120 = tpu.vector_load %arg14[%parallel_loop3A_118, %parallel_loop3A_119] {strides = array<i32>} : memref<64x128xf32, #tpu.memory_space<vmem>>, vector<16xf32>,
        tpu.vector_store %arg14[%parallel_loop3A_118, %parallel_loop3A_119], %parallel_loop3A_117 {strides = array<i32>} : memref<64x128xf32, #tpu.memory_space<vmem>>, vector<16xf32>,
        %parallel_loop3A_121 = arith.constant 2 : i32
        %parallel_loop3A_122 = arith.muli %parallel_loop3A_121, %parallel_loop3A_92 : i32
        %parallel_loop3A_123 = arith.constant 1 : i32
        %parallel_loop3A_124 = arith.addi %parallel_loop3A_122, %parallel_loop3A_123 : i32
        %parallel_loop3A_125 = arith.index_cast %parallel_loop3A_124 : i32 to index
        %parallel_loop3A_126 = arith.constant 0 : index
        %parallel_loop3A_127 = tpu.vector_load %arg10[%parallel_loop3A_125, %parallel_loop3A_126] {strides = array<i32>} : memref<128x128xf32, #tpu.memory_space<vmem>>, vector<16xf32>,
        %parallel_loop3A_128 = arith.index_cast %parallel_loop3A_92 : i32 to index
        %parallel_loop3A_129 = arith.constant 64 : index
        %parallel_loop3A_130 = tpu.vector_load %arg14[%parallel_loop3A_128, %parallel_loop3A_129] {strides = array<i32>} : memref<64x128xf32, #tpu.memory_space<vmem>>, vector<16xf32>,
        tpu.vector_store %arg14[%parallel_loop3A_128, %parallel_loop3A_129], %parallel_loop3A_127 {strides = array<i32>} : memref<64x128xf32, #tpu.memory_space<vmem>>, vector<16xf32>,
        %parallel_loop3A_131 = arith.index_cast %parallel_loop3A_124 : i32 to index
        %parallel_loop3A_132 = arith.constant 16 : index
        %parallel_loop3A_133 = tpu.vector_load %arg10[%parallel_loop3A_131, %parallel_loop3A_132] {strides = array<i32>} : memref<128x128xf32, #tpu.memory_space<vmem>>, vector<16xf32>,
        %parallel_loop3A_134 = arith.index_cast %parallel_loop3A_92 : i32 to index
        %parallel_loop3A_135 = arith.constant 80 : index
        %parallel_loop3A_136 = tpu.vector_load %arg14[%parallel_loop3A_134, %parallel_loop3A_135] {strides = array<i32>} : memref<64x128xf32, #tpu.memory_space<vmem>>, vector<16xf32>,
        tpu.vector_store %arg14[%parallel_loop3A_134, %parallel_loop3A_135], %parallel_loop3A_133 {strides = array<i32>} : memref<64x128xf32, #tpu.memory_space<vmem>>, vector<16xf32>,
        %parallel_loop3A_137 = arith.index_cast %parallel_loop3A_124 : i32 to index
        %parallel_loop3A_138 = arith.constant 32 : index
        %parallel_loop3A_139 = tpu.vector_load %arg10[%parallel_loop3A_137, %parallel_loop3A_138] {strides = array<i32>} : memref<128x128xf32, #tpu.memory_space<vmem>>, vector<16xf32>,
        %parallel_loop3A_140 = arith.index_cast %parallel_loop3A_92 : i32 to index
        %parallel_loop3A_141 = arith.constant 96 : index
        %parallel_loop3A_142 = tpu.vector_load %arg14[%parallel_loop3A_140, %parallel_loop3A_141] {strides = array<i32>} : memref<64x128xf32, #tpu.memory_space<vmem>>, vector<16xf32>,
        tpu.vector_store %arg14[%parallel_loop3A_140, %parallel_loop3A_141], %parallel_loop3A_139 {strides = array<i32>} : memref<64x128xf32, #tpu.memory_space<vmem>>, vector<16xf32>,
        %parallel_loop3A_143 = arith.index_cast %parallel_loop3A_124 : i32 to index
        %parallel_loop3A_144 = arith.constant 48 : index
        %parallel_loop3A_145 = tpu.vector_load %arg10[%parallel_loop3A_143, %parallel_loop3A_144] {strides = array<i32>} : memref<128x128xf32, #tpu.memory_space<vmem>>, vector<16xf32>,
        %parallel_loop3A_146 = arith.index_cast %parallel_loop3A_92 : i32 to index
        %parallel_loop3A_147 = arith.constant 112 : index
        %parallel_loop3A_148 = tpu.vector_load %arg14[%parallel_loop3A_146, %parallel_loop3A_147] {strides = array<i32>} : memref<64x128xf32, #tpu.memory_space<vmem>>, vector<16xf32>,
        tpu.vector_store %arg14[%parallel_loop3A_146, %parallel_loop3A_147], %parallel_loop3A_145 {strides = array<i32>} : memref<64x128xf32, #tpu.memory_space<vmem>>, vector<16xf32>,
      } {sc.loop_unroll_factor = 4 : i64, sc.parallel_access}
      "tpu.region"() ({
        %run_scoped3A = tpu.sem_alloc : memref<!tpu.dma_semaphore, #tpu.memory_space<semaphore_mem>>
        %dma_start3A_92 = arith.constant 0 : i32
        %dma_start3A_93 = arith.constant 0 : i32
        %dma_start3A_94 = tpu.memref_slice %arg14[%dma_start3A_92, %dma_start3A_93] : memref<64x128xf32, #tpu.memory_space<vmem>> -> memref<32x128xf32, #tpu.memory_space<vmem>>
        %dma_start3A_95 = arith.constant 499968 : i32
        %dma_start3A_96 = arith.constant 0 : i32
        %dma_start3A_97 = tpu.memref_slice %arg5[%dma_start3A_95, %dma_start3A_96] : memref<500000x128xf32, #tpu.memory_space<hbm>> -> memref<32x128xf32, #tpu.memory_space<hbm>>
        %dma_start3A_98 = arith.constant 499968 : i32
        %dma_start3A_99 = arith.constant 0 : i32
        %dma_start3A_100 = tpu.memref_slice %arg5[%dma_start3A_98, %dma_start3A_99] : memref<500000x128xf32, #tpu.memory_space<hbm>> -> memref<32x128xf32, #tpu.memory_space<hbm>>
        %dma_start3A_101 = arith.constant 0 : i32
        %dma_start3A_102 = arith.constant 0 : i32
        %dma_start3A_103 = tpu.memref_slice %arg14[%dma_start3A_101, %dma_start3A_102] : memref<64x128xf32, #tpu.memory_space<vmem>> -> memref<32x128xf32, #tpu.memory_space<vmem>>
        tpu.enqueue_dma source(%dma_start3A_103 : memref<32x128xf32, #tpu.memory_space<vmem>>) target(%dma_start3A_100 : memref<32x128xf32, #tpu.memory_space<hbm>>) target_semaphore(%run_scoped3A : memref<!tpu.dma_semaphore, #tpu.memory_space<semaphore_mem>>)
        %dma_wait3A_104 = arith.constant 0 : i32
        %dma_wait3A_105 = arith.constant 0 : i32
        %dma_wait3A_106 = tpu.memref_slice %arg14[%dma_wait3A_104, %dma_wait3A_105] : memref<64x128xf32, #tpu.memory_space<vmem>> -> memref<32x128xf32, #tpu.memory_space<vmem>>
        %dma_wait3A_107 = arith.constant 499968 : i32
        %dma_wait3A_108 = arith.constant 0 : i32
        %dma_wait3A_109 = tpu.memref_slice %arg5[%dma_wait3A_107, %dma_wait3A_108] : memref<500000x128xf32, #tpu.memory_space<hbm>> -> memref<32x128xf32, #tpu.memory_space<hbm>>
        %dma_wait3A_110 = arith.constant 499968 : i32
        %dma_wait3A_111 = arith.constant 0 : i32
        %dma_wait3A_112 = tpu.memref_slice %arg5[%dma_wait3A_110, %dma_wait3A_111] : memref<500000x128xf32, #tpu.memory_space<hbm>> -> memref<32x128xf32, #tpu.memory_space<hbm>>
        %dma_wait3A_113 = arith.constant 0 : i32
        %dma_wait3A_114 = arith.constant 0 : i32
        %dma_wait3A_115 = tpu.memref_slice %arg14[%dma_wait3A_113, %dma_wait3A_114] : memref<64x128xf32, #tpu.memory_space<vmem>> -> memref<32x128xf32, #tpu.memory_space<vmem>>
        tpu.wait_dma2 semaphore(%run_scoped3A : memref<!tpu.dma_semaphore, #tpu.memory_space<semaphore_mem>>) src(%dma_wait3A_115 : memref<32x128xf32, #tpu.memory_space<vmem>>) dst(%dma_wait3A_112 : memref<32x128xf32, #tpu.memory_space<hbm>>)
        tpu.yield
      }) : () -> ()
    } else {
    }
    return
  }
}

module attributes {stable_mosaic.version = 14 : i64} {
  func.func @_prep_body(%arg0: i32, %arg1: memref<2000x64xf32, #tpu.memory_space<vmem>>, %arg2: memref<128x64xf32, #tpu.memory_space<vmem>>, %arg3: memref<1x64xf32, #tpu.memory_space<vmem>>, %arg4: memref<64x64xf32, #tpu.memory_space<vmem>>, %arg5: memref<1x64xf32, #tpu.memory_space<vmem>>, %arg6: memref<2000x128xf32, #tpu.memory_space<vmem>>) attributes {dimension_semantics = [#tpu.dimension_semantics<arbitrary>], iteration_bounds = array<i64: 101>, scalar_prefetch = 0 : i64, scratch_operands = 0 : i64, tpu.core_type = #tpu.core_type<tc>, window_params = [{transform_indices = @transform_0, window_bounds = array<i64: 2000, 64>}, {pipeline_mode = #tpu.pipeline_mode<synchronous>, transform_indices = @transform_1, window_bounds = array<i64: 128, 64>}, {pipeline_mode = #tpu.pipeline_mode<synchronous>, transform_indices = @transform_2, window_bounds = array<i64: 1, 64>}, {pipeline_mode = #tpu.pipeline_mode<synchronous>, transform_indices = @transform_3, window_bounds = array<i64: 64, 64>}, {pipeline_mode = #tpu.pipeline_mode<synchronous>, transform_indices = @transform_4, window_bounds = array<i64: 1, 64>}, {transform_indices = @transform_5, window_bounds = array<i64: 2000, 128>}]} {
    %get3A = arith.constant 0 : index
    %get3A_0 = arith.constant 0 : index
    %get3A_1 = vector.load %arg1[%get3A, %get3A_0] : memref<2000x64xf32, #tpu.memory_space<vmem>>, vector<2000x64xf32>
    %lt3A = arith.constant 50 : i32
    %lt3A_2 = arith.cmpi slt, %arg0, %lt3A : i32
    %convert_element_type3A = arith.extui %lt3A_2 : i1 to i32
    %cond3A = arith.constant 0 : i32
    %cond3A_3 = arith.cmpi ne, %convert_element_type3A, %cond3A : i32
    scf.if %cond3A_3 {
      %get3A_14 = arith.constant 0 : index
      %get3A_15 = arith.constant 0 : index
      %get3A_16 = vector.load %arg2[%get3A_14, %get3A_15] : memref<128x64xf32, #tpu.memory_space<vmem>>, vector<64x64xf32>
      %dot_general3A = arith.constant dense<0.000000e+00> : vector<2000x64xf32>
      %dot_general3A_17 = tpu.matmul %get3A_1, %get3A_16, %dot_general3A {dimension_numbers = #tpu.dot_dimension_numbers<[1], [0], [0], [1], [0, 0, 1, 1], [], []>, transpose_lhs_hint = false} : vector<2000x64xf32>, vector<64x64xf32>, vector<2000x64xf32> -> vector<2000x64xf32>
      %get3A_18 = arith.constant 64 : index
      %get3A_19 = arith.constant 0 : index
      %get3A_20 = vector.load %arg2[%get3A_18, %get3A_19] : memref<128x64xf32, #tpu.memory_space<vmem>>, vector<64x64xf32>
      %dot_general3A_21 = arith.constant dense<0.000000e+00> : vector<2000x64xf32>
      %dot_general3A_22 = tpu.matmul %get3A_1, %get3A_20, %dot_general3A_21 {dimension_numbers = #tpu.dot_dimension_numbers<[1], [0], [0], [1], [0, 0, 1, 1], [], []>, transpose_lhs_hint = false} : vector<2000x64xf32>, vector<64x64xf32>, vector<2000x64xf32> -> vector<2000x64xf32>
      %get3A_23 = arith.constant 0 : index
      %get3A_24 = arith.constant 0 : index
      %get3A_25 = vector.load %arg3[%get3A_23, %get3A_24] : memref<1x64xf32, #tpu.memory_space<vmem>>, vector<1x64xf32>
      %add3A = vector.broadcast %get3A_25 : vector<1x64xf32> to vector<2000x64xf32>
      %add3A_26 = arith.addf %dot_general3A_17, %add3A : vector<2000x64xf32>
      %concatenate3A = tpu.concatenate %add3A_26, %dot_general3A_22 in 1 : vector<2000x64xf32>, vector<2000x64xf32> -> vector<2000x128xf32>
      %swap3A = arith.constant 0 : index
      %swap3A_27 = arith.constant 0 : index
      %swap3A_28 = vector.load %arg6[%swap3A, %swap3A_27] : memref<2000x128xf32, #tpu.memory_space<vmem>>, vector<2000x128xf32>
      tpu.vector_store %arg6[%swap3A, %swap3A_27], %concatenate3A {strides = array<i32>} : memref<2000x128xf32, #tpu.memory_space<vmem>>, vector<2000x128xf32>,
    } else {
    }
    %ge3A = arith.constant 50 : i32
    %ge3A_4 = arith.cmpi sge, %arg0, %ge3A : i32
    %lt3A_5 = arith.constant 100 : i32
    %lt3A_6 = arith.cmpi slt, %arg0, %lt3A_5 : i32
    %and3A = arith.andi %ge3A_4, %lt3A_6 : i1
    %convert_element_type3A_7 = arith.extui %and3A : i1 to i32
    %cond3A_8 = arith.constant 0 : i32
    %cond3A_9 = arith.cmpi ne, %convert_element_type3A_7, %cond3A_8 : i32
    scf.if %cond3A_9 {
      %get3A_14 = arith.constant 0 : index
      %get3A_15 = arith.constant 0 : index
      %get3A_16 = vector.load %arg4[%get3A_14, %get3A_15] : memref<64x64xf32, #tpu.memory_space<vmem>>, vector<64x64xf32>
      %dot_general3A = arith.constant dense<0.000000e+00> : vector<2000x64xf32>
      %dot_general3A_17 = tpu.matmul %get3A_1, %get3A_16, %dot_general3A {dimension_numbers = #tpu.dot_dimension_numbers<[1], [0], [0], [1], [0, 0, 1, 1], [], []>, transpose_lhs_hint = false} : vector<2000x64xf32>, vector<64x64xf32>, vector<2000x64xf32> -> vector<2000x64xf32>
      %get3A_18 = arith.constant 0 : index
      %get3A_19 = arith.constant 0 : index
      %get3A_20 = vector.load %arg5[%get3A_18, %get3A_19] : memref<1x64xf32, #tpu.memory_space<vmem>>, vector<1x64xf32>
      %add3A = vector.broadcast %get3A_20 : vector<1x64xf32> to vector<2000x64xf32>
      %add3A_21 = arith.addf %dot_general3A_17, %add3A : vector<2000x64xf32>
      %concatenate3A = tpu.concatenate %add3A_21, %dot_general3A_17 in 1 : vector<2000x64xf32>, vector<2000x64xf32> -> vector<2000x128xf32>
      %swap3A = arith.constant 0 : index
      %swap3A_22 = arith.constant 0 : index
      %swap3A_23 = vector.load %arg6[%swap3A, %swap3A_22] : memref<2000x128xf32, #tpu.memory_space<vmem>>, vector<2000x128xf32>
      tpu.vector_store %arg6[%swap3A, %swap3A_22], %concatenate3A {strides = array<i32>} : memref<2000x128xf32, #tpu.memory_space<vmem>>, vector<2000x128xf32>,
    } else {
    }
    %eq3A = arith.constant 100 : i32
    %eq3A_10 = arith.cmpi eq, %arg0, %eq3A : i32
    %convert_element_type3A_11 = arith.extui %eq3A_10 : i1 to i32
    %cond3A_12 = arith.constant 0 : i32
    %cond3A_13 = arith.cmpi ne, %convert_element_type3A_11, %cond3A_12 : i32
    scf.if %cond3A_13 {
      %broadcast_in_dim3A = arith.constant 0.000000e+00 : f32
      %broadcast_in_dim3A_14 = vector.broadcast %broadcast_in_dim3A : f32 to vector<2000x128xf32>
      %swap3A = arith.constant 0 : index
      %swap3A_15 = arith.constant 0 : index
      %swap3A_16 = vector.load %arg6[%swap3A, %swap3A_15] : memref<2000x128xf32, #tpu.memory_space<vmem>>, vector<2000x128xf32>
      tpu.vector_store %arg6[%swap3A, %swap3A_15], %broadcast_in_dim3A_14 {strides = array<i32>} : memref<2000x128xf32, #tpu.memory_space<vmem>>, vector<2000x128xf32>,
    } else {
    }
    return
  }
  func.func @transform_0(%arg0: i32) -> (i32, i32) {
    %rem3A = arith.constant 50 : i32
    %rem3A_0 = arith.remsi %arg0, %rem3A : i32
    %c0_i32 = arith.constant 0 : i32
    %c0_i32_1 = arith.constant 0 : i32
    return %rem3A_0, %c0_i32 : i32, i32
  }
  func.func @transform_1(%arg0: i32) -> (i32, i32) {
    %c0_i32 = arith.constant 0 : i32
    %c0_i32_0 = arith.constant 0 : i32
    %c0_i32_1 = arith.constant 0 : i32
    return %c0_i32, %c0_i32_0 : i32, i32
  }
  func.func @transform_2(%arg0: i32) -> (i32, i32) {
    %c0_i32 = arith.constant 0 : i32
    %c0_i32_0 = arith.constant 0 : i32
    %c0_i32_1 = arith.constant 0 : i32
    return %c0_i32, %c0_i32_0 : i32, i32
  }
  func.func @transform_3(%arg0: i32) -> (i32, i32) {
    %c0_i32 = arith.constant 0 : i32
    %c0_i32_0 = arith.constant 0 : i32
    %c0_i32_1 = arith.constant 0 : i32
    return %c0_i32, %c0_i32_0 : i32, i32
  }
  func.func @transform_4(%arg0: i32) -> (i32, i32) {
    %c0_i32 = arith.constant 0 : i32
    %c0_i32_0 = arith.constant 0 : i32
    %c0_i32_1 = arith.constant 0 : i32
    return %c0_i32, %c0_i32_0 : i32, i32
  }
  func.func @transform_5(%arg0: i32) -> (i32, i32) {
    %c0_i32 = arith.constant 0 : i32
    %c0_i32_0 = arith.constant 0 : i32
    return %arg0, %c0_i32 : i32, i32
  }
}

</mosaic_0001>

<sc_bundles>
// kernel: kernel.4.cloned.1.call-start
scs
__scs_entry_jumppad:
0x0: {  	(pc) =	sbr.rel $0x88, $3  }
0x1: {  	(tag) =	ssettag $0x0;
	lr =	simm.s32 $0x1  }
0x2: {  	[smem:$0x3F9A] =	sst lr;
	_ =	strace $0xD0000000  }
0x3: {  	_ = 	snop  }
0x4: {  	_ = 	snop  }
0x5: {  	_ = 	snop  }
0x6: {  	_ = 	snop  }
0x7: {  	_ = 	snop  }
__scs_overlays_trampoline_lowered:
0x8: {  	[smem:$0x3FA9] =	sst s0  }
0x9: {  	[smem:$0x3FAA] =	sst s1  }
0xa: {  	[smem:$0x3FAB] =	sst s2  }
0xb: {  	[smem:$0x3FAC] =	sst s3  }
0xc: {  	[smem:$0x3FAD] =	sst s4  }
0xd: {  	[smem:$0x3FAE] =	sst s5  }
0xe: {  	[smem:$0x3FAF] =	sst s6  }
0xf: {  	[smem:$0x3FB0] =	sst s7  }
0x10: {  	[smem:$0x3FB1] =	sst s8  }
0x11: {  	[smem:$0x3FB2] =	sst s9;
	s0 =	simm.s32 @!p0 $0x0  }
0x12: {  	s1 =	sld [smem:$0x3F98];
	s0 =	simm.s32 @p0 $0x1  }
0x13: {  	[smem:$0x3FB3] =	sst s0;
	s0 =	simm.s32 @!p1 $0x0  }
0x14: {  	s2 =	sld [smem:$0x3F97];
	s0 =	simm.s32 @p1 $0x1  }
0x15: {  	[smem:$0x3FB4] =	sst s0;
	s0 =	simm.s32 @!p2 $0x0  }
0x16: {  	s3 =	sld [smem:$0x3FDB];
	s0 =	simm.s32 @p2 $0x1  }
0x17: {  	s4 =	simm.s32 $0x1BF5;
	[smem:$0x3FB6] =	sst s0  }
0x18: {  	s0 =	sld [smem:$0x3F99];
	_ =	swait.ge [sflag:s4], $0x0  }
0x19: {  	s7 =	sld [smem:$0x3F9A]  }
0x1a: {  	s8 =	sadd.s32 $0xFFFFE003, lr  }
0x1b: {  	s9 =	sadd.s32 $0xFFFFFEF7, lr;
	s5 =	simm.s32 $0xFFFFFFFF;
	p2 =	slt.u32 s8, $0xFFFFF086  }
0x1c: {  	p1 =	slt.u32 s9, $0xF7A;
	s5 =	simm.s32 @!p2 $0x0  }
0x1d: {  	s5 =	simm.s32 @p1 $0x1;
	p0 =	seq.s32 s7, s2  }
0x1e: {  	s7 =	smul.u32 @!p0 $0xF7A, s2;
	p2 =	seq.s32 @!p0 s5, $0x0  }
0x1f: {  	s9 =	smul.u32 $0xF7A, s1;
	s8 =	simm.s32 @!p0 $0x1BF5;
	p2 =	por !p2, p0  }
0x20: {  	[sflag:s8] =	ssyncset.s32 @!p0 $0xFFFFF086;
	s6 =	sadd.s32 @!p0 s3, s7;
	s7 =	simm.s32 @!p0 $0x108  }
0x21: {  	s3 =	sadd.s32 s3, s9;
	s6 =	sadd.s32 @!p0 $0x88, s6;
	s7 =	simm.s32 @p2 $0x1082  }
0x22: {  	[simem:s7], [sflag:s8] =	dma.local @!p0 [hbm:s6], $0xF7A  }
0x23: {  	s9 =	sor.u32 $0xD0000000, s2;
	s6 =	simm.s32 $0x108;
	_ =	swait.ge @!p0 [sflag:s8], $0x0  }
0x24: {  	s3 =	sadd.s32 $0x88, s3;
	s6 =	simm.s32 @!p1 $0x1082;
	[sflag:s4] =	ssyncset.s32 $0xFFFFF086  }
0x25: {  	[simem:s6], [sflag:s4] =	dma.local [hbm:s3], $0xF7A  }
0x26: {  	[smem:$0x3F9A] =	sst s1;
	(tag) =	ssettag s2;
	_ =	strace s9  }
0x27: {  	s1 =	sld [smem:$0x3FAA]  }
0x28: {  	s2 =	sld [smem:$0x3FAB]  }
0x29: {  	s4 =	sld [smem:$0x3FAD]  }
0x2a: {  	p0 =	seq.s32 s5, $0x0;
	s5 =	sld [smem:$0x3FAE]  }
0x2b: {  	s6 =	sld [smem:$0x3FAF]  }
0x2c: {  	s7 =	sld [smem:$0x3FB0]  }
0x2d: {  	s3 =	simm.s32 $0x108;
	s8 =	sld [smem:$0x3FB1]  }
0x2e: {  	s3 =	simm.s32 @!p0 $0x1082;
	s9 =	sld [smem:$0x3FB2]  }
0x2f: {  	lr =	sadd.s32 s0, s3;
	s0 =	sld [smem:$0x3FA9]  }
0x30: {  	s3 =	sld [smem:$0x3FAC]  }
0x31: {  	[smem:$0x3FB5] =	sst s10  }
0x32: {  	s10 =	sld [smem:$0x3FB3];
	_ =	sdelay $0x3  }
0x33: {  	p0 =	seq.s32 s10, $0x1;
	s10 =	sld [smem:$0x3FB5];
	_ =	sdelay $0x3  }
0x34: {  	[smem:$0x3FB5] =	sst s10  }
0x35: {  	s10 =	sld [smem:$0x3FB4];
	_ =	sdelay $0x3  }
0x36: {  	p1 =	seq.s32 s10, $0x1;
	s10 =	sld [smem:$0x3FB5];
	_ =	sdelay $0x3  }
0x37: {  	[smem:$0x3FB5] =	sst s10  }
0x38: {  	s10 =	sld [smem:$0x3FB6]  }
0x39: {  	_ = 	snop;
	(pc) =	sbr.ind lr, $3  }
0x3a: {  	_ = 	snop  }
0x3b: {  	_ = 	snop  }
0x3c: {  	p2 =	seq.s32 s10, $0x1;
	s10 =	sld [smem:$0x3FB5]  }
0x3d: {  	_ =	shalt  }
0x3e: {  	_ =	shalt  }
0x3f: {  	_ =	shalt  }
0x40: {  	_ =	shalt  }
0x41: {  	_ =	shalt  }
0x42: {  	_ =	shalt  }
0x43: {  	_ =	shalt  }
0x44: {  	_ =	shalt  }
0x45: {  	_ =	shalt  }
0x46: {  	_ =	shalt  }
0x47: {  	_ =	shalt  }
0x48: {  	_ =	shalt  }
0x49: {  	_ =	shalt  }
0x4a: {  	_ =	shalt  }
0x4b: {  	_ =	shalt  }
0x4c: {  	_ =	shalt  }
0x4d: {  	_ =	shalt  }
0x4e: {  	_ =	shalt  }
0x4f: {  	_ =	shalt  }
0x50: {  	_ =	shalt  }
0x51: {  	_ =	shalt  }
0x52: {  	_ =	shalt  }
0x53: {  	_ =	shalt  }
0x54: {  	_ =	shalt  }
0x55: {  	_ =	shalt  }
0x56: {  	_ =	shalt  }
0x57: {  	_ =	shalt  }
0x58: {  	_ =	shalt  }
0x59: {  	_ =	shalt  }
0x5a: {  	_ =	shalt  }
0x5b: {  	_ =	shalt  }
0x5c: {  	_ =	shalt  }
0x5d: {  	_ =	shalt  }
0x5e: {  	_ =	shalt  }
0x5f: {  	_ =	shalt  }
0x60: {  	_ =	shalt  }
0x61: {  	_ =	shalt  }
0x62: {  	_ =	shalt  }
0x63: {  	_ =	shalt  }
0x64: {  	_ =	shalt  }
0x65: {  	_ =	shalt  }
0x66: {  	_ =	shalt  }
0x67: {  	_ =	shalt  }
0x68: {  	_ =	shalt  }
0x69: {  	_ =	shalt  }
0x6a: {  	_ =	shalt  }
0x6b: {  	_ =	shalt  }
0x6c: {  	_ =	shalt  }
0x6d: {  	_ =	shalt  }
0x6e: {  	_ =	shalt  }
0x6f: {  	_ =	shalt  }
0x70: {  	_ =	shalt  }
0x71: {  	_ =	shalt  }
0x72: {  	_ =	shalt  }
0x73: {  	_ =	shalt  }
0x74: {  	_ =	shalt  }
0x75: {  	_ =	shalt  }
0x76: {  	_ =	shalt  }
0x77: {  	_ =	shalt  }
0x78: {  	_ =	shalt  }
0x79: {  	_ =	shalt  }
0x7a: {  	_ =	shalt  }
0x7b: {  	_ =	shalt  }
0x7c: {  	_ =	shalt  }
0x7d: {  	_ =	shalt  }
0x7e: {  	_ =	shalt  }
0x7f: {  	_ =	shalt  }
0x80: {  	_ =	shalt  }
0x81: {  	_ =	shalt  }
0x82: {  	_ =	shalt  }
0x83: {  	_ =	shalt  }
0x84: {  	_ =	shalt  }
0x85: {  	_ =	shalt  }
0x86: {  	_ =	shalt  }
0x87: {  	_ =	shalt  }
.Lfunc_end0:
.L_simem_size_0:
called_computation.1_lowered:
.L_overlay_start_0:
0x88: {  	s2 =	sld [smem:$0x3FD9]  }
0x89: {  	s3 =	sld [smem:$0x3FFE];
	_ =	sdelay $0x1  }
0x8a: {  	s1 =	srdreg.scid  }
0x8b: {  	s0 =	sand.u32 $0x1, s1  }
0x8c: {  	s17 =	sshll.u32 s0, $0xA;
	s2 =	sadd.s32 s3, s2  }
0x8d: {  	s2 =	sadd.s32 s2, s17  }
0x8e: {  	[smem:$0x3FC1] =	sst s2  }
0x8f: {  	_ = 	snop  }
0x90: {  	s2 =	sld [smem:$0x3FD0];
	(tm) =	ssettm $0x1  }
0x91: {  	s18 =	sld [smem:$0x3FFB];
	_ =	sdelay $0x3  }
0x92: {  	_ =	strace s18  }
0x93: {  	s3 =	sld [smem:$0x3FFC];
	_ =	sdelay $0x3  }
0x94: {  	_ =	strace s3  }
0x95: {  	s3 =	sld [smem:$0x3FFD];
	_ =	sdelay $0x3  }
0x96: {  	_ =	strace s3  }
0x97: {  	_ =	strace $0x8FFFFFFF  }
0x98: {  	s19 =	sld [smem:$0x3FDB];
	_ =	sdelay $0x1  }
0x99: {  	s4 =	simm.s32 $_scs_section_size  }
0x9a: {  	s5 =	simm.s32 $_size__tile_overlayer_lowered;
	s6 =	simm.s32 $_tile_overlayer_lowered  }
0x9b: {  	s22 =	simm.s32 $0x1BFF;
	s21 =	sshll.u32 s6, $0x1;
	s3 =	sadd.s32 s4, s19  }
0x9c: {  	s7 =	simm.s32 $0x0;
	s20 =	sshll.u32 s5, $0x1;
	s5 =	sadd.s32 s21, s3  }
0x9d: {  	[timem:s7], [sflag:s22] =	dma.local [hbm:s5], s20  }
0x9e: {  	_ =	swait.ge [sflag:s22], s20  }
0x9f: {  	s4 =	ssub.s32 $0x0, s20;
	[sflag:s22] =	ssyncset.done $0x0  }
0xa0: {  	[sflag:s22] =	ssyncadd.s32 s4;
	_ =	sdelay $0x1  }
0xa1: {  	s23 =	simm.s32 $0x1B8B  }
0xa2: {  	_ =	swait.ge [sflag:s23], $0x1  }
0xa3: {  	[sflag:s23] =	ssyncset.done $0x0  }
0xa4: {  	s25 =	simm.s32 $0x1B8E;
	s24 =	sld [smem:$0x3FFE];
	[sflag:s23] =	ssyncadd.s32 $0xFFFFFFFF  }
0xa5: {  	s26 =	simm.s32 $execute0_lowered;
	[smem:$0x3FD2] =	sst s25  }
0xa6: {  	s5 =	sshll.u32 s26, $0x1;
	_ =	strace $0x80000046;
	[dreg:$0x1] =	wrdreg $0xFFFFFFFF  }
0xa7: {  	s28 =	simm.s32 $_size_execute0_lowered;
	s3 =	sadd.s32 s3, s5;
	[dreg:$0x0] =	wrdreg $0x0  }
0xa8: {  	s5 =	sshll.u32 s28, $0x1;
	[dreg:$0x2] =	wrdreg s3  }
0xa9: {  	[dreg:$0x3] =	wrdreg s5  }
0xaa: {  	[dreg:$0x4] =	wrdreg $0xC0  }
0xab: {  	_ =	task [dreg:s7], $0x5FFFF  }
0xac: {  	[dreg:$0x1] =	wrdreg $0xFFFFFFFF  }
0xad: {  	[dreg:$0x0] =	wrdreg $0x60  }
0xae: {  	[dreg:$0x2] =	wrdreg s24  }
0xaf: {  	[dreg:$0x3] =	wrdreg s2  }
0xb0: {  	[dreg:$0x4] =	wrdreg $0x9  }
0xb1: {  	_ =	task.clear_ibuf [dreg:s7], $0x5FFFF;
	_ =	strace $0x90000046  }
0xb2: {  	s29 =	simm.s32 $0x9;
	_ =	strace $0x80000048  }
0xb3: {  	_ =	swait.ge [sflag:s29], $0x1  }
0xb4: {  	[sflag:s29] =	ssyncadd.s32 $0xFFFFFFFF  }
0xb5: {  	_ =	strace $0x90000048  }
0xb6: {  	_ =	sfence  }
0xb7: {  	s30 =	sld [smem:$0x0];
	_ =	sdelay $0x2  }
0xb8: {  	s31 =	sshll.u32 s1, $0xD;
	s1 =	sshrl.u32 s1, $0x2  }
0xb9: {  	s3 =	sand.u32 $0x4000, s31;
	s1 =	sadd.s32 s1, s30  }
0xba: {  	s0 =	sor.u32 s3, s0;
	s1 =	sshll.u32 s1, $0x11  }
0xbb: {  	s0 =	sor.u32 s1, s0  }
0xbc: {  	s0 =	sadd.s32 $0x8F2B, s0  }
0xbd: {  	[sflag:s0] =	ssyncadd.remote.s32 $0x1  }
0xbe: {  	_ =	sfence.sel $0xFFFF  }
0xbf: {  	[dreg:$0x0] =	wrdreg $0xFFFFFFFF;
	(pc) =	sbr.abs _section_cstart, $3  }
0xc0: {  	[dreg:$0x1] =	wrdreg $0xFFFFFFFF  }
0xc1: {  	_ =	task.clear_ibuf [dreg:s7], $0x2FFFF;
	_ =	strace $0x9FFFFFFF  }
0xc2: {  	(tm) =	ssettm $0x7FFFFFFF  }
0xc3: {  	_ =	shalt  }
tec
execute0_lowered:
.L_overlay_start_1:
0x0: {  	(tag) =	ssettag $0x1  }
0x1: {  	s0 =	rddreg [dreg:$0x0]  }
0x2: {  	s1 =	rddreg [dreg:$0x1]  }
0x3: {  	s3 =	simm.s32 $0x0;
	s2 =	srdreg.scid;
	s12 =	stileid.u32  }
0x4: {  	s18 =	simm.s32 $0x1;
	s19 =	simm.s32 $0x80;
	s20 =	simm.s32 $0x200  }
0x5: {  	s21 =	simm.s32 $0x180;
	s22 =	simm.s32 $0x2;
	s28 =	simm.s32 $0x6  }
0x6: {  	s29 =	simm.s32 $0x12200;
	[smem:$0x7FF] =	sst s3;
	s4 =	sadd.s32 $0x3D600, s0  }
0x7: {  	s2 =	sand.u32 $0x1, s2;
	s6 =	sshll.u32 s12, $0x1;
	s5 =	sadd.s32 $0x1EC00, s0  }
0x8: {  	s7 =	sadd.s32 $0x200, s0;
	s0 =	sadd.s32 $0x3D440, s0;
	s30 =	sadd.s32 $0x7A1000, s1  }
0x9: {  	p0 =	sgt.u32 s12, $0x1;
	_ =	strace $0x80000047;
	[dreg:$0x7] =	wrdreg s0  }
0xa: {  	s8 =	ssub.s32 $0x2, s2;
	s6 =	sor.u32 s2, s6;
	[dreg:$0x8] =	wrdreg s30  }
0xb: {  	s23 =	sshrl.u32 s8, $0x1;
	s9 =	sshll.u32 s6, $0x4;
	s25 =	sshll.u32 s6, $0xA  }
0xc: {  	s10 =	sor.u32 $0xFFFFFFE0, s6;
	s11 =	sor.u32 $0x40, s6;
	p1 =	sne.s32 s6, $0x0  }
0xd: {  	s2 =	ssub.s32 s8, s23;
	s24 =	sadd.s32 s5, s9;
	s9 =	sadd.s32 s7, s9  }
.Ltmp0:
0xe: {  	s8 =	sadd.s32 s25, s1;
	[dreg:$0x3] =	wrdreg s24;
	(pc) =	sbr.rel .LBB2_1-.Ltmp0, $4  }
0xf: {  	s23 =	simm.s32 $0x4200;
	[dreg:$0x4] =	wrdreg s9;
	s26 =	sadd.s32 $0x798000, s8  }
0x10: {  	s25 =	simm.s32 $0x10200;
	s8 =	sadd.s32 $0x7A0000, s8;
	[dreg:$0x5] =	wrdreg s26  }
0x11: {  	s31 =	smax.u32 s2, $0x1;
	s24 =	simm.s32 $0x3;
	[dreg:$0x6] =	wrdreg s8  }
0x12: {  	s2 =	simm.s32 $0x0;
	[dreg:$0x9] =	wrdreg s31;
	s26 =	simm.s32 $0x4  }
.LBB2_29:
0x13: {  	s2 =	sadd.s32 $0x1, s2;
	s0 =	rddreg [dreg:$0x9]  }
0x14: {  	p2 =	sne.s32 s2, s0  }
.Ltmp1:
0x15: {  	_ = 	snop;
	(pc) =	sbr.rel @!p2 .LBB2_30-.Ltmp1, $1  }
0x16: {  	_ =	sdelay $0x3  }
.LBB2_1:
.Ltmp2:
0x17: {  	(pc) =	sbr.rel .LBB2_2-.Ltmp2, $4  }
0x18: {  	s0 =	rddreg [dreg:$0x3]  }
0x19: {  	[tilespmem:s3], [sflag:$0x1] =	stream.linear.gather [hbm4b:s0+s3], $0x80, $0x38;
	[tilespmem:$0x14200] =	vst v63  }
0x1a: {  	s31 =	rddreg [dreg:$0x4];
	s8 =	simm.s32 $0x100;
	s0 =	simm.s32 $0x0  }
0x1b: {  	[tilespmem:s8], [sflag:$0x1] =	stream.linear.gather [hbm4b:s31+s3], $0x80, $0x38;
	[tilespmem:$0x14200] =	vst v63  }
.LBB2_14:
0x1c: {  	v1 =	vadd.f32 v4, v1;
	_ =	sdelay $0x1  }
0x1d: {  	[tilespmem:s13+$0x50] =	vst v1  }
0x1e: {  	v1 =	vld [tilespmem:s8+$0xA0]  }
0x1f: {  	v55 =	vld [tilespmem:s9+$0xA0]  }
0x20: {  	[tilespmem:s13+$0xE0] =	vst v6;
	v2 =	vadd.f32 v5, v2  }
0x21: {  	v56 =	vld [tilespmem:s8+$0x1B0]  }
0x22: {  	v0 =	vadd.f32 v3, v0;
	v57 =	vld [tilespmem:s9+$0x1B0];
	[tilespmem:s13+$0xFFFFFF60] =	vst v2  }
0x23: {  	v2 =	vld [tilespmem:s8+$0xFFFFFEB0]  }
0x24: {  	[tilespmem:s13+$0xFFFFFFE0] =	vst v0;
	v59 =	vld [tilespmem:s9+$0xFFFFFEB0];
	v58 =	vadd.f32 v55, v1  }
0x25: {  	v60 =	vld [tilespmem:s8+$0xFFFFFFB0]  }
0x26: {  	v61 =	vld [tilespmem:s9+$0xFFFFFFB0];
	[tilespmem:s12+$0x60] =	vst v58  }
0x27: {  	v62 =	vld [tilespmem:s8+$0xB0]  }
0x28: {  	v7 =	vld [tilespmem:s9+$0xB0];
	_ =	sdelay $0x1  }
0x29: {  	v3 =	vadd.f32 v57, v56  }
0x2a: {  	v1 =	vadd.f32 v59, v2  }
0x2b: {  	[tilespmem:s12+$0xF0] =	vst v3;
	v0 =	vadd.f32 v61, v60  }
0x2c: {  	[tilespmem:s12+$0xFFFFFF70] =	vst v1;
	v63 =	vadd.f32 v7, v62  }
0x2d: {  	[tilespmem:s12+$0xFFFFFFF0] =	vst v0  }
0x2e: {  	[tilespmem:s12+$0x70] =	vst v63  }
.LBB2_18:
0x2f: {  	s8 =	sshll.u32 s15, $0xA  }
0x30: {  	s8 =	sadd.s32 s1, s8  }
0x31: {  	[hbm4b:s8+s3] =	stream.linear.scatter [tilespmem:s25], [sflag:$0x5], $0x2000, $0x38;
	[tilespmem:$0x14200] =	vst v63  }
0x32: {  	s8 =	sadd.s32 s11, s14  }
0x33: {  	p2 =	sgt.u32 s8, $0x1E83  }
0x34: {  	s8 =	sshll.u32 @!p2 s8, $0x4  }
0x35: {  	s12 =	simm.s32 @!p2 $0x0;
	s9 =	sadd.s32 @!p2 s5, s8  }
0x36: {  	[tilespmem:s12], [sflag:$0x1] =	stream.linear.gather @!p2 [hbm4b:s9+s12], $0x80, $0x38;
	[tilespmem:$0x14200] =	vst v63  }
0x37: {  	s0 =	sadd.s32 $0x1, s0;
	s8 =	sadd.s32 @!p2 s7, s8;
	s9 =	simm.s32 @!p2 $0x100  }
0x38: {  	[tilespmem:s9], [sflag:$0x1] =	stream.linear.gather @!p2 [hbm4b:s8+s12], $0x80, $0x38;
	[tilespmem:$0x14200] =	vst v63  }
0x39: {  	p2 =	sne.s32 s0, $0x7A  }
.Ltmp3:
0x3a: {  	_ = 	snop;
	(pc) =	sbr.rel @!p2 .LBB2_19-.Ltmp3, $1  }
0x3b: {  	_ =	sdelay $0x3  }
.LBB2_2:
0x3c: {  	_ =	swait.ge [sflag:s18], $0x80  }
0x3d: {  	[sflag:s18] =	ssyncset.done $0x0  }
0x3e: {  	[sflag:s18] =	ssyncadd.s32 $0xFFFFFF80  }
0x3f: {  	s14 =	sshll.u32 s0, $0x6;
	p3 =	seq.s32 s0, $0x0;
	_ =	swait.ge [sflag:s18], $0x80  }
.Ltmp4:
0x40: {  	s15 =	sor.u32 s6, s14;
	[sflag:s18] =	ssyncset.done $0x0;
	(pc) =	sbr.rel @p3 .LBB2_11-.Ltmp4, $4  }
0x41: {  	p2 =	sgt.u32 s15, $0xF42;
	[sflag:s18] =	ssyncadd.s32 $0xFFFFFF80  }
0x42: {  	[tilespmem:s20], [sflag:$0x3] =	stream.indirect.gather [hbm4b:s4+s19], $0x80, s3, s19, $0xb8;
	[tilespmem:$0x14200] =	vst v63  }
0x43: {  	s8 =	simm.s32 @!p2 $0x80;
	s9 =	simm.s32 @!p2 $0x100;
	s12 =	simm.s32 @!p2 $0x8200  }
0x44: {  	[tilespmem:s12], [sflag:$0x3] =	stream.indirect.gather @!p2 [hbm4b:s4+s8], $0x80, s9, s8, $0xb8;
	[tilespmem:$0x14200] =	vst v63  }
0x45: {  	s17 =	sadd.s32 s10, s14;
	_ =	swait.ge [sflag:s26], $0x4000  }
0x46: {  	[sflag:s26] =	ssyncset.done $0x0;
	p4 =	sgt.s32 s17, $0xF42  }
0x47: {  	[sflag:s26] =	ssyncadd.s32 $0xFFFFC000;
	s8 =	simm.s32 @!p4 $0x4  }
0x48: {  	_ =	swait.ge @!p4 [sflag:s8], $0x4000  }
.Ltmp5:
0x49: {  	p5 =	seq.s32 s0, $0x1;
	[sflag:s8] =	ssyncset.done @!p4 $0x0;
	(pc) =	sbr.rel @p4 .LBB2_7-.Ltmp5, $4  }
0x4a: {  	[sflag:s8] =	ssyncadd.s32 @!p4 $0xFFFFC000;
	s8 =	simm.s32 @!p5 $0x6  }
0x4b: {  	_ =	swait.ge @!p5 [sflag:s8], $0x2000  }
0x4c: {  	s9 =	simm.s32 $0xC440;
	[sflag:s8] =	ssyncset.done @!p5 $0x0  }
0x4d: {  	s13 =	simm.s32 $0x12300;
	[sflag:s8] =	ssyncadd.s32 @!p5 $0xFFFFE000;
	s8 =	simm.s32 $0x4400  }
0x4e: {  	v0 =	vld [tilespmem:s8+$0x100]  }
0x4f: {  	v1 =	vld [tilespmem:s9+$0x100];
	_ =	sdelay $0x2  }
0x50: {  	v2 =	vld [tilespmem:s8+$0xFFFFFF00]  }
0x51: {  	v3 =	vld [tilespmem:s9+$0xFFFFFF00]  }
0x52: {  	v4 =	vld [tilespmem:s9+$0xFFFFFE00];
	v0 =	vadd.f32 v1, v0  }
0x53: {  	v1 =	vld [tilespmem:s8+$0xFFFFFE00]  }
0x54: {  	[tilespmem:s13+$0x80] =	vst v0  }
0x55: {  	v0 =	vld [tilespmem:s8+$0x110]  }
0x56: {  	v2 =	vadd.f32 v3, v2;
	v3 =	vld [tilespmem:s9+$0x110]  }
0x57: {  	v5 =	vld [tilespmem:s8+$0x0]  }
0x58: {  	v6 =	vld [tilespmem:s9+$0x0];
	[tilespmem:s13+$0xFFFFFF80] =	vst v2;
	v1 =	vadd.f32 v4, v1  }
0x59: {  	v2 =	vld [tilespmem:s8+$0xFFFFFF10]  }
0x5a: {  	v4 =	vld [tilespmem:s9+$0xFFFFFF10];
	[tilespmem:s13+$0xFFFFFF00] =	vst v1  }
0x5b: {  	v1 =	vld [tilespmem:s8+$0xFFFFFE10];
	v0 =	vadd.f32 v3, v0  }
0x5c: {  	v3 =	vld [tilespmem:s9+$0xFFFFFE10]  }
0x5d: {  	v5 =	vadd.f32 v6, v5;
	[tilespmem:s13+$0x90] =	vst v0  }
0x5e: {  	v0 =	vld [tilespmem:s8+$0x120]  }
0x5f: {  	[tilespmem:s13+$0x0] =	vst v5;
	v2 =	vadd.f32 v4, v2;
	v4 =	vld [tilespmem:s9+$0x120]  }
0x60: {  	v5 =	vld [tilespmem:s8+$0x10]  }
0x61: {  	v6 =	vld [tilespmem:s9+$0x10];
	[tilespmem:s13+$0xFFFFFF90] =	vst v2;
	v1 =	vadd.f32 v3, v1  }
0x62: {  	v2 =	vld [tilespmem:s8+$0xFFFFFF20]  }
0x63: {  	v3 =	vld [tilespmem:s9+$0xFFFFFF20];
	[tilespmem:s13+$0xFFFFFF10] =	vst v1  }
0x64: {  	v1 =	vld [tilespmem:s8+$0xFFFFFE20];
	v0 =	vadd.f32 v4, v0  }
0x65: {  	v4 =	vld [tilespmem:s9+$0xFFFFFE20]  }
0x66: {  	v5 =	vadd.f32 v6, v5;
	[tilespmem:s13+$0xA0] =	vst v0  }
0x67: {  	v0 =	vld [tilespmem:s8+$0x130]  }
0x68: {  	[tilespmem:s13+$0x10] =	vst v5;
	v2 =	vadd.f32 v3, v2;
	v3 =	vld [tilespmem:s9+$0x130]  }
0x69: {  	v5 =	vld [tilespmem:s8+$0x20]  }
0x6a: {  	[tilespmem:s13+$0xFFFFFFA0] =	vst v2;
	v2 =	vld [tilespmem:s9+$0x20];
	v1 =	vadd.f32 v4, v1  }
0x6b: {  	v4 =	vld [tilespmem:s8+$0xFFFFFF30]  }
0x6c: {  	v6 =	vld [tilespmem:s9+$0xFFFFFF30];
	[tilespmem:s13+$0xFFFFFF20] =	vst v1  }
0x6d: {  	v1 =	vld [tilespmem:s8+$0xFFFFFE30];
	v0 =	vadd.f32 v3, v0  }
0x6e: {  	v3 =	vld [tilespmem:s9+$0xFFFFFE30]  }
0x6f: {  	v2 =	vadd.f32 v2, v5;
	[tilespmem:s13+$0xB0] =	vst v0  }
0x70: {  	v0 =	vld [tilespmem:s8+$0x180]  }
0x71: {  	v4 =	vadd.f32 v6, v4;
	[tilespmem:s13+$0x20] =	vst v2;
	v2 =	vld [tilespmem:s9+$0x180]  }
0x72: {  	v5 =	vld [tilespmem:s8+$0x30]  }
0x73: {  	[tilespmem:s13+$0xFFFFFFB0] =	vst v4;
	v1 =	vadd.f32 v3, v1;
	v3 =	vld [tilespmem:s9+$0x30]  }
0x74: {  	v4 =	vld [tilespmem:s8+$0xFFFFFF80]  }
0x75: {  	[tilespmem:s13+$0xFFFFFF30] =	vst v1;
	v1 =	vld [tilespmem:s9+$0xFFFFFF80]  }
0x76: {  	v6 =	vld [tilespmem:s8+$0xFFFFFE80];
	v0 =	vadd.f32 v2, v0  }
0x77: {  	v2 =	vld [tilespmem:s9+$0xFFFFFE80]  }
0x78: {  	v3 =	vadd.f32 v3, v5;
	[tilespmem:s13+$0xC0] =	vst v0  }
0x79: {  	v0 =	vld [tilespmem:s8+$0x190]  }
0x7a: {  	v1 =	vadd.f32 v1, v4;
	[tilespmem:s13+$0x30] =	vst v3;
	v3 =	vld [tilespmem:s9+$0x190]  }
0x7b: {  	v4 =	vld [tilespmem:s8+$0x80]  }
0x7c: {  	v2 =	vadd.f32 v2, v6;
	[tilespmem:s13+$0xFFFFFFC0] =	vst v1;
	v1 =	vld [tilespmem:s9+$0x80]  }
0x7d: {  	v5 =	vld [tilespmem:s8+$0xFFFFFF90]  }
0x7e: {  	[tilespmem:s13+$0xFFFFFF40] =	vst v2;
	v2 =	vld [tilespmem:s9+$0xFFFFFF90]  }
0x7f: {  	v6 =	vld [tilespmem:s8+$0xFFFFFE90];
	v0 =	vadd.f32 v3, v0  }
0x80: {  	v3 =	vld [tilespmem:s9+$0xFFFFFE90]  }
0x81: {  	v1 =	vadd.f32 v1, v4;
	[tilespmem:s13+$0xD0] =	vst v0  }
0x82: {  	v7 =	vld [tilespmem:s8+$0x1A0]  }
0x83: {  	v0 =	vadd.f32 v2, v5;
	v5 =	vld [tilespmem:s9+$0x1A0];
	[tilespmem:s13+$0x40] =	vst v1  }
0x84: {  	v1 =	vld [tilespmem:s8+$0x90]  }
0x85: {  	v2 =	vadd.f32 v3, v6;
	[tilespmem:s13+$0xFFFFFFD0] =	vst v0;
	v4 =	vld [tilespmem:s9+$0x90]  }
0x86: {  	v0 =	vld [tilespmem:s8+$0xFFFFFFA0]  }
0x87: {  	v3 =	vld [tilespmem:s9+$0xFFFFFFA0];
	[tilespmem:s13+$0xFFFFFF50] =	vst v2  }
0x88: {  	s16 =	simm.s32 $0x0;
	v2 =	vld [tilespmem:s8+$0xFFFFFEA0];
	v6 =	vadd.f32 v5, v7  }
0x89: {  	s31 =	simm.s32 $0x4800;
	s30 =	simm.s32 $0xC440;
	s12 =	simm.s32 $0x12300;
	v5 =	vld [tilespmem:s9+$0xFFFFFEA0]  }
.LBB2_5:
0x8a: {  	v7 =	vld [tilespmem:s31+$0x100];
	v1 =	vadd.f32 v4, v1;
	[tilespmem:s13+$0xE0] =	vst v6  }
0x8b: {  	v4 =	vld [tilespmem:s8+$0x1B0]  }
0x8c: {  	s30 =	sadd.s32 $0x400, s30;
	v0 =	vadd.f32 v3, v0;
	[tilespmem:s13+$0x50] =	vst v1;
	v1 =	vld [tilespmem:s9+$0x1B0]  }
0x8d: {  	v3 =	vld [tilespmem:s30+$0x100]  }
0x8e: {  	v6 =	vld [tilespmem:s30+$0xFFFFFE00];
	v2 =	vadd.f32 v5, v2;
	[tilespmem:s13+$0xFFFFFFE0] =	vst v0  }
0x8f: {  	v0 =	vld [tilespmem:s31+$0xFFFFFF00]  }
0x90: {  	v5 =	vld [tilespmem:s30+$0xFFFFFF00];
	[tilespmem:s13+$0xFFFFFF60] =	vst v2  }
0x91: {  	v2 =	vld [tilespmem:s31+$0x0];
	v1 =	vadd.f32 v1, v4  }
0x92: {  	v4 =	vld [tilespmem:s30+$0x0];
	v3 =	vadd.f32 v3, v7  }
0x93: {  	s13 =	sadd.s32 $0x200, s13;
	v7 =	vld [tilespmem:s31+$0xFFFFFE00];
	[tilespmem:s12+$0xF0] =	vst v1  }
0x94: {  	s16 =	sadd.s32 $0x4, s16;
	[tilespmem:s13+$0x80] =	vst v3;
	v1 =	vld [tilespmem:s8+$0xA0]  }
0x95: {  	p4 =	slt.u32 s16, $0x3C;
	v0 =	vadd.f32 v5, v0;
	v3 =	vld [tilespmem:s31+$0x110]  }
0x96: {  	v5 =	vld [tilespmem:s30+$0x110]  }
0x97: {  	[tilespmem:s13+$0xFFFFFF80] =	vst v0;
	v0 =	vadd.f32 v4, v2;
	v2 =	vld [tilespmem:s9+$0xA0]  }
0x98: {  	v4 =	vadd.f32 v6, v7;
	v6 =	vld [tilespmem:s31+$0xFFFFFF10]  }
0x99: {  	v7 =	vld [tilespmem:s30+$0xFFFFFF10];
	[tilespmem:s13+$0x0] =	vst v0  }
0x9a: {  	[tilespmem:s13+$0xFFFFFF00] =	vst v4;
	v0 =	vld [tilespmem:s31+$0x10]  }
0x9b: {  	v4 =	vld [tilespmem:s31+$0xFFFFFE10];
	v3 =	vadd.f32 v5, v3  }
0x9c: {  	v5 =	vld [tilespmem:s30+$0xFFFFFE10];
	v1 =	vadd.f32 v2, v1  }
0x9d: {  	v2 =	vld [tilespmem:s30+$0x10];
	[tilespmem:s13+$0x90] =	vst v3  }
0x9e: {  	v3 =	vadd.f32 v7, v6;
	v6 =	vld [tilespmem:s31+$0x120];
	[tilespmem:s12+$0x60] =	vst v1  }
0x9f: {  	v1 =	vld [tilespmem:s30+$0x120]  }
0xa0: {  	[tilespmem:s13+$0xFFFFFF90] =	vst v3;
	v3 =	vld [tilespmem:s8+$0xFFFFFEB0]  }
0xa1: {  	v4 =	vadd.f32 v5, v4;
	v5 =	vld [tilespmem:s31+$0xFFFFFF20]  }
0xa2: {  	v7 =	vld [tilespmem:s30+$0xFFFFFF20];
	v0 =	vadd.f32 v2, v0  }
0xa3: {  	[tilespmem:s13+$0xFFFFFF10] =	vst v4;
	v2 =	vld [tilespmem:s9+$0xFFFFFEB0]  }
0xa4: {  	v4 =	vld [tilespmem:s31+$0xFFFFFE20];
	[tilespmem:s13+$0x10] =	vst v0;
	v0 =	vadd.f32 v1, v6  }
0xa5: {  	v1 =	vld [tilespmem:s30+$0xFFFFFE20]  }
0xa6: {  	v6 =	vld [tilespmem:s31+$0x20];
	[tilespmem:s13+$0xA0] =	vst v0  }
0xa7: {  	v0 =	vadd.f32 v7, v5;
	v5 =	vld [tilespmem:s31+$0x130]  }
0xa8: {  	v7 =	vld [tilespmem:s30+$0x130];
	v2 =	vadd.f32 v2, v3  }
0xa9: {  	[tilespmem:s13+$0xFFFFFFA0] =	vst v0;
	v0 =	vld [tilespmem:s30+$0x20]  }
0xaa: {  	v1 =	vadd.f32 v1, v4;
	v3 =	vld [tilespmem:s31+$0xFFFFFF30];
	[tilespmem:s12+$0xFFFFFF70] =	vst v2  }
0xab: {  	v2 =	vld [tilespmem:s30+$0xFFFFFF30]  }
0xac: {  	[tilespmem:s13+$0xFFFFFF20] =	vst v1;
	v1 =	vld [tilespmem:s8+$0xFFFFFFB0]  }
0xad: {  	v4 =	vld [tilespmem:s31+$0xFFFFFE30];
	v5 =	vadd.f32 v7, v5  }
0xae: {  	v7 =	vld [tilespmem:s30+$0xFFFFFE30];
	v0 =	vadd.f32 v0, v6  }
0xaf: {  	[tilespmem:s13+$0xB0] =	vst v5;
	v5 =	vld [tilespmem:s9+$0xFFFFFFB0]  }
0xb0: {  	v2 =	vadd.f32 v2, v3;
	[tilespmem:s13+$0x20] =	vst v0;
	v0 =	vld [tilespmem:s31+$0x180]  }
0xb1: {  	v3 =	vld [tilespmem:s30+$0x180]  }
0xb2: {  	[tilespmem:s13+$0xFFFFFFB0] =	vst v2;
	v2 =	vld [tilespmem:s31+$0x30]  }
0xb3: {  	v4 =	vadd.f32 v7, v4;
	v6 =	vld [tilespmem:s30+$0x30]  }
0xb4: {  	v7 =	vld [tilespmem:s31+$0xFFFFFF80];
	v1 =	vadd.f32 v5, v1  }
0xb5: {  	[tilespmem:s13+$0xFFFFFF30] =	vst v4;
	v4 =	vld [tilespmem:s30+$0xFFFFFF80]  }
0xb6: {  	v5 =	vld [tilespmem:s31+$0xFFFFFE80];
	v0 =	vadd.f32 v3, v0;
	[tilespmem:s12+$0xFFFFFFF0] =	vst v1  }
0xb7: {  	v1 =	vld [tilespmem:s30+$0xFFFFFE80]  }
0xb8: {  	v2 =	vadd.f32 v6, v2;
	[tilespmem:s13+$0xC0] =	vst v0;
	v3 =	vld [tilespmem:s8+$0xB0];
	s8 =	smov.u32 s31  }
0xb9: {  	v0 =	vld [tilespmem:s31+$0x190]  }
0xba: {  	v4 =	vadd.f32 v4, v7;
	[tilespmem:s13+$0x30] =	vst v2;
	v2 =	vld [tilespmem:s30+$0x190]  }
0xbb: {  	v6 =	vld [tilespmem:s31+$0x80]  }
0xbc: {  	v1 =	vadd.f32 v1, v5;
	[tilespmem:s13+$0xFFFFFFC0] =	vst v4;
	v4 =	vld [tilespmem:s30+$0x80]  }
0xbd: {  	v5 =	vld [tilespmem:s31+$0xFFFFFF90]  }
0xbe: {  	[tilespmem:s13+$0xFFFFFF40] =	vst v1;
	v1 =	vld [tilespmem:s30+$0xFFFFFF90]  }
0xbf: {  	v7 =	vld [tilespmem:s31+$0xFFFFFE90];
	v0 =	vadd.f32 v2, v0  }
0xc0: {  	v2 =	vld [tilespmem:s30+$0xFFFFFE90]  }
0xc1: {  	v4 =	vadd.f32 v4, v6;
	[tilespmem:s13+$0xD0] =	vst v0;
	v6 =	vld [tilespmem:s9+$0xB0];
	s9 =	smov.u32 s30  }
0xc2: {  	v8 =	vld [tilespmem:s31+$0x1A0]  }
0xc3: {  	v0 =	vadd.f32 v1, v5;
	[tilespmem:s13+$0x40] =	vst v4;
	v5 =	vld [tilespmem:s30+$0x1A0]  }
0xc4: {  	v1 =	vld [tilespmem:s31+$0x90]  }
.Ltmp6:
0xc5: {  	v2 =	vadd.f32 v2, v7;
	[tilespmem:s13+$0xFFFFFFD0] =	vst v0;
	v4 =	vld [tilespmem:s30+$0x90];
	(pc) =	sbr.rel @p4 .LBB2_5-.Ltmp6, $4  }
0xc6: {  	v0 =	vld [tilespmem:s31+$0xFFFFFFA0];
	v7 =	vadd.f32 v6, v3  }
0xc7: {  	[tilespmem:s13+$0xFFFFFF50] =	vst v2;
	v3 =	vld [tilespmem:s30+$0xFFFFFFA0]  }
0xc8: {  	v2 =	vld [tilespmem:s31+$0xFFFFFEA0];
	v6 =	vadd.f32 v5, v8;
	[tilespmem:s12+$0x70] =	vst v7;
	s12 =	smov.u32 s13  }
0xc9: {  	s31 =	sadd.s32 $0x400, s31;
	v5 =	vld [tilespmem:s30+$0xFFFFFEA0]  }
0xca: {  	v1 =	vadd.f32 v4, v1;
	_ =	sdelay $0x1  }
0xcb: {  	[tilespmem:s13+$0x50] =	vst v1  }
0xcc: {  	v1 =	vld [tilespmem:s8+$0xA0]  }
0xcd: {  	v55 =	vld [tilespmem:s9+$0xA0]  }
0xce: {  	[tilespmem:s13+$0xE0] =	vst v6;
	v0 =	vadd.f32 v3, v0  }
0xcf: {  	v56 =	vld [tilespmem:s8+$0x1B0]  }
0xd0: {  	v57 =	vld [tilespmem:s9+$0x1B0];
	v2 =	vadd.f32 v5, v2;
	[tilespmem:s13+$0xFFFFFFE0] =	vst v0  }
0xd1: {  	v60 =	vld [tilespmem:s8+$0xFFFFFFB0]  }
0xd2: {  	v61 =	vld [tilespmem:s9+$0xFFFFFFB0];
	[tilespmem:s13+$0xFFFFFF60] =	vst v2;
	v58 =	vadd.f32 v55, v1  }
0xd3: {  	v2 =	vld [tilespmem:s8+$0xFFFFFEB0]  }
0xd4: {  	v59 =	vld [tilespmem:s9+$0xFFFFFEB0];
	[tilespmem:s12+$0x60] =	vst v58  }
0xd5: {  	v62 =	vld [tilespmem:s8+$0xB0]  }
0xd6: {  	v7 =	vld [tilespmem:s9+$0xB0];
	_ =	sdelay $0x1  }
0xd7: {  	v3 =	vadd.f32 v57, v56  }
.Ltmp7:
0xd8: {  	v0 =	vadd.f32 v61, v60;
	(pc) =	sbr.rel .LBB2_10-.Ltmp7, $4  }
0xd9: {  	[tilespmem:s12+$0xF0] =	vst v3;
	v1 =	vadd.f32 v59, v2  }
0xda: {  	[tilespmem:s12+$0xFFFFFFF0] =	vst v0;
	v63 =	vadd.f32 v7, v62  }
0xdb: {  	[tilespmem:s12+$0xFFFFFF70] =	vst v1  }
0xdc: {  	[tilespmem:s12+$0x70] =	vst v63  }
.LBB2_7:
0xdd: {  	v0 =	vld [tilespmem:s8+$0x100]  }
0xde: {  	v2 =	vld [tilespmem:s8+$0x0]  }
0xdf: {  	v1 =	vld [tilespmem:s8+$0xFFFFFF00]  }
0xe0: {  	v3 =	vld [tilespmem:s8+$0xFFFFFE00];
	_ =	sdelay $0x1  }
0xe1: {  	[tilespmem:s13+$0x80] =	vst v0  }
0xe2: {  	[tilespmem:s13+$0x0] =	vst v2;
	v0 =	vld [tilespmem:s8+$0x110]  }
0xe3: {  	[tilespmem:s13+$0xFFFFFF80] =	vst v1;
	v2 =	vld [tilespmem:s8+$0x10]  }
0xe4: {  	[tilespmem:s13+$0xFFFFFF00] =	vst v3;
	v1 =	vld [tilespmem:s8+$0xFFFFFF10]  }
0xe5: {  	v3 =	vld [tilespmem:s8+$0xFFFFFE10];
	_ =	sdelay $0x1  }
0xe6: {  	[tilespmem:s13+$0x90] =	vst v0  }
0xe7: {  	[tilespmem:s13+$0x10] =	vst v2;
	v0 =	vld [tilespmem:s8+$0x120]  }
0xe8: {  	[tilespmem:s13+$0xFFFFFF90] =	vst v1;
	v2 =	vld [tilespmem:s8+$0x20]  }
0xe9: {  	[tilespmem:s13+$0xFFFFFF10] =	vst v3;
	v1 =	vld [tilespmem:s8+$0xFFFFFF20]  }
0xea: {  	v3 =	vld [tilespmem:s8+$0xFFFFFE20];
	_ =	sdelay $0x1  }
0xeb: {  	[tilespmem:s13+$0xA0] =	vst v0  }
0xec: {  	[tilespmem:s13+$0x20] =	vst v2;
	v0 =	vld [tilespmem:s8+$0x130]  }
0xed: {  	[tilespmem:s13+$0xFFFFFFA0] =	vst v1;
	v2 =	vld [tilespmem:s8+$0x30]  }
0xee: {  	[tilespmem:s13+$0xFFFFFF20] =	vst v3;
	v1 =	vld [tilespmem:s8+$0xFFFFFF30]  }
0xef: {  	v3 =	vld [tilespmem:s8+$0xFFFFFE30];
	_ =	sdelay $0x1  }
0xf0: {  	[tilespmem:s13+$0xB0] =	vst v0  }
0xf1: {  	[tilespmem:s13+$0x30] =	vst v2;
	v0 =	vld [tilespmem:s8+$0x180]  }
0xf2: {  	[tilespmem:s13+$0xFFFFFFB0] =	vst v1;
	v2 =	vld [tilespmem:s8+$0x80]  }
0xf3: {  	[tilespmem:s13+$0xFFFFFF30] =	vst v3;
	v1 =	vld [tilespmem:s8+$0xFFFFFF80]  }
0xf4: {  	v3 =	vld [tilespmem:s8+$0xFFFFFE80]  }
0xf5: {  	s9 =	simm.s32 $0x4800  }
0xf6: {  	v4 =	vld [tilespmem:s9+$0x100];
	[tilespmem:s13+$0xC0] =	vst v0  }
0xf7: {  	[tilespmem:s13+$0x40] =	vst v2;
	v2 =	vld [tilespmem:s9+$0xFFFFFF00]  }
0xf8: {  	[tilespmem:s13+$0xFFFFFFC0] =	vst v1;
	v0 =	vld [tilespmem:s8+$0x190]  }
0xf9: {  	[tilespmem:s13+$0xFFFFFF40] =	vst v3;
	v3 =	vld [tilespmem:s9+$0x0]  }
0xfa: {  	s12 =	simm.s32 $0x12500;
	v1 =	vld [tilespmem:s8+$0xFFFFFF90]  }
0xfb: {  	v5 =	vld [tilespmem:s9+$0xFFFFFE00];
	[tilespmem:s12+$0x80] =	vst v4  }
0xfc: {  	[tilespmem:s12+$0xFFFFFF80] =	vst v2;
	v2 =	vld [tilespmem:s9+$0x110]  }
0xfd: {  	[tilespmem:s13+$0xD0] =	vst v0;
	v4 =	vld [tilespmem:s9+$0xFFFFFF10]  }
0xfe: {  	[tilespmem:s12+$0x0] =	vst v3;
	v0 =	vld [tilespmem:s8+$0x1A0]  }
0xff: {  	[tilespmem:s13+$0xFFFFFFD0] =	vst v1;
	v1 =	vld [tilespmem:s8+$0xFFFFFE90]  }
0x100: {  	[tilespmem:s12+$0xFFFFFF00] =	vst v5;
	v3 =	vld [tilespmem:s9+$0x10]  }
0x101: {  	v5 =	vld [tilespmem:s9+$0xFFFFFE10];
	[tilespmem:s12+$0x90] =	vst v2  }
0x102: {  	[tilespmem:s12+$0xFFFFFF90] =	vst v4;
	v2 =	vld [tilespmem:s9+$0x120]  }
0x103: {  	[tilespmem:s13+$0xE0] =	vst v0;
	v4 =	vld [tilespmem:s9+$0xFFFFFF20]  }
0x104: {  	[tilespmem:s13+$0xFFFFFF50] =	vst v1;
	v0 =	vld [tilespmem:s8+$0x1B0]  }
0x105: {  	v1 =	vld [tilespmem:s8+$0x90];
	[tilespmem:s12+$0x10] =	vst v3  }
0x106: {  	[tilespmem:s12+$0xFFFFFF10] =	vst v5;
	v3 =	vld [tilespmem:s9+$0x20]  }
0x107: {  	v5 =	vld [tilespmem:s9+$0xFFFFFE20];
	[tilespmem:s12+$0xA0] =	vst v2  }
0x108: {  	[tilespmem:s12+$0xFFFFFFA0] =	vst v4;
	v2 =	vld [tilespmem:s9+$0x130]  }
0x109: {  	[tilespmem:s13+$0xF0] =	vst v0;
	v0 =	vld [tilespmem:s8+$0xFFFFFEA0]  }
0x10a: {  	[tilespmem:s13+$0x50] =	vst v1;
	v4 =	vld [tilespmem:s9+$0xFFFFFF30]  }
0x10b: {  	v1 =	vld [tilespmem:s8+$0xFFFFFFA0];
	[tilespmem:s12+$0x20] =	vst v3  }
0x10c: {  	[tilespmem:s12+$0xFFFFFF20] =	vst v5;
	v3 =	vld [tilespmem:s9+$0x30]  }
0x10d: {  	v5 =	vld [tilespmem:s9+$0xFFFFFE30];
	[tilespmem:s12+$0xB0] =	vst v2  }
0x10e: {  	[tilespmem:s13+$0xFFFFFF60] =	vst v0;
	v0 =	vld [tilespmem:s8+$0xA0]  }
0x10f: {  	[tilespmem:s12+$0xFFFFFFB0] =	vst v4;
	v4 =	vld [tilespmem:s9+$0x180]  }
0x110: {  	[tilespmem:s13+$0xFFFFFFE0] =	vst v1;
	v1 =	vld [tilespmem:s8+$0xFFFFFEB0]  }
0x111: {  	[tilespmem:s12+$0x30] =	vst v3;
	v6 =	vld [tilespmem:s9+$0xFFFFFF80]  }
0x112: {  	[tilespmem:s12+$0xFFFFFF30] =	vst v5;
	v5 =	vld [tilespmem:s9+$0x80]  }
0x113: {  	v2 =	vld [tilespmem:s9+$0xFFFFFE80];
	[tilespmem:s13+$0x60] =	vst v0  }
0x114: {  	v0 =	vld [tilespmem:s8+$0xFFFFFFB0];
	[tilespmem:s12+$0xC0] =	vst v4  }
0x115: {  	[tilespmem:s13+$0xFFFFFF70] =	vst v1;
	v1 =	vld [tilespmem:s8+$0xB0]  }
0x116: {  	[tilespmem:s12+$0xFFFFFFC0] =	vst v6;
	v4 =	vld [tilespmem:s9+$0x190]  }
0x117: {  	s16 =	simm.s32 $0x4C00;
	s8 =	simm.s32 $0x4;
	[tilespmem:s12+$0x40] =	vst v5;
	v3 =	vld [tilespmem:s9+$0xFFFFFF90]  }
.LBB2_8:
0x118: {  	v5 =	vld [tilespmem:s16+$0x100];
	s8 =	sadd.s32 $0x4, s8;
	[tilespmem:s12+$0xFFFFFF40] =	vst v2  }
0x119: {  	v2 =	vld [tilespmem:s16+$0xFFFFFF00];
	p4 =	slt.u32 s8, $0x3C;
	[tilespmem:s13+$0xFFFFFFF0] =	vst v0  }
0x11a: {  	v0 =	vld [tilespmem:s16+$0x0];
	[tilespmem:s13+$0x70] =	vst v1;
	s13 =	smov.u32 s12  }
0x11b: {  	v1 =	vld [tilespmem:s16+$0xFFFFFE00];
	[tilespmem:s12+$0xD0] =	vst v4  }
0x11c: {  	s12 =	sadd.s32 $0x200, s12;
	[tilespmem:s13+$0xFFFFFFD0] =	vst v3;
	v3 =	vld [tilespmem:s9+$0x1A0]  }
0x11d: {  	[tilespmem:s12+$0x80] =	vst v5;
	v4 =	vld [tilespmem:s9+$0xFFFFFE90]  }
0x11e: {  	[tilespmem:s12+$0xFFFFFF80] =	vst v2;
	v2 =	vld [tilespmem:s16+$0x110]  }
0x11f: {  	v5 =	vld [tilespmem:s16+$0xFFFFFF10];
	[tilespmem:s12+$0x0] =	vst v0  }
0x120: {  	[tilespmem:s12+$0xFFFFFF00] =	vst v1;
	v0 =	vld [tilespmem:s16+$0x10]  }
0x121: {  	v1 =	vld [tilespmem:s16+$0xFFFFFE10];
	[tilespmem:s13+$0xE0] =	vst v3  }
0x122: {  	[tilespmem:s13+$0xFFFFFF50] =	vst v4;
	v3 =	vld [tilespmem:s9+$0x1B0]  }
0x123: {  	[tilespmem:s12+$0x90] =	vst v2;
	v2 =	vld [tilespmem:s9+$0x90]  }
0x124: {  	[tilespmem:s12+$0xFFFFFF90] =	vst v5;
	v4 =	vld [tilespmem:s16+$0x120]  }
0x125: {  	v5 =	vld [tilespmem:s16+$0xFFFFFF20];
	[tilespmem:s12+$0x10] =	vst v0  }
0x126: {  	[tilespmem:s12+$0xFFFFFF10] =	vst v1;
	v0 =	vld [tilespmem:s16+$0x20]  }
0x127: {  	v1 =	vld [tilespmem:s16+$0xFFFFFE20];
	[tilespmem:s13+$0xF0] =	vst v3  }
0x128: {  	v3 =	vld [tilespmem:s9+$0xFFFFFEA0];
	[tilespmem:s13+$0x50] =	vst v2  }
0x129: {  	[tilespmem:s12+$0xA0] =	vst v4;
	v2 =	vld [tilespmem:s9+$0xFFFFFFA0]  }
0x12a: {  	[tilespmem:s12+$0xFFFFFFA0] =	vst v5;
	v4 =	vld [tilespmem:s16+$0x130]  }
0x12b: {  	v5 =	vld [tilespmem:s16+$0xFFFFFF30];
	[tilespmem:s12+$0x20] =	vst v0  }
0x12c: {  	[tilespmem:s12+$0xFFFFFF20] =	vst v1;
	v0 =	vld [tilespmem:s16+$0x30]  }
0x12d: {  	v1 =	vld [tilespmem:s16+$0xFFFFFE30];
	[tilespmem:s13+$0xFFFFFF60] =	vst v3  }
0x12e: {  	[tilespmem:s13+$0xFFFFFFE0] =	vst v2;
	v3 =	vld [tilespmem:s9+$0xA0]  }
0x12f: {  	[tilespmem:s12+$0xB0] =	vst v4;
	v4 =	vld [tilespmem:s9+$0xFFFFFEB0]  }
0x130: {  	[tilespmem:s12+$0xFFFFFFB0] =	vst v5;
	v5 =	vld [tilespmem:s16+$0x180]  }
0x131: {  	v6 =	vld [tilespmem:s16+$0xFFFFFF80];
	[tilespmem:s12+$0x30] =	vst v0  }
0x132: {  	[tilespmem:s12+$0xFFFFFF30] =	vst v1;
	v7 =	vld [tilespmem:s16+$0x80]  }
.Ltmp8:
0x133: {  	v2 =	vld [tilespmem:s16+$0xFFFFFE80];
	[tilespmem:s13+$0x60] =	vst v3;
	(pc) =	sbr.rel @p4 .LBB2_8-.Ltmp8, $4  }
0x134: {  	[tilespmem:s13+$0xFFFFFF70] =	vst v4;
	v0 =	vld [tilespmem:s9+$0xFFFFFFB0]  }
0x135: {  	[tilespmem:s12+$0xC0] =	vst v5;
	v1 =	vld [tilespmem:s9+$0xB0];
	s9 =	smov.u32 s16  }
0x136: {  	[tilespmem:s12+$0xFFFFFFC0] =	vst v6;
	v4 =	vld [tilespmem:s16+$0x190]  }
0x137: {  	s16 =	sadd.s32 $0x400, s16;
	v3 =	vld [tilespmem:s9+$0xFFFFFF90];
	[tilespmem:s12+$0x40] =	vst v7  }
0x138: {  	[tilespmem:s12+$0xFFFFFF40] =	vst v2;
	v5 =	vld [tilespmem:s9+$0x90]  }
0x139: {  	v2 =	vld [tilespmem:s9+$0xFFFFFE90];
	_ =	sdelay $0x1  }
0x13a: {  	[tilespmem:s12+$0xD0] =	vst v4  }
0x13b: {  	v4 =	vld [tilespmem:s9+$0x1A0];
	[tilespmem:s12+$0xFFFFFFD0] =	vst v3  }
0x13c: {  	[tilespmem:s12+$0x50] =	vst v5;
	v3 =	vld [tilespmem:s9+$0xFFFFFFA0]  }
0x13d: {  	[tilespmem:s12+$0xFFFFFF50] =	vst v2;
	v5 =	vld [tilespmem:s9+$0xA0]  }
0x13e: {  	v2 =	vld [tilespmem:s9+$0xFFFFFEA0];
	_ =	sdelay $0x1  }
0x13f: {  	[tilespmem:s12+$0xE0] =	vst v4  }
0x140: {  	v60 =	vld [tilespmem:s9+$0x1B0];
	[tilespmem:s12+$0xFFFFFFE0] =	vst v3  }
0x141: {  	[tilespmem:s12+$0x60] =	vst v5;
	v62 =	vld [tilespmem:s9+$0xFFFFFFB0]  }
0x142: {  	[tilespmem:s12+$0xFFFFFF60] =	vst v2;
	v63 =	vld [tilespmem:s9+$0xB0]  }
0x143: {  	[tilespmem:s13+$0xFFFFFFF0] =	vst v0;
	v61 =	vld [tilespmem:s9+$0xFFFFFEB0]  }
0x144: {  	[tilespmem:s13+$0x70] =	vst v1  }
0x145: {  	[tilespmem:s12+$0xF0] =	vst v60  }
0x146: {  	[tilespmem:s12+$0xFFFFFFF0] =	vst v62  }
0x147: {  	[tilespmem:s12+$0x70] =	vst v63  }
0x148: {  	[tilespmem:s12+$0xFFFFFF70] =	vst v61  }
.LBB2_10:
0x149: {  	s8 =	sshll.u32 s17, $0xA  }
0x14a: {  	s8 =	sand.u32 $0x1FFFFC00, s8  }
0x14b: {  	s8 =	sadd.s32 s1, s8  }
0x14c: {  	[hbm4b:s8+s3] =	stream.linear.scatter [tilespmem:s29], [sflag:$0x6], $0x2000, $0x38;
	[tilespmem:$0x14200] =	vst v63  }
.LBB2_11:
0x14d: {  	s8 =	sor.u32 $0x20, s15  }
0x14e: {  	s9 =	sshll.u32 s8, $0x4  }
0x14f: {  	s12 =	sadd.s32 s5, s9  }
0x150: {  	[tilespmem:s19], [sflag:$0x2] =	stream.linear.gather [hbm4b:s12+s3], $0x80, $0x38;
	[tilespmem:$0x14200] =	vst v63  }
0x151: {  	s9 =	sadd.s32 s7, s9  }
0x152: {  	[tilespmem:s21], [sflag:$0x2] =	stream.linear.gather [hbm4b:s9+s3], $0x80, $0x38;
	[tilespmem:$0x14200] =	vst v63  }
0x153: {  	_ =	swait.ge [sflag:s22], $0x80  }
0x154: {  	[sflag:s22] =	ssyncset.done $0x0  }
0x155: {  	[sflag:s22] =	ssyncadd.s32 $0xFFFFFF80  }
0x156: {  	_ =	swait.ge [sflag:s22], $0x80  }
0x157: {  	[sflag:s22] =	ssyncset.done $0x0  }
0x158: {  	p4 =	sgt.u32 s8, $0xF42;
	[sflag:s22] =	ssyncadd.s32 $0xFFFFFF80  }
0x159: {  	[tilespmem:s23], [sflag:$0x4] =	stream.indirect.gather [hbm4b:s4+s19], $0x80, s19, s19, $0xb8;
	[tilespmem:$0x14200] =	vst v63  }
0x15a: {  	s8 =	simm.s32 @!p4 $0x80;
	s12 =	simm.s32 @!p4 $0xC200;
	s9 =	simm.s32 @!p4 $0x180  }
0x15b: {  	[tilespmem:s12], [sflag:$0x4] =	stream.indirect.gather @!p4 [hbm4b:s4+s8], $0x80, s9, s8, $0xb8;
	[tilespmem:$0x14200] =	vst v63  }
0x15c: {  	_ =	swait.ge [sflag:s24], $0x4000  }
0x15d: {  	[sflag:s24] =	ssyncset.done $0x0  }
0x15e: {  	s8 =	simm.s32 @!p2 $0x3;
	[sflag:s24] =	ssyncadd.s32 $0xFFFFC000  }
0x15f: {  	_ =	swait.ge @!p2 [sflag:s8], $0x4000  }
.Ltmp9:
0x160: {  	[sflag:s8] =	ssyncset.done @!p2 $0x0;
	(pc) =	sbr.rel @!p2 .LBB2_12-.Ltmp9, $4  }
0x161: {  	[sflag:s8] =	ssyncadd.s32 @!p2 $0xFFFFC000;
	s8 =	simm.s32 @!p3 $0x5  }
0x162: {  	_ =	swait.ge @!p3 [sflag:s8], $0x2000  }
0x163: {  	s13 =	simm.s32 $0x10300;
	[sflag:s8] =	ssyncset.done @!p3 $0x0  }
0x164: {  	s9 =	simm.s32 $0x8440;
	[sflag:s8] =	ssyncadd.s32 @!p3 $0xFFFFE000;
	s8 =	simm.s32 $0x400  }
0x165: {  	v0 =	vld [tilespmem:s8+$0x100]  }
0x166: {  	v2 =	vld [tilespmem:s8+$0x0]  }
0x167: {  	v1 =	vld [tilespmem:s8+$0xFFFFFF00]  }
0x168: {  	v3 =	vld [tilespmem:s8+$0xFFFFFE00];
	_ =	sdelay $0x1  }
0x169: {  	[tilespmem:s13+$0x80] =	vst v0  }
0x16a: {  	[tilespmem:s13+$0x0] =	vst v2;
	v0 =	vld [tilespmem:s8+$0x110]  }
0x16b: {  	[tilespmem:s13+$0xFFFFFF80] =	vst v1;
	v2 =	vld [tilespmem:s8+$0x10]  }
0x16c: {  	[tilespmem:s13+$0xFFFFFF00] =	vst v3;
	v1 =	vld [tilespmem:s8+$0xFFFFFF10]  }
0x16d: {  	v3 =	vld [tilespmem:s8+$0xFFFFFE10];
	_ =	sdelay $0x1  }
0x16e: {  	[tilespmem:s13+$0x90] =	vst v0  }
0x16f: {  	[tilespmem:s13+$0x10] =	vst v2;
	v0 =	vld [tilespmem:s8+$0x120]  }
0x170: {  	[tilespmem:s13+$0xFFFFFF90] =	vst v1;
	v2 =	vld [tilespmem:s8+$0x20]  }
0x171: {  	[tilespmem:s13+$0xFFFFFF10] =	vst v3;
	v1 =	vld [tilespmem:s8+$0xFFFFFF20]  }
0x172: {  	v3 =	vld [tilespmem:s8+$0xFFFFFE20];
	_ =	sdelay $0x1  }
0x173: {  	[tilespmem:s13+$0xA0] =	vst v0  }
0x174: {  	[tilespmem:s13+$0x20] =	vst v2;
	v0 =	vld [tilespmem:s8+$0x130]  }
0x175: {  	[tilespmem:s13+$0xFFFFFFA0] =	vst v1;
	v2 =	vld [tilespmem:s8+$0x30]  }
0x176: {  	[tilespmem:s13+$0xFFFFFF20] =	vst v3;
	v1 =	vld [tilespmem:s8+$0xFFFFFF30]  }
0x177: {  	v3 =	vld [tilespmem:s8+$0xFFFFFE30];
	_ =	sdelay $0x1  }
0x178: {  	[tilespmem:s13+$0xB0] =	vst v0  }
0x179: {  	[tilespmem:s13+$0x30] =	vst v2;
	v0 =	vld [tilespmem:s8+$0x180]  }
0x17a: {  	[tilespmem:s13+$0xFFFFFFB0] =	vst v1;
	v2 =	vld [tilespmem:s8+$0x80]  }
0x17b: {  	[tilespmem:s13+$0xFFFFFF30] =	vst v3;
	v1 =	vld [tilespmem:s8+$0xFFFFFF80]  }
0x17c: {  	v3 =	vld [tilespmem:s8+$0xFFFFFE80]  }
0x17d: {  	s9 =	simm.s32 $0x800  }
0x17e: {  	v4 =	vld [tilespmem:s9+$0x100];
	[tilespmem:s13+$0xC0] =	vst v0  }
0x17f: {  	[tilespmem:s13+$0x40] =	vst v2;
	v2 =	vld [tilespmem:s9+$0xFFFFFF00]  }
0x180: {  	[tilespmem:s13+$0xFFFFFFC0] =	vst v1;
	v0 =	vld [tilespmem:s8+$0x190]  }
0x181: {  	[tilespmem:s13+$0xFFFFFF40] =	vst v3;
	v3 =	vld [tilespmem:s9+$0x0]  }
0x182: {  	s12 =	simm.s32 $0x10500;
	v1 =	vld [tilespmem:s8+$0xFFFFFF90]  }
0x183: {  	v5 =	vld [tilespmem:s9+$0xFFFFFE00];
	[tilespmem:s12+$0x80] =	vst v4  }
0x184: {  	[tilespmem:s12+$0xFFFFFF80] =	vst v2;
	v2 =	vld [tilespmem:s9+$0x110]  }
0x185: {  	[tilespmem:s13+$0xD0] =	vst v0;
	v4 =	vld [tilespmem:s9+$0xFFFFFF10]  }
0x186: {  	[tilespmem:s12+$0x0] =	vst v3;
	v0 =	vld [tilespmem:s8+$0x1A0]  }
0x187: {  	[tilespmem:s13+$0xFFFFFFD0] =	vst v1;
	v1 =	vld [tilespmem:s8+$0xFFFFFE90]  }
0x188: {  	[tilespmem:s12+$0xFFFFFF00] =	vst v5;
	v3 =	vld [tilespmem:s9+$0x10]  }
0x189: {  	v5 =	vld [tilespmem:s9+$0xFFFFFE10];
	[tilespmem:s12+$0x90] =	vst v2  }
0x18a: {  	[tilespmem:s12+$0xFFFFFF90] =	vst v4;
	v2 =	vld [tilespmem:s9+$0x120]  }
0x18b: {  	[tilespmem:s13+$0xE0] =	vst v0;
	v4 =	vld [tilespmem:s9+$0xFFFFFF20]  }
0x18c: {  	[tilespmem:s13+$0xFFFFFF50] =	vst v1;
	v0 =	vld [tilespmem:s8+$0x1B0]  }
0x18d: {  	v1 =	vld [tilespmem:s8+$0x90];
	[tilespmem:s12+$0x10] =	vst v3  }
0x18e: {  	[tilespmem:s12+$0xFFFFFF10] =	vst v5;
	v3 =	vld [tilespmem:s9+$0x20]  }
0x18f: {  	v5 =	vld [tilespmem:s9+$0xFFFFFE20];
	[tilespmem:s12+$0xA0] =	vst v2  }
0x190: {  	[tilespmem:s12+$0xFFFFFFA0] =	vst v4;
	v2 =	vld [tilespmem:s9+$0x130]  }
0x191: {  	[tilespmem:s13+$0xF0] =	vst v0;
	v0 =	vld [tilespmem:s8+$0xFFFFFEA0]  }
0x192: {  	[tilespmem:s13+$0x50] =	vst v1;
	v4 =	vld [tilespmem:s9+$0xFFFFFF30]  }
0x193: {  	v1 =	vld [tilespmem:s8+$0xFFFFFFA0];
	[tilespmem:s12+$0x20] =	vst v3  }
0x194: {  	[tilespmem:s12+$0xFFFFFF20] =	vst v5;
	v3 =	vld [tilespmem:s9+$0x30]  }
0x195: {  	v5 =	vld [tilespmem:s9+$0xFFFFFE30];
	[tilespmem:s12+$0xB0] =	vst v2  }
0x196: {  	[tilespmem:s13+$0xFFFFFF60] =	vst v0;
	v0 =	vld [tilespmem:s8+$0xA0]  }
0x197: {  	[tilespmem:s12+$0xFFFFFFB0] =	vst v4;
	v4 =	vld [tilespmem:s9+$0x180]  }
0x198: {  	[tilespmem:s13+$0xFFFFFFE0] =	vst v1;
	v1 =	vld [tilespmem:s8+$0xFFFFFEB0]  }
0x199: {  	[tilespmem:s12+$0x30] =	vst v3;
	v6 =	vld [tilespmem:s9+$0xFFFFFF80]  }
0x19a: {  	[tilespmem:s12+$0xFFFFFF30] =	vst v5;
	v5 =	vld [tilespmem:s9+$0x80]  }
0x19b: {  	v2 =	vld [tilespmem:s9+$0xFFFFFE80];
	[tilespmem:s13+$0x60] =	vst v0  }
0x19c: {  	v0 =	vld [tilespmem:s8+$0xFFFFFFB0];
	[tilespmem:s12+$0xC0] =	vst v4  }
0x19d: {  	[tilespmem:s13+$0xFFFFFF70] =	vst v1;
	v1 =	vld [tilespmem:s8+$0xB0]  }
0x19e: {  	[tilespmem:s12+$0xFFFFFFC0] =	vst v6;
	v4 =	vld [tilespmem:s9+$0x190]  }
0x19f: {  	s16 =	simm.s32 $0xC00;
	s8 =	simm.s32 $0x4;
	[tilespmem:s12+$0x40] =	vst v5;
	v3 =	vld [tilespmem:s9+$0xFFFFFF90]  }
.LBB2_16:
0x1a0: {  	v5 =	vld [tilespmem:s16+$0x100];
	s8 =	sadd.s32 $0x4, s8;
	[tilespmem:s12+$0xFFFFFF40] =	vst v2  }
0x1a1: {  	v2 =	vld [tilespmem:s16+$0xFFFFFF00];
	p2 =	slt.u32 s8, $0x3C;
	[tilespmem:s13+$0xFFFFFFF0] =	vst v0  }
0x1a2: {  	v0 =	vld [tilespmem:s16+$0x0];
	[tilespmem:s13+$0x70] =	vst v1;
	s13 =	smov.u32 s12  }
0x1a3: {  	v1 =	vld [tilespmem:s16+$0xFFFFFE00];
	[tilespmem:s12+$0xD0] =	vst v4  }
0x1a4: {  	s12 =	sadd.s32 $0x200, s12;
	[tilespmem:s13+$0xFFFFFFD0] =	vst v3;
	v3 =	vld [tilespmem:s9+$0x1A0]  }
0x1a5: {  	[tilespmem:s12+$0x80] =	vst v5;
	v4 =	vld [tilespmem:s9+$0xFFFFFE90]  }
0x1a6: {  	[tilespmem:s12+$0xFFFFFF80] =	vst v2;
	v2 =	vld [tilespmem:s16+$0x110]  }
0x1a7: {  	v5 =	vld [tilespmem:s16+$0xFFFFFF10];
	[tilespmem:s12+$0x0] =	vst v0  }
0x1a8: {  	[tilespmem:s12+$0xFFFFFF00] =	vst v1;
	v0 =	vld [tilespmem:s16+$0x10]  }
0x1a9: {  	v1 =	vld [tilespmem:s16+$0xFFFFFE10];
	[tilespmem:s13+$0xE0] =	vst v3  }
0x1aa: {  	[tilespmem:s13+$0xFFFFFF50] =	vst v4;
	v3 =	vld [tilespmem:s9+$0x1B0]  }
0x1ab: {  	[tilespmem:s12+$0x90] =	vst v2;
	v2 =	vld [tilespmem:s9+$0x90]  }
0x1ac: {  	[tilespmem:s12+$0xFFFFFF90] =	vst v5;
	v4 =	vld [tilespmem:s16+$0x120]  }
0x1ad: {  	v5 =	vld [tilespmem:s16+$0xFFFFFF20];
	[tilespmem:s12+$0x10] =	vst v0  }
0x1ae: {  	[tilespmem:s12+$0xFFFFFF10] =	vst v1;
	v0 =	vld [tilespmem:s16+$0x20]  }
0x1af: {  	v1 =	vld [tilespmem:s16+$0xFFFFFE20];
	[tilespmem:s13+$0xF0] =	vst v3  }
0x1b0: {  	v3 =	vld [tilespmem:s9+$0xFFFFFEA0];
	[tilespmem:s13+$0x50] =	vst v2  }
0x1b1: {  	[tilespmem:s12+$0xA0] =	vst v4;
	v2 =	vld [tilespmem:s9+$0xFFFFFFA0]  }
0x1b2: {  	[tilespmem:s12+$0xFFFFFFA0] =	vst v5;
	v4 =	vld [tilespmem:s16+$0x130]  }
0x1b3: {  	v5 =	vld [tilespmem:s16+$0xFFFFFF30];
	[tilespmem:s12+$0x20] =	vst v0  }
0x1b4: {  	[tilespmem:s12+$0xFFFFFF20] =	vst v1;
	v0 =	vld [tilespmem:s16+$0x30]  }
0x1b5: {  	v1 =	vld [tilespmem:s16+$0xFFFFFE30];
	[tilespmem:s13+$0xFFFFFF60] =	vst v3  }
0x1b6: {  	[tilespmem:s13+$0xFFFFFFE0] =	vst v2;
	v3 =	vld [tilespmem:s9+$0xA0]  }
0x1b7: {  	[tilespmem:s12+$0xB0] =	vst v4;
	v4 =	vld [tilespmem:s9+$0xFFFFFEB0]  }
0x1b8: {  	[tilespmem:s12+$0xFFFFFFB0] =	vst v5;
	v5 =	vld [tilespmem:s16+$0x180]  }
0x1b9: {  	v6 =	vld [tilespmem:s16+$0xFFFFFF80];
	[tilespmem:s12+$0x30] =	vst v0  }
0x1ba: {  	[tilespmem:s12+$0xFFFFFF30] =	vst v1;
	v7 =	vld [tilespmem:s16+$0x80]  }
.Ltmp10:
0x1bb: {  	v2 =	vld [tilespmem:s16+$0xFFFFFE80];
	[tilespmem:s13+$0x60] =	vst v3;
	(pc) =	sbr.rel @p2 .LBB2_16-.Ltmp10, $4  }
0x1bc: {  	[tilespmem:s13+$0xFFFFFF70] =	vst v4;
	v0 =	vld [tilespmem:s9+$0xFFFFFFB0]  }
0x1bd: {  	[tilespmem:s12+$0xC0] =	vst v5;
	v1 =	vld [tilespmem:s9+$0xB0];
	s9 =	smov.u32 s16  }
0x1be: {  	[tilespmem:s12+$0xFFFFFFC0] =	vst v6;
	v4 =	vld [tilespmem:s16+$0x190]  }
0x1bf: {  	s16 =	sadd.s32 $0x400, s16;
	v3 =	vld [tilespmem:s9+$0xFFFFFF90];
	[tilespmem:s12+$0x40] =	vst v7  }
0x1c0: {  	[tilespmem:s12+$0xFFFFFF40] =	vst v2;
	v5 =	vld [tilespmem:s9+$0x90]  }
0x1c1: {  	v2 =	vld [tilespmem:s9+$0xFFFFFE90];
	_ =	sdelay $0x1  }
0x1c2: {  	[tilespmem:s12+$0xD0] =	vst v4  }
0x1c3: {  	v4 =	vld [tilespmem:s9+$0x1A0];
	[tilespmem:s12+$0xFFFFFFD0] =	vst v3  }
0x1c4: {  	[tilespmem:s12+$0x50] =	vst v5;
	v3 =	vld [tilespmem:s9+$0xFFFFFFA0]  }
0x1c5: {  	[tilespmem:s12+$0xFFFFFF50] =	vst v2;
	v5 =	vld [tilespmem:s9+$0xA0]  }
0x1c6: {  	v2 =	vld [tilespmem:s9+$0xFFFFFEA0];
	_ =	sdelay $0x1  }
0x1c7: {  	[tilespmem:s12+$0xE0] =	vst v4  }
0x1c8: {  	v60 =	vld [tilespmem:s9+$0x1B0];
	[tilespmem:s12+$0xFFFFFFE0] =	vst v3  }
0x1c9: {  	[tilespmem:s12+$0x60] =	vst v5;
	v62 =	vld [tilespmem:s9+$0xFFFFFFB0]  }
0x1ca: {  	[tilespmem:s12+$0xFFFFFF60] =	vst v2;
	v63 =	vld [tilespmem:s9+$0xB0]  }
0x1cb: {  	[tilespmem:s13+$0xFFFFFFF0] =	vst v0;
	v61 =	vld [tilespmem:s9+$0xFFFFFEB0]  }
.Ltmp11:
0x1cc: {  	[tilespmem:s13+$0x70] =	vst v1;
	(pc) =	sbr.rel .LBB2_18-.Ltmp11, $4  }
0x1cd: {  	[tilespmem:s12+$0xF0] =	vst v60  }
0x1ce: {  	[tilespmem:s12+$0xFFFFFFF0] =	vst v62  }
0x1cf: {  	[tilespmem:s12+$0x70] =	vst v63  }
0x1d0: {  	[tilespmem:s12+$0xFFFFFF70] =	vst v61  }
.LBB2_12:
0x1d1: {  	v0 =	vld [tilespmem:s8+$0x100]  }
0x1d2: {  	v1 =	vld [tilespmem:s9+$0x100];
	_ =	sdelay $0x2  }
0x1d3: {  	v2 =	vld [tilespmem:s8+$0xFFFFFF00]  }
0x1d4: {  	v3 =	vld [tilespmem:s9+$0xFFFFFF00]  }
0x1d5: {  	v4 =	vld [tilespmem:s9+$0xFFFFFE00];
	v0 =	vadd.f32 v1, v0  }
0x1d6: {  	v1 =	vld [tilespmem:s8+$0xFFFFFE00]  }
0x1d7: {  	[tilespmem:s13+$0x80] =	vst v0  }
0x1d8: {  	v0 =	vld [tilespmem:s8+$0x110]  }
0x1d9: {  	v2 =	vadd.f32 v3, v2;
	v3 =	vld [tilespmem:s9+$0x110]  }
0x1da: {  	v5 =	vld [tilespmem:s8+$0x0]  }
0x1db: {  	v6 =	vld [tilespmem:s9+$0x0];
	[tilespmem:s13+$0xFFFFFF80] =	vst v2;
	v1 =	vadd.f32 v4, v1  }
0x1dc: {  	v2 =	vld [tilespmem:s8+$0xFFFFFF10]  }
0x1dd: {  	v4 =	vld [tilespmem:s9+$0xFFFFFF10];
	[tilespmem:s13+$0xFFFFFF00] =	vst v1  }
0x1de: {  	v1 =	vld [tilespmem:s8+$0xFFFFFE10];
	v0 =	vadd.f32 v3, v0  }
0x1df: {  	v3 =	vld [tilespmem:s9+$0xFFFFFE10]  }
0x1e0: {  	v5 =	vadd.f32 v6, v5;
	[tilespmem:s13+$0x90] =	vst v0  }
0x1e1: {  	v0 =	vld [tilespmem:s8+$0x120]  }
0x1e2: {  	[tilespmem:s13+$0x0] =	vst v5;
	v2 =	vadd.f32 v4, v2;
	v4 =	vld [tilespmem:s9+$0x120]  }
0x1e3: {  	v5 =	vld [tilespmem:s8+$0x10]  }
0x1e4: {  	v6 =	vld [tilespmem:s9+$0x10];
	[tilespmem:s13+$0xFFFFFF90] =	vst v2;
	v1 =	vadd.f32 v3, v1  }
0x1e5: {  	v2 =	vld [tilespmem:s8+$0xFFFFFF20]  }
0x1e6: {  	v3 =	vld [tilespmem:s9+$0xFFFFFF20];
	[tilespmem:s13+$0xFFFFFF10] =	vst v1  }
0x1e7: {  	v1 =	vld [tilespmem:s8+$0xFFFFFE20];
	v0 =	vadd.f32 v4, v0  }
0x1e8: {  	v4 =	vld [tilespmem:s9+$0xFFFFFE20]  }
0x1e9: {  	v5 =	vadd.f32 v6, v5;
	[tilespmem:s13+$0xA0] =	vst v0  }
0x1ea: {  	v0 =	vld [tilespmem:s8+$0x130]  }
0x1eb: {  	[tilespmem:s13+$0x10] =	vst v5;
	v2 =	vadd.f32 v3, v2;
	v3 =	vld [tilespmem:s9+$0x130]  }
0x1ec: {  	v5 =	vld [tilespmem:s8+$0x20]  }
0x1ed: {  	[tilespmem:s13+$0xFFFFFFA0] =	vst v2;
	v2 =	vld [tilespmem:s9+$0x20];
	v1 =	vadd.f32 v4, v1  }
0x1ee: {  	v4 =	vld [tilespmem:s8+$0xFFFFFF30]  }
0x1ef: {  	v6 =	vld [tilespmem:s9+$0xFFFFFF30];
	[tilespmem:s13+$0xFFFFFF20] =	vst v1  }
0x1f0: {  	v1 =	vld [tilespmem:s8+$0xFFFFFE30];
	v0 =	vadd.f32 v3, v0  }
0x1f1: {  	v3 =	vld [tilespmem:s9+$0xFFFFFE30]  }
0x1f2: {  	v2 =	vadd.f32 v2, v5;
	[tilespmem:s13+$0xB0] =	vst v0  }
0x1f3: {  	v0 =	vld [tilespmem:s8+$0x180]  }
0x1f4: {  	v4 =	vadd.f32 v6, v4;
	[tilespmem:s13+$0x20] =	vst v2;
	v2 =	vld [tilespmem:s9+$0x180]  }
0x1f5: {  	v5 =	vld [tilespmem:s8+$0x30]  }
0x1f6: {  	[tilespmem:s13+$0xFFFFFFB0] =	vst v4;
	v1 =	vadd.f32 v3, v1;
	v3 =	vld [tilespmem:s9+$0x30]  }
0x1f7: {  	v4 =	vld [tilespmem:s8+$0xFFFFFF80]  }
0x1f8: {  	[tilespmem:s13+$0xFFFFFF30] =	vst v1;
	v1 =	vld [tilespmem:s9+$0xFFFFFF80]  }
0x1f9: {  	v6 =	vld [tilespmem:s8+$0xFFFFFE80];
	v0 =	vadd.f32 v2, v0  }
0x1fa: {  	v2 =	vld [tilespmem:s9+$0xFFFFFE80]  }
0x1fb: {  	v3 =	vadd.f32 v3, v5;
	[tilespmem:s13+$0xC0] =	vst v0  }
0x1fc: {  	v0 =	vld [tilespmem:s8+$0x190]  }
0x1fd: {  	v1 =	vadd.f32 v1, v4;
	[tilespmem:s13+$0x30] =	vst v3;
	v3 =	vld [tilespmem:s9+$0x190]  }
0x1fe: {  	v4 =	vld [tilespmem:s8+$0x80]  }
0x1ff: {  	v2 =	vadd.f32 v2, v6;
	[tilespmem:s13+$0xFFFFFFC0] =	vst v1;
	v1 =	vld [tilespmem:s9+$0x80]  }
0x200: {  	v5 =	vld [tilespmem:s8+$0xFFFFFF90]  }
0x201: {  	[tilespmem:s13+$0xFFFFFF40] =	vst v2;
	v2 =	vld [tilespmem:s9+$0xFFFFFF90]  }
0x202: {  	v6 =	vld [tilespmem:s8+$0xFFFFFE90];
	v0 =	vadd.f32 v3, v0  }
0x203: {  	v3 =	vld [tilespmem:s9+$0xFFFFFE90]  }
0x204: {  	v1 =	vadd.f32 v1, v4;
	[tilespmem:s13+$0xD0] =	vst v0  }
0x205: {  	v7 =	vld [tilespmem:s8+$0x1A0]  }
0x206: {  	v0 =	vadd.f32 v2, v5;
	v5 =	vld [tilespmem:s9+$0x1A0];
	[tilespmem:s13+$0x40] =	vst v1  }
0x207: {  	v1 =	vld [tilespmem:s8+$0x90]  }
0x208: {  	v2 =	vadd.f32 v3, v6;
	[tilespmem:s13+$0xFFFFFFD0] =	vst v0;
	v4 =	vld [tilespmem:s9+$0x90]  }
0x209: {  	v0 =	vld [tilespmem:s8+$0xFFFFFFA0]  }
0x20a: {  	v3 =	vld [tilespmem:s9+$0xFFFFFFA0];
	[tilespmem:s13+$0xFFFFFF50] =	vst v2  }
0x20b: {  	s16 =	simm.s32 $0x0;
	v2 =	vld [tilespmem:s8+$0xFFFFFEA0];
	v6 =	vadd.f32 v5, v7  }
0x20c: {  	s17 =	simm.s32 $0x800;
	s30 =	simm.s32 $0x8440;
	s12 =	simm.s32 $0x10300;
	v5 =	vld [tilespmem:s9+$0xFFFFFEA0]  }
.LBB2_13:
0x20d: {  	v7 =	vld [tilespmem:s17+$0x100];
	v1 =	vadd.f32 v4, v1;
	[tilespmem:s13+$0xE0] =	vst v6  }
0x20e: {  	v4 =	vld [tilespmem:s8+$0x1B0]  }
0x20f: {  	v0 =	vadd.f32 v3, v0;
	s30 =	sadd.s32 $0x400, s30;
	[tilespmem:s13+$0x50] =	vst v1;
	v1 =	vld [tilespmem:s9+$0x1B0]  }
0x210: {  	v3 =	vld [tilespmem:s30+$0x100]  }
0x211: {  	v2 =	vadd.f32 v5, v2;
	v6 =	vld [tilespmem:s30+$0xFFFFFE00];
	[tilespmem:s13+$0xFFFFFFE0] =	vst v0  }
0x212: {  	v0 =	vld [tilespmem:s17+$0xFFFFFF00]  }
0x213: {  	v5 =	vld [tilespmem:s30+$0xFFFFFF00];
	[tilespmem:s13+$0xFFFFFF60] =	vst v2  }
0x214: {  	v2 =	vld [tilespmem:s17+$0x0];
	v1 =	vadd.f32 v1, v4  }
0x215: {  	v4 =	vld [tilespmem:s30+$0x0];
	v3 =	vadd.f32 v3, v7  }
0x216: {  	s13 =	sadd.s32 $0x200, s13;
	v7 =	vld [tilespmem:s17+$0xFFFFFE00];
	[tilespmem:s12+$0xF0] =	vst v1  }
0x217: {  	s16 =	sadd.s32 $0x4, s16;
	[tilespmem:s13+$0x80] =	vst v3;
	v1 =	vld [tilespmem:s8+$0xA0]  }
0x218: {  	p2 =	slt.u32 s16, $0x3C;
	v0 =	vadd.f32 v5, v0;
	v3 =	vld [tilespmem:s17+$0x110]  }
0x219: {  	v5 =	vld [tilespmem:s30+$0x110]  }
0x21a: {  	[tilespmem:s13+$0xFFFFFF80] =	vst v0;
	v0 =	vadd.f32 v4, v2;
	v2 =	vld [tilespmem:s9+$0xA0]  }
0x21b: {  	v4 =	vadd.f32 v6, v7;
	v6 =	vld [tilespmem:s17+$0xFFFFFF10]  }
0x21c: {  	v7 =	vld [tilespmem:s30+$0xFFFFFF10];
	[tilespmem:s13+$0x0] =	vst v0  }
0x21d: {  	[tilespmem:s13+$0xFFFFFF00] =	vst v4;
	v0 =	vld [tilespmem:s17+$0x10]  }
0x21e: {  	v4 =	vld [tilespmem:s17+$0xFFFFFE10];
	v3 =	vadd.f32 v5, v3  }
0x21f: {  	v5 =	vld [tilespmem:s30+$0xFFFFFE10];
	v1 =	vadd.f32 v2, v1  }
0x220: {  	v2 =	vld [tilespmem:s30+$0x10];
	[tilespmem:s13+$0x90] =	vst v3  }
0x221: {  	v3 =	vadd.f32 v7, v6;
	v6 =	vld [tilespmem:s17+$0x120];
	[tilespmem:s12+$0x60] =	vst v1  }
0x222: {  	v1 =	vld [tilespmem:s30+$0x120]  }
0x223: {  	[tilespmem:s13+$0xFFFFFF90] =	vst v3;
	v3 =	vld [tilespmem:s8+$0xFFFFFEB0]  }
0x224: {  	v4 =	vadd.f32 v5, v4;
	v5 =	vld [tilespmem:s17+$0xFFFFFF20]  }
0x225: {  	v7 =	vld [tilespmem:s30+$0xFFFFFF20];
	v0 =	vadd.f32 v2, v0  }
0x226: {  	[tilespmem:s13+$0xFFFFFF10] =	vst v4;
	v2 =	vld [tilespmem:s9+$0xFFFFFEB0]  }
0x227: {  	v4 =	vld [tilespmem:s17+$0xFFFFFE20];
	[tilespmem:s13+$0x10] =	vst v0;
	v0 =	vadd.f32 v1, v6  }
0x228: {  	v1 =	vld [tilespmem:s30+$0xFFFFFE20]  }
0x229: {  	v6 =	vld [tilespmem:s17+$0x20];
	[tilespmem:s13+$0xA0] =	vst v0  }
0x22a: {  	v0 =	vadd.f32 v7, v5;
	v5 =	vld [tilespmem:s17+$0x130]  }
0x22b: {  	v7 =	vld [tilespmem:s30+$0x130];
	v2 =	vadd.f32 v2, v3  }
0x22c: {  	[tilespmem:s13+$0xFFFFFFA0] =	vst v0;
	v0 =	vld [tilespmem:s30+$0x20]  }
0x22d: {  	v1 =	vadd.f32 v1, v4;
	v3 =	vld [tilespmem:s17+$0xFFFFFF30];
	[tilespmem:s12+$0xFFFFFF70] =	vst v2  }
0x22e: {  	v2 =	vld [tilespmem:s30+$0xFFFFFF30]  }
0x22f: {  	[tilespmem:s13+$0xFFFFFF20] =	vst v1;
	v1 =	vld [tilespmem:s8+$0xFFFFFFB0]  }
0x230: {  	v4 =	vld [tilespmem:s17+$0xFFFFFE30];
	v5 =	vadd.f32 v7, v5  }
0x231: {  	v7 =	vld [tilespmem:s30+$0xFFFFFE30];
	v0 =	vadd.f32 v0, v6  }
0x232: {  	[tilespmem:s13+$0xB0] =	vst v5;
	v5 =	vld [tilespmem:s9+$0xFFFFFFB0]  }
0x233: {  	v2 =	vadd.f32 v2, v3;
	[tilespmem:s13+$0x20] =	vst v0;
	v0 =	vld [tilespmem:s17+$0x180]  }
0x234: {  	v3 =	vld [tilespmem:s30+$0x180]  }
0x235: {  	[tilespmem:s13+$0xFFFFFFB0] =	vst v2;
	v2 =	vld [tilespmem:s17+$0x30]  }
0x236: {  	v4 =	vadd.f32 v7, v4;
	v6 =	vld [tilespmem:s30+$0x30]  }
0x237: {  	v7 =	vld [tilespmem:s17+$0xFFFFFF80];
	v1 =	vadd.f32 v5, v1  }
0x238: {  	[tilespmem:s13+$0xFFFFFF30] =	vst v4;
	v4 =	vld [tilespmem:s30+$0xFFFFFF80]  }
0x239: {  	v5 =	vld [tilespmem:s17+$0xFFFFFE80];
	v0 =	vadd.f32 v3, v0;
	[tilespmem:s12+$0xFFFFFFF0] =	vst v1  }
0x23a: {  	v1 =	vld [tilespmem:s30+$0xFFFFFE80]  }
0x23b: {  	v2 =	vadd.f32 v6, v2;
	[tilespmem:s13+$0xC0] =	vst v0;
	v3 =	vld [tilespmem:s8+$0xB0];
	s8 =	smov.u32 s17  }
0x23c: {  	v0 =	vld [tilespmem:s17+$0x190]  }
0x23d: {  	v4 =	vadd.f32 v4, v7;
	[tilespmem:s13+$0x30] =	vst v2;
	v2 =	vld [tilespmem:s30+$0x190]  }
0x23e: {  	v6 =	vld [tilespmem:s17+$0x80]  }
0x23f: {  	v1 =	vadd.f32 v1, v5;
	[tilespmem:s13+$0xFFFFFFC0] =	vst v4;
	v4 =	vld [tilespmem:s30+$0x80]  }
0x240: {  	v5 =	vld [tilespmem:s17+$0xFFFFFF90]  }
0x241: {  	[tilespmem:s13+$0xFFFFFF40] =	vst v1;
	v1 =	vld [tilespmem:s30+$0xFFFFFF90]  }
0x242: {  	v7 =	vld [tilespmem:s17+$0xFFFFFE90];
	v0 =	vadd.f32 v2, v0  }
0x243: {  	v2 =	vld [tilespmem:s30+$0xFFFFFE90]  }
0x244: {  	v4 =	vadd.f32 v4, v6;
	[tilespmem:s13+$0xD0] =	vst v0;
	v6 =	vld [tilespmem:s9+$0xB0];
	s9 =	smov.u32 s30  }
0x245: {  	v8 =	vld [tilespmem:s17+$0x1A0]  }
0x246: {  	v0 =	vadd.f32 v1, v5;
	[tilespmem:s13+$0x40] =	vst v4;
	v5 =	vld [tilespmem:s30+$0x1A0]  }
0x247: {  	v1 =	vld [tilespmem:s17+$0x90]  }
.Ltmp12:
0x248: {  	v2 =	vadd.f32 v2, v7;
	[tilespmem:s13+$0xFFFFFFD0] =	vst v0;
	v4 =	vld [tilespmem:s30+$0x90];
	(pc) =	sbr.rel @p2 .LBB2_13-.Ltmp12, $4  }
0x249: {  	v0 =	vld [tilespmem:s17+$0xFFFFFFA0];
	v7 =	vadd.f32 v6, v3  }
0x24a: {  	[tilespmem:s13+$0xFFFFFF50] =	vst v2;
	v3 =	vld [tilespmem:s30+$0xFFFFFFA0]  }
0x24b: {  	v2 =	vld [tilespmem:s17+$0xFFFFFEA0];
	v6 =	vadd.f32 v5, v8;
	[tilespmem:s12+$0x70] =	vst v7;
	s12 =	smov.u32 s13  }
0x24c: {  	s17 =	sadd.s32 $0x400, s17;
	v5 =	vld [tilespmem:s30+$0xFFFFFEA0]  }
.Ltmp13:
0x24d: {  	_ = 	snop;
	(pc) =	sbr.rel .LBB2_14-.Ltmp13, $1  }
0x24e: {  	_ =	sdelay $0x3  }
.LBB2_19:
0x24f: {  	_ =	swait.ge [sflag:s26], $0x4000  }
0x250: {  	[sflag:s26] =	ssyncset.done $0x0  }
0x251: {  	[sflag:s26] =	ssyncadd.s32 $0xFFFFC000  }
0x252: {  	_ =	swait.ge [sflag:s28], $0x2000  }
0x253: {  	[sflag:s28] =	ssyncset.done $0x0  }
0x254: {  	s12 =	simm.s32 $0x4400;
	[sflag:s28] =	ssyncadd.s32 $0xFFFFE000  }
0x255: {  	v0 =	vld [tilespmem:s12+$0x100]  }
0x256: {  	v2 =	vld [tilespmem:s12+$0x0]  }
0x257: {  	v1 =	vld [tilespmem:s12+$0xFFFFFF00]  }
0x258: {  	v3 =	vld [tilespmem:s12+$0xFFFFFE00]  }
0x259: {  	s0 =	simm.s32 $0x12300  }
0x25a: {  	[tilespmem:s0+$0x80] =	vst v0  }
0x25b: {  	[tilespmem:s0+$0x0] =	vst v2;
	v0 =	vld [tilespmem:s12+$0x110]  }
0x25c: {  	[tilespmem:s0+$0xFFFFFF80] =	vst v1;
	v2 =	vld [tilespmem:s12+$0x10]  }
0x25d: {  	[tilespmem:s0+$0xFFFFFF00] =	vst v3;
	v1 =	vld [tilespmem:s12+$0xFFFFFF10]  }
0x25e: {  	v3 =	vld [tilespmem:s12+$0xFFFFFE10];
	_ =	sdelay $0x1  }
0x25f: {  	[tilespmem:s0+$0x90] =	vst v0  }
0x260: {  	[tilespmem:s0+$0x10] =	vst v2;
	v0 =	vld [tilespmem:s12+$0x120]  }
0x261: {  	[tilespmem:s0+$0xFFFFFF90] =	vst v1;
	v2 =	vld [tilespmem:s12+$0x20]  }
0x262: {  	[tilespmem:s0+$0xFFFFFF10] =	vst v3;
	v1 =	vld [tilespmem:s12+$0xFFFFFF20]  }
0x263: {  	v3 =	vld [tilespmem:s12+$0xFFFFFE20];
	_ =	sdelay $0x1  }
0x264: {  	[tilespmem:s0+$0xA0] =	vst v0  }
0x265: {  	[tilespmem:s0+$0x20] =	vst v2;
	v0 =	vld [tilespmem:s12+$0x130]  }
0x266: {  	[tilespmem:s0+$0xFFFFFFA0] =	vst v1;
	v2 =	vld [tilespmem:s12+$0x30]  }
0x267: {  	[tilespmem:s0+$0xFFFFFF20] =	vst v3;
	v1 =	vld [tilespmem:s12+$0xFFFFFF30]  }
0x268: {  	v3 =	vld [tilespmem:s12+$0xFFFFFE30];
	_ =	sdelay $0x1  }
0x269: {  	[tilespmem:s0+$0xB0] =	vst v0  }
0x26a: {  	[tilespmem:s0+$0x30] =	vst v2;
	v0 =	vld [tilespmem:s12+$0x180]  }
0x26b: {  	[tilespmem:s0+$0xFFFFFFB0] =	vst v1;
	v2 =	vld [tilespmem:s12+$0x80]  }
0x26c: {  	[tilespmem:s0+$0xFFFFFF30] =	vst v3;
	v1 =	vld [tilespmem:s12+$0xFFFFFF80]  }
0x26d: {  	v3 =	vld [tilespmem:s12+$0xFFFFFE80]  }
0x26e: {  	s8 =	simm.s32 $0x4800  }
0x26f: {  	v4 =	vld [tilespmem:s8+$0x100];
	[tilespmem:s0+$0xC0] =	vst v0  }
0x270: {  	[tilespmem:s0+$0x40] =	vst v2;
	v2 =	vld [tilespmem:s8+$0xFFFFFF00]  }
0x271: {  	[tilespmem:s0+$0xFFFFFFC0] =	vst v1;
	v0 =	vld [tilespmem:s12+$0x190]  }
0x272: {  	[tilespmem:s0+$0xFFFFFF40] =	vst v3;
	v3 =	vld [tilespmem:s8+$0x0]  }
0x273: {  	s9 =	simm.s32 $0x12500;
	v1 =	vld [tilespmem:s12+$0xFFFFFF90]  }
0x274: {  	v5 =	vld [tilespmem:s8+$0xFFFFFE00];
	[tilespmem:s9+$0x80] =	vst v4  }
0x275: {  	[tilespmem:s9+$0xFFFFFF80] =	vst v2;
	v2 =	vld [tilespmem:s8+$0x110]  }
0x276: {  	[tilespmem:s0+$0xD0] =	vst v0;
	v4 =	vld [tilespmem:s8+$0xFFFFFF10]  }
0x277: {  	[tilespmem:s9+$0x0] =	vst v3;
	v0 =	vld [tilespmem:s12+$0x1A0]  }
0x278: {  	[tilespmem:s0+$0xFFFFFFD0] =	vst v1;
	v1 =	vld [tilespmem:s12+$0xFFFFFE90]  }
0x279: {  	[tilespmem:s9+$0xFFFFFF00] =	vst v5;
	v3 =	vld [tilespmem:s8+$0x10]  }
0x27a: {  	v5 =	vld [tilespmem:s8+$0xFFFFFE10];
	[tilespmem:s9+$0x90] =	vst v2  }
0x27b: {  	[tilespmem:s9+$0xFFFFFF90] =	vst v4;
	v2 =	vld [tilespmem:s8+$0x120]  }
0x27c: {  	[tilespmem:s0+$0xE0] =	vst v0;
	v4 =	vld [tilespmem:s8+$0xFFFFFF20]  }
0x27d: {  	[tilespmem:s0+$0xFFFFFF50] =	vst v1;
	v0 =	vld [tilespmem:s12+$0x1B0]  }
0x27e: {  	v1 =	vld [tilespmem:s12+$0x90];
	[tilespmem:s9+$0x10] =	vst v3  }
0x27f: {  	[tilespmem:s9+$0xFFFFFF10] =	vst v5;
	v3 =	vld [tilespmem:s8+$0x20]  }
0x280: {  	v5 =	vld [tilespmem:s8+$0xFFFFFE20];
	[tilespmem:s9+$0xA0] =	vst v2  }
0x281: {  	[tilespmem:s9+$0xFFFFFFA0] =	vst v4;
	v2 =	vld [tilespmem:s8+$0x130]  }
0x282: {  	[tilespmem:s0+$0xF0] =	vst v0;
	v0 =	vld [tilespmem:s12+$0xFFFFFEA0]  }
0x283: {  	[tilespmem:s0+$0x50] =	vst v1;
	v4 =	vld [tilespmem:s8+$0xFFFFFF30]  }
0x284: {  	v1 =	vld [tilespmem:s12+$0xFFFFFFA0];
	[tilespmem:s9+$0x20] =	vst v3  }
0x285: {  	[tilespmem:s9+$0xFFFFFF20] =	vst v5;
	v3 =	vld [tilespmem:s8+$0x30]  }
0x286: {  	v5 =	vld [tilespmem:s8+$0xFFFFFE30];
	[tilespmem:s9+$0xB0] =	vst v2  }
0x287: {  	[tilespmem:s0+$0xFFFFFF60] =	vst v0;
	v0 =	vld [tilespmem:s12+$0xA0]  }
0x288: {  	[tilespmem:s9+$0xFFFFFFB0] =	vst v4;
	v4 =	vld [tilespmem:s8+$0x180]  }
0x289: {  	[tilespmem:s0+$0xFFFFFFE0] =	vst v1;
	v1 =	vld [tilespmem:s12+$0xFFFFFEB0]  }
0x28a: {  	[tilespmem:s9+$0x30] =	vst v3;
	v6 =	vld [tilespmem:s8+$0xFFFFFF80]  }
0x28b: {  	[tilespmem:s9+$0xFFFFFF30] =	vst v5;
	v5 =	vld [tilespmem:s8+$0x80]  }
0x28c: {  	v2 =	vld [tilespmem:s8+$0xFFFFFE80];
	[tilespmem:s0+$0x60] =	vst v0  }
0x28d: {  	v0 =	vld [tilespmem:s12+$0xFFFFFFB0];
	[tilespmem:s9+$0xC0] =	vst v4  }
0x28e: {  	[tilespmem:s0+$0xFFFFFF70] =	vst v1;
	v1 =	vld [tilespmem:s12+$0xB0]  }
0x28f: {  	[tilespmem:s9+$0xFFFFFFC0] =	vst v6;
	v4 =	vld [tilespmem:s8+$0x190]  }
0x290: {  	s13 =	simm.s32 $0x4C00;
	s12 =	simm.s32 $0x4;
	[tilespmem:s9+$0x40] =	vst v5;
	v3 =	vld [tilespmem:s8+$0xFFFFFF90]  }
.LBB2_20:
0x291: {  	v5 =	vld [tilespmem:s13+$0x100];
	s12 =	sadd.s32 $0x4, s12;
	[tilespmem:s9+$0xFFFFFF40] =	vst v2  }
0x292: {  	v2 =	vld [tilespmem:s13+$0xFFFFFF00];
	p2 =	slt.u32 s12, $0x3C;
	[tilespmem:s0+$0xFFFFFFF0] =	vst v0  }
0x293: {  	v0 =	vld [tilespmem:s13+$0x0];
	[tilespmem:s0+$0x70] =	vst v1;
	s0 =	smov.u32 s9  }
0x294: {  	v1 =	vld [tilespmem:s13+$0xFFFFFE00];
	[tilespmem:s9+$0xD0] =	vst v4  }
0x295: {  	s9 =	sadd.s32 $0x200, s9;
	[tilespmem:s0+$0xFFFFFFD0] =	vst v3;
	v3 =	vld [tilespmem:s8+$0x1A0]  }
0x296: {  	[tilespmem:s9+$0x80] =	vst v5;
	v4 =	vld [tilespmem:s8+$0xFFFFFE90]  }
0x297: {  	[tilespmem:s9+$0xFFFFFF80] =	vst v2;
	v2 =	vld [tilespmem:s13+$0x110]  }
0x298: {  	v5 =	vld [tilespmem:s13+$0xFFFFFF10];
	[tilespmem:s9+$0x0] =	vst v0  }
0x299: {  	[tilespmem:s9+$0xFFFFFF00] =	vst v1;
	v0 =	vld [tilespmem:s13+$0x10]  }
0x29a: {  	v1 =	vld [tilespmem:s13+$0xFFFFFE10];
	[tilespmem:s0+$0xE0] =	vst v3  }
0x29b: {  	[tilespmem:s0+$0xFFFFFF50] =	vst v4;
	v3 =	vld [tilespmem:s8+$0x1B0]  }
0x29c: {  	[tilespmem:s9+$0x90] =	vst v2;
	v2 =	vld [tilespmem:s8+$0x90]  }
0x29d: {  	[tilespmem:s9+$0xFFFFFF90] =	vst v5;
	v4 =	vld [tilespmem:s13+$0x120]  }
0x29e: {  	v5 =	vld [tilespmem:s13+$0xFFFFFF20];
	[tilespmem:s9+$0x10] =	vst v0  }
0x29f: {  	[tilespmem:s9+$0xFFFFFF10] =	vst v1;
	v0 =	vld [tilespmem:s13+$0x20]  }
0x2a0: {  	v1 =	vld [tilespmem:s13+$0xFFFFFE20];
	[tilespmem:s0+$0xF0] =	vst v3  }
0x2a1: {  	v3 =	vld [tilespmem:s8+$0xFFFFFEA0];
	[tilespmem:s0+$0x50] =	vst v2  }
0x2a2: {  	[tilespmem:s9+$0xA0] =	vst v4;
	v2 =	vld [tilespmem:s8+$0xFFFFFFA0]  }
0x2a3: {  	[tilespmem:s9+$0xFFFFFFA0] =	vst v5;
	v4 =	vld [tilespmem:s13+$0x130]  }
0x2a4: {  	v5 =	vld [tilespmem:s13+$0xFFFFFF30];
	[tilespmem:s9+$0x20] =	vst v0  }
0x2a5: {  	[tilespmem:s9+$0xFFFFFF20] =	vst v1;
	v0 =	vld [tilespmem:s13+$0x30]  }
0x2a6: {  	v1 =	vld [tilespmem:s13+$0xFFFFFE30];
	[tilespmem:s0+$0xFFFFFF60] =	vst v3  }
0x2a7: {  	[tilespmem:s0+$0xFFFFFFE0] =	vst v2;
	v3 =	vld [tilespmem:s8+$0xA0]  }
0x2a8: {  	[tilespmem:s9+$0xB0] =	vst v4;
	v4 =	vld [tilespmem:s8+$0xFFFFFEB0]  }
0x2a9: {  	[tilespmem:s9+$0xFFFFFFB0] =	vst v5;
	v5 =	vld [tilespmem:s13+$0x180]  }
0x2aa: {  	v6 =	vld [tilespmem:s13+$0xFFFFFF80];
	[tilespmem:s9+$0x30] =	vst v0  }
0x2ab: {  	[tilespmem:s9+$0xFFFFFF30] =	vst v1;
	v7 =	vld [tilespmem:s13+$0x80]  }
.Ltmp14:
0x2ac: {  	v2 =	vld [tilespmem:s13+$0xFFFFFE80];
	[tilespmem:s0+$0x60] =	vst v3;
	(pc) =	sbr.rel @p2 .LBB2_20-.Ltmp14, $4  }
0x2ad: {  	[tilespmem:s0+$0xFFFFFF70] =	vst v4;
	v0 =	vld [tilespmem:s8+$0xFFFFFFB0]  }
0x2ae: {  	[tilespmem:s9+$0xC0] =	vst v5;
	v1 =	vld [tilespmem:s8+$0xB0];
	s8 =	smov.u32 s13  }
0x2af: {  	[tilespmem:s9+$0xFFFFFFC0] =	vst v6;
	v4 =	vld [tilespmem:s13+$0x190]  }
0x2b0: {  	s13 =	sadd.s32 $0x400, s13;
	v3 =	vld [tilespmem:s8+$0xFFFFFF90];
	[tilespmem:s9+$0x40] =	vst v7  }
0x2b1: {  	[tilespmem:s9+$0xFFFFFF40] =	vst v2;
	v5 =	vld [tilespmem:s8+$0x90]  }
0x2b2: {  	v2 =	vld [tilespmem:s8+$0xFFFFFE90];
	_ =	sdelay $0x1  }
0x2b3: {  	[tilespmem:s9+$0xD0] =	vst v4  }
0x2b4: {  	v4 =	vld [tilespmem:s8+$0x1A0];
	[tilespmem:s9+$0xFFFFFFD0] =	vst v3  }
0x2b5: {  	[tilespmem:s9+$0x50] =	vst v5;
	v3 =	vld [tilespmem:s8+$0xFFFFFFA0]  }
0x2b6: {  	[tilespmem:s9+$0xFFFFFF50] =	vst v2;
	v5 =	vld [tilespmem:s8+$0xA0]  }
0x2b7: {  	v2 =	vld [tilespmem:s8+$0xFFFFFEA0];
	_ =	sdelay $0x1  }
0x2b8: {  	[tilespmem:s9+$0xE0] =	vst v4  }
0x2b9: {  	v60 =	vld [tilespmem:s8+$0x1B0];
	[tilespmem:s9+$0xFFFFFFE0] =	vst v3  }
0x2ba: {  	[tilespmem:s9+$0x60] =	vst v5;
	v62 =	vld [tilespmem:s8+$0xFFFFFFB0]  }
0x2bb: {  	[tilespmem:s9+$0xFFFFFF60] =	vst v2;
	v63 =	vld [tilespmem:s8+$0xB0]  }
0x2bc: {  	[tilespmem:s0+$0xFFFFFFF0] =	vst v0;
	v61 =	vld [tilespmem:s8+$0xFFFFFEB0]  }
0x2bd: {  	[tilespmem:s0+$0x70] =	vst v1  }
0x2be: {  	[tilespmem:s9+$0xF0] =	vst v60  }
.Ltmp15:
0x2bf: {  	[tilespmem:s9+$0xFFFFFFF0] =	vst v62;
	(pc) =	sbr.rel @p0 .LBB2_25-.Ltmp15, $4  }
0x2c0: {  	[tilespmem:s9+$0x70] =	vst v63  }
0x2c1: {  	[tilespmem:s9+$0xFFFFFF70] =	vst v61  }
0x2c2: {  	s0 =	rddreg [dreg:$0x5]  }
0x2c3: {  	[hbm4b:s0+s3] =	stream.linear.scatter [tilespmem:s29], [sflag:$0x6], $0x2000, $0x38;
	[tilespmem:$0x14200] =	vst v63  }
0x2c4: {  	_ =	swait.ge [sflag:s18], $0x80  }
0x2c5: {  	[sflag:s18] =	ssyncset.done $0x0  }
0x2c6: {  	[sflag:s18] =	ssyncadd.s32 $0xFFFFFF80  }
0x2c7: {  	_ =	swait.ge [sflag:s18], $0x80  }
0x2c8: {  	[sflag:s18] =	ssyncset.done $0x0  }
0x2c9: {  	[sflag:s18] =	ssyncadd.s32 $0xFFFFFF80  }
0x2ca: {  	[tilespmem:s20], [sflag:$0x3] =	stream.indirect.gather [hbm4b:s4+s19], $0x80, s3, s19, $0xb8;
	[tilespmem:$0x14200] =	vst v63  }
0x2cb: {  	_ =	swait.ge [sflag:s24], $0x4000  }
0x2cc: {  	[sflag:s24] =	ssyncset.done $0x0  }
0x2cd: {  	s0 =	simm.s32 $0x5;
	[sflag:s24] =	ssyncadd.s32 $0xFFFFC000  }
0x2ce: {  	_ =	swait.ge [sflag:s0], $0x2000  }
0x2cf: {  	[sflag:s0] =	ssyncset.done $0x0  }
0x2d0: {  	s12 =	simm.s32 $0x400;
	[sflag:s0] =	ssyncadd.s32 $0xFFFFE000  }
0x2d1: {  	v0 =	vld [tilespmem:s12+$0x100]  }
0x2d2: {  	v2 =	vld [tilespmem:s12+$0x0]  }
0x2d3: {  	v1 =	vld [tilespmem:s12+$0xFFFFFF00]  }
0x2d4: {  	v3 =	vld [tilespmem:s12+$0xFFFFFE00]  }
0x2d5: {  	s0 =	simm.s32 $0x10300  }
0x2d6: {  	[tilespmem:s0+$0x80] =	vst v0  }
0x2d7: {  	[tilespmem:s0+$0x0] =	vst v2;
	v0 =	vld [tilespmem:s12+$0x110]  }
0x2d8: {  	[tilespmem:s0+$0xFFFFFF80] =	vst v1;
	v2 =	vld [tilespmem:s12+$0x10]  }
0x2d9: {  	[tilespmem:s0+$0xFFFFFF00] =	vst v3;
	v1 =	vld [tilespmem:s12+$0xFFFFFF10]  }
0x2da: {  	v3 =	vld [tilespmem:s12+$0xFFFFFE10];
	_ =	sdelay $0x1  }
0x2db: {  	[tilespmem:s0+$0x90] =	vst v0  }
0x2dc: {  	[tilespmem:s0+$0x10] =	vst v2;
	v0 =	vld [tilespmem:s12+$0x120]  }
0x2dd: {  	[tilespmem:s0+$0xFFFFFF90] =	vst v1;
	v2 =	vld [tilespmem:s12+$0x20]  }
0x2de: {  	[tilespmem:s0+$0xFFFFFF10] =	vst v3;
	v1 =	vld [tilespmem:s12+$0xFFFFFF20]  }
0x2df: {  	v3 =	vld [tilespmem:s12+$0xFFFFFE20];
	_ =	sdelay $0x1  }
0x2e0: {  	[tilespmem:s0+$0xA0] =	vst v0  }
0x2e1: {  	[tilespmem:s0+$0x20] =	vst v2;
	v0 =	vld [tilespmem:s12+$0x130]  }
0x2e2: {  	[tilespmem:s0+$0xFFFFFFA0] =	vst v1;
	v2 =	vld [tilespmem:s12+$0x30]  }
0x2e3: {  	[tilespmem:s0+$0xFFFFFF20] =	vst v3;
	v1 =	vld [tilespmem:s12+$0xFFFFFF30]  }
0x2e4: {  	v3 =	vld [tilespmem:s12+$0xFFFFFE30];
	_ =	sdelay $0x1  }
0x2e5: {  	[tilespmem:s0+$0xB0] =	vst v0  }
0x2e6: {  	[tilespmem:s0+$0x30] =	vst v2;
	v0 =	vld [tilespmem:s12+$0x180]  }
0x2e7: {  	[tilespmem:s0+$0xFFFFFFB0] =	vst v1;
	v2 =	vld [tilespmem:s12+$0x80]  }
0x2e8: {  	[tilespmem:s0+$0xFFFFFF30] =	vst v3;
	v1 =	vld [tilespmem:s12+$0xFFFFFF80]  }
0x2e9: {  	v3 =	vld [tilespmem:s12+$0xFFFFFE80]  }
0x2ea: {  	s8 =	simm.s32 $0x800  }
0x2eb: {  	v4 =	vld [tilespmem:s8+$0x100];
	[tilespmem:s0+$0xC0] =	vst v0  }
0x2ec: {  	[tilespmem:s0+$0x40] =	vst v2;
	v2 =	vld [tilespmem:s8+$0xFFFFFF00]  }
0x2ed: {  	[tilespmem:s0+$0xFFFFFFC0] =	vst v1;
	v0 =	vld [tilespmem:s12+$0x190]  }
0x2ee: {  	[tilespmem:s0+$0xFFFFFF40] =	vst v3;
	v3 =	vld [tilespmem:s8+$0x0]  }
0x2ef: {  	s9 =	simm.s32 $0x10500;
	v1 =	vld [tilespmem:s12+$0xFFFFFF90]  }
0x2f0: {  	v5 =	vld [tilespmem:s8+$0xFFFFFE00];
	[tilespmem:s9+$0x80] =	vst v4  }
0x2f1: {  	[tilespmem:s9+$0xFFFFFF80] =	vst v2;
	v2 =	vld [tilespmem:s8+$0x110]  }
0x2f2: {  	[tilespmem:s0+$0xD0] =	vst v0;
	v4 =	vld [tilespmem:s8+$0xFFFFFF10]  }
0x2f3: {  	[tilespmem:s9+$0x0] =	vst v3;
	v0 =	vld [tilespmem:s12+$0x1A0]  }
0x2f4: {  	[tilespmem:s0+$0xFFFFFFD0] =	vst v1;
	v1 =	vld [tilespmem:s12+$0xFFFFFE90]  }
0x2f5: {  	[tilespmem:s9+$0xFFFFFF00] =	vst v5;
	v3 =	vld [tilespmem:s8+$0x10]  }
0x2f6: {  	v5 =	vld [tilespmem:s8+$0xFFFFFE10];
	[tilespmem:s9+$0x90] =	vst v2  }
0x2f7: {  	[tilespmem:s9+$0xFFFFFF90] =	vst v4;
	v2 =	vld [tilespmem:s8+$0x120]  }
0x2f8: {  	[tilespmem:s0+$0xE0] =	vst v0;
	v4 =	vld [tilespmem:s8+$0xFFFFFF20]  }
0x2f9: {  	[tilespmem:s0+$0xFFFFFF50] =	vst v1;
	v0 =	vld [tilespmem:s12+$0x1B0]  }
0x2fa: {  	v1 =	vld [tilespmem:s12+$0x90];
	[tilespmem:s9+$0x10] =	vst v3  }
0x2fb: {  	[tilespmem:s9+$0xFFFFFF10] =	vst v5;
	v3 =	vld [tilespmem:s8+$0x20]  }
0x2fc: {  	v5 =	vld [tilespmem:s8+$0xFFFFFE20];
	[tilespmem:s9+$0xA0] =	vst v2  }
0x2fd: {  	[tilespmem:s9+$0xFFFFFFA0] =	vst v4;
	v2 =	vld [tilespmem:s8+$0x130]  }
0x2fe: {  	[tilespmem:s0+$0xF0] =	vst v0;
	v0 =	vld [tilespmem:s12+$0xFFFFFEA0]  }
0x2ff: {  	[tilespmem:s0+$0x50] =	vst v1;
	v4 =	vld [tilespmem:s8+$0xFFFFFF30]  }
0x300: {  	v1 =	vld [tilespmem:s12+$0xFFFFFFA0];
	[tilespmem:s9+$0x20] =	vst v3  }
0x301: {  	[tilespmem:s9+$0xFFFFFF20] =	vst v5;
	v3 =	vld [tilespmem:s8+$0x30]  }
0x302: {  	v5 =	vld [tilespmem:s8+$0xFFFFFE30];
	[tilespmem:s9+$0xB0] =	vst v2  }
0x303: {  	[tilespmem:s0+$0xFFFFFF60] =	vst v0;
	v0 =	vld [tilespmem:s12+$0xA0]  }
0x304: {  	[tilespmem:s9+$0xFFFFFFB0] =	vst v4;
	v4 =	vld [tilespmem:s8+$0x180]  }
0x305: {  	[tilespmem:s0+$0xFFFFFFE0] =	vst v1;
	v1 =	vld [tilespmem:s12+$0xFFFFFEB0]  }
0x306: {  	[tilespmem:s9+$0x30] =	vst v3;
	v6 =	vld [tilespmem:s8+$0xFFFFFF80]  }
0x307: {  	[tilespmem:s9+$0xFFFFFF30] =	vst v5;
	v5 =	vld [tilespmem:s8+$0x80]  }
0x308: {  	v2 =	vld [tilespmem:s8+$0xFFFFFE80];
	[tilespmem:s0+$0x60] =	vst v0  }
0x309: {  	v0 =	vld [tilespmem:s12+$0xFFFFFFB0];
	[tilespmem:s9+$0xC0] =	vst v4  }
0x30a: {  	[tilespmem:s0+$0xFFFFFF70] =	vst v1;
	v1 =	vld [tilespmem:s12+$0xB0]  }
0x30b: {  	[tilespmem:s9+$0xFFFFFFC0] =	vst v6;
	v4 =	vld [tilespmem:s8+$0x190]  }
0x30c: {  	s13 =	simm.s32 $0xC00;
	s12 =	simm.s32 $0x4;
	[tilespmem:s9+$0x40] =	vst v5;
	v3 =	vld [tilespmem:s8+$0xFFFFFF90]  }
.LBB2_23:
0x30d: {  	v5 =	vld [tilespmem:s13+$0x100];
	s12 =	sadd.s32 $0x4, s12;
	[tilespmem:s9+$0xFFFFFF40] =	vst v2  }
0x30e: {  	v2 =	vld [tilespmem:s13+$0xFFFFFF00];
	p2 =	slt.u32 s12, $0x3C;
	[tilespmem:s0+$0xFFFFFFF0] =	vst v0  }
0x30f: {  	v0 =	vld [tilespmem:s13+$0x0];
	[tilespmem:s0+$0x70] =	vst v1;
	s0 =	smov.u32 s9  }
0x310: {  	v1 =	vld [tilespmem:s13+$0xFFFFFE00];
	[tilespmem:s9+$0xD0] =	vst v4  }
0x311: {  	s9 =	sadd.s32 $0x200, s9;
	[tilespmem:s0+$0xFFFFFFD0] =	vst v3;
	v3 =	vld [tilespmem:s8+$0x1A0]  }
0x312: {  	[tilespmem:s9+$0x80] =	vst v5;
	v4 =	vld [tilespmem:s8+$0xFFFFFE90]  }
0x313: {  	[tilespmem:s9+$0xFFFFFF80] =	vst v2;
	v2 =	vld [tilespmem:s13+$0x110]  }
0x314: {  	v5 =	vld [tilespmem:s13+$0xFFFFFF10];
	[tilespmem:s9+$0x0] =	vst v0  }
0x315: {  	[tilespmem:s9+$0xFFFFFF00] =	vst v1;
	v0 =	vld [tilespmem:s13+$0x10]  }
0x316: {  	v1 =	vld [tilespmem:s13+$0xFFFFFE10];
	[tilespmem:s0+$0xE0] =	vst v3  }
0x317: {  	[tilespmem:s0+$0xFFFFFF50] =	vst v4;
	v3 =	vld [tilespmem:s8+$0x1B0]  }
0x318: {  	[tilespmem:s9+$0x90] =	vst v2;
	v2 =	vld [tilespmem:s8+$0x90]  }
0x319: {  	[tilespmem:s9+$0xFFFFFF90] =	vst v5;
	v4 =	vld [tilespmem:s13+$0x120]  }
0x31a: {  	v5 =	vld [tilespmem:s13+$0xFFFFFF20];
	[tilespmem:s9+$0x10] =	vst v0  }
0x31b: {  	[tilespmem:s9+$0xFFFFFF10] =	vst v1;
	v0 =	vld [tilespmem:s13+$0x20]  }
0x31c: {  	v1 =	vld [tilespmem:s13+$0xFFFFFE20];
	[tilespmem:s0+$0xF0] =	vst v3  }
0x31d: {  	v3 =	vld [tilespmem:s8+$0xFFFFFEA0];
	[tilespmem:s0+$0x50] =	vst v2  }
0x31e: {  	[tilespmem:s9+$0xA0] =	vst v4;
	v2 =	vld [tilespmem:s8+$0xFFFFFFA0]  }
0x31f: {  	[tilespmem:s9+$0xFFFFFFA0] =	vst v5;
	v4 =	vld [tilespmem:s13+$0x130]  }
0x320: {  	v5 =	vld [tilespmem:s13+$0xFFFFFF30];
	[tilespmem:s9+$0x20] =	vst v0  }
0x321: {  	[tilespmem:s9+$0xFFFFFF20] =	vst v1;
	v0 =	vld [tilespmem:s13+$0x30]  }
0x322: {  	v1 =	vld [tilespmem:s13+$0xFFFFFE30];
	[tilespmem:s0+$0xFFFFFF60] =	vst v3  }
0x323: {  	[tilespmem:s0+$0xFFFFFFE0] =	vst v2;
	v3 =	vld [tilespmem:s8+$0xA0]  }
0x324: {  	[tilespmem:s9+$0xB0] =	vst v4;
	v4 =	vld [tilespmem:s8+$0xFFFFFEB0]  }
0x325: {  	[tilespmem:s9+$0xFFFFFFB0] =	vst v5;
	v5 =	vld [tilespmem:s13+$0x180]  }
0x326: {  	v6 =	vld [tilespmem:s13+$0xFFFFFF80];
	[tilespmem:s9+$0x30] =	vst v0  }
0x327: {  	[tilespmem:s9+$0xFFFFFF30] =	vst v1;
	v7 =	vld [tilespmem:s13+$0x80]  }
.Ltmp16:
0x328: {  	v2 =	vld [tilespmem:s13+$0xFFFFFE80];
	[tilespmem:s0+$0x60] =	vst v3;
	(pc) =	sbr.rel @p2 .LBB2_23-.Ltmp16, $4  }
0x329: {  	[tilespmem:s0+$0xFFFFFF70] =	vst v4;
	v0 =	vld [tilespmem:s8+$0xFFFFFFB0]  }
0x32a: {  	[tilespmem:s9+$0xC0] =	vst v5;
	v1 =	vld [tilespmem:s8+$0xB0];
	s8 =	smov.u32 s13  }
0x32b: {  	[tilespmem:s9+$0xFFFFFFC0] =	vst v6;
	v4 =	vld [tilespmem:s13+$0x190]  }
0x32c: {  	s13 =	sadd.s32 $0x400, s13;
	v3 =	vld [tilespmem:s8+$0xFFFFFF90];
	[tilespmem:s9+$0x40] =	vst v7  }
0x32d: {  	[tilespmem:s9+$0xFFFFFF40] =	vst v2;
	v5 =	vld [tilespmem:s8+$0x90]  }
0x32e: {  	v2 =	vld [tilespmem:s8+$0xFFFFFE90];
	_ =	sdelay $0x1  }
0x32f: {  	[tilespmem:s9+$0xD0] =	vst v4  }
0x330: {  	v4 =	vld [tilespmem:s8+$0x1A0];
	[tilespmem:s9+$0xFFFFFFD0] =	vst v3  }
0x331: {  	[tilespmem:s9+$0x50] =	vst v5;
	v3 =	vld [tilespmem:s8+$0xFFFFFFA0]  }
0x332: {  	[tilespmem:s9+$0xFFFFFF50] =	vst v2;
	v5 =	vld [tilespmem:s8+$0xA0]  }
0x333: {  	v2 =	vld [tilespmem:s8+$0xFFFFFEA0];
	_ =	sdelay $0x1  }
0x334: {  	[tilespmem:s9+$0xE0] =	vst v4  }
0x335: {  	v60 =	vld [tilespmem:s8+$0x1B0];
	[tilespmem:s9+$0xFFFFFFE0] =	vst v3  }
0x336: {  	[tilespmem:s9+$0x60] =	vst v5;
	v62 =	vld [tilespmem:s8+$0xFFFFFFB0]  }
0x337: {  	[tilespmem:s9+$0xFFFFFF60] =	vst v2;
	v63 =	vld [tilespmem:s8+$0xB0]  }
0x338: {  	[tilespmem:s0+$0xFFFFFFF0] =	vst v0;
	v61 =	vld [tilespmem:s8+$0xFFFFFEB0]  }
0x339: {  	[tilespmem:s0+$0x70] =	vst v1  }
0x33a: {  	[tilespmem:s9+$0xF0] =	vst v60  }
0x33b: {  	[tilespmem:s9+$0xFFFFFFF0] =	vst v62  }
0x33c: {  	[tilespmem:s9+$0x70] =	vst v63  }
0x33d: {  	[tilespmem:s9+$0xFFFFFF70] =	vst v61  }
0x33e: {  	s0 =	rddreg [dreg:$0x6]  }
0x33f: {  	[hbm4b:s0+s3] =	stream.linear.scatter [tilespmem:s25], [sflag:$0x5], $0x2000, $0x38;
	[tilespmem:$0x14200] =	vst v63  }
.LBB2_25:
0x340: {  	s0 =	simm.s32 $0x5  }
0x341: {  	_ =	swait.ge [sflag:s0], $0x2000  }
.Ltmp17:
0x342: {  	[sflag:s0] =	ssyncset.done $0x0;
	(pc) =	sbr.rel @p1 .LBB2_29-.Ltmp17, $4  }
0x343: {  	[sflag:s0] =	ssyncadd.s32 $0xFFFFE000  }
0x344: {  	_ =	swait.ge [sflag:s28], $0x2000  }
0x345: {  	[sflag:s28] =	ssyncset.done $0x0  }
0x346: {  	[sflag:s28] =	ssyncadd.s32 $0xFFFFE000  }
0x347: {  	s0 =	rddreg [dreg:$0x7];
	s30 =	simm.s32 $0x7  }
0x348: {  	[tilespmem:s3], [sflag:$0x7] =	stream.linear.gather [hbm4b:s0+s3], $0x40, $0x38;
	[tilespmem:$0x14200] =	vst v63  }
0x349: {  	_ =	swait.ge [sflag:s30], $0x40  }
0x34a: {  	[sflag:s30] =	ssyncset.done $0x0  }
0x34b: {  	s31 =	simm.s32 $0x40;
	[sflag:s30] =	ssyncadd.s32 $0xFFFFFFC0  }
0x34c: {  	[tilespmem:s20], [sflag:$0x3] =	stream.indirect.gather [hbm4b:s4+s31], $0x80, s3, s31, $0xb8;
	[tilespmem:$0x14200] =	vst v63  }
0x34d: {  	_ =	swait.ge [sflag:s24], $0x2000  }
0x34e: {  	[sflag:s24] =	ssyncset.done $0x0  }
0x34f: {  	s12 =	simm.s32 $0x400;
	[sflag:s24] =	ssyncadd.s32 $0xFFFFE000  }
0x350: {  	v0 =	vld [tilespmem:s12+$0x100]  }
0x351: {  	v2 =	vld [tilespmem:s12+$0x0]  }
0x352: {  	v1 =	vld [tilespmem:s12+$0xFFFFFF00]  }
0x353: {  	v3 =	vld [tilespmem:s12+$0xFFFFFE00]  }
0x354: {  	s0 =	simm.s32 $0x10300  }
0x355: {  	[tilespmem:s0+$0x80] =	vst v0  }
0x356: {  	[tilespmem:s0+$0x0] =	vst v2;
	v0 =	vld [tilespmem:s12+$0x110]  }
0x357: {  	[tilespmem:s0+$0xFFFFFF80] =	vst v1;
	v2 =	vld [tilespmem:s12+$0x10]  }
0x358: {  	[tilespmem:s0+$0xFFFFFF00] =	vst v3;
	v1 =	vld [tilespmem:s12+$0xFFFFFF10]  }
0x359: {  	v3 =	vld [tilespmem:s12+$0xFFFFFE10];
	_ =	sdelay $0x1  }
0x35a: {  	[tilespmem:s0+$0x90] =	vst v0  }
0x35b: {  	[tilespmem:s0+$0x10] =	vst v2;
	v0 =	vld [tilespmem:s12+$0x120]  }
0x35c: {  	[tilespmem:s0+$0xFFFFFF90] =	vst v1;
	v2 =	vld [tilespmem:s12+$0x20]  }
0x35d: {  	[tilespmem:s0+$0xFFFFFF10] =	vst v3;
	v1 =	vld [tilespmem:s12+$0xFFFFFF20]  }
0x35e: {  	v3 =	vld [tilespmem:s12+$0xFFFFFE20];
	_ =	sdelay $0x1  }
0x35f: {  	[tilespmem:s0+$0xA0] =	vst v0  }
0x360: {  	[tilespmem:s0+$0x20] =	vst v2;
	v0 =	vld [tilespmem:s12+$0x130]  }
0x361: {  	[tilespmem:s0+$0xFFFFFFA0] =	vst v1;
	v2 =	vld [tilespmem:s12+$0x30]  }
0x362: {  	[tilespmem:s0+$0xFFFFFF20] =	vst v3;
	v1 =	vld [tilespmem:s12+$0xFFFFFF30]  }
0x363: {  	v3 =	vld [tilespmem:s12+$0xFFFFFE30];
	_ =	sdelay $0x1  }
0x364: {  	[tilespmem:s0+$0xB0] =	vst v0  }
0x365: {  	[tilespmem:s0+$0x30] =	vst v2;
	v0 =	vld [tilespmem:s12+$0x180]  }
0x366: {  	[tilespmem:s0+$0xFFFFFFB0] =	vst v1;
	v2 =	vld [tilespmem:s12+$0x80]  }
0x367: {  	[tilespmem:s0+$0xFFFFFF30] =	vst v3;
	v1 =	vld [tilespmem:s12+$0xFFFFFF80]  }
0x368: {  	v3 =	vld [tilespmem:s12+$0xFFFFFE80]  }
0x369: {  	s8 =	simm.s32 $0x800  }
0x36a: {  	v4 =	vld [tilespmem:s8+$0x100];
	[tilespmem:s0+$0xC0] =	vst v0  }
0x36b: {  	[tilespmem:s0+$0x40] =	vst v2;
	v2 =	vld [tilespmem:s8+$0xFFFFFF00]  }
0x36c: {  	[tilespmem:s0+$0xFFFFFFC0] =	vst v1;
	v0 =	vld [tilespmem:s12+$0x190]  }
0x36d: {  	[tilespmem:s0+$0xFFFFFF40] =	vst v3;
	v3 =	vld [tilespmem:s8+$0x0]  }
0x36e: {  	s9 =	simm.s32 $0x10500;
	v1 =	vld [tilespmem:s12+$0xFFFFFF90]  }
0x36f: {  	v5 =	vld [tilespmem:s8+$0xFFFFFE00];
	[tilespmem:s9+$0x80] =	vst v4  }
0x370: {  	[tilespmem:s9+$0xFFFFFF80] =	vst v2;
	v2 =	vld [tilespmem:s8+$0x110]  }
0x371: {  	[tilespmem:s0+$0xD0] =	vst v0;
	v4 =	vld [tilespmem:s8+$0xFFFFFF10]  }
0x372: {  	[tilespmem:s9+$0x0] =	vst v3;
	v0 =	vld [tilespmem:s12+$0x1A0]  }
0x373: {  	[tilespmem:s0+$0xFFFFFFD0] =	vst v1;
	v1 =	vld [tilespmem:s12+$0xFFFFFE90]  }
0x374: {  	[tilespmem:s9+$0xFFFFFF00] =	vst v5;
	v3 =	vld [tilespmem:s8+$0x10]  }
0x375: {  	v5 =	vld [tilespmem:s8+$0xFFFFFE10];
	[tilespmem:s9+$0x90] =	vst v2  }
0x376: {  	[tilespmem:s9+$0xFFFFFF90] =	vst v4;
	v2 =	vld [tilespmem:s8+$0x120]  }
0x377: {  	[tilespmem:s0+$0xE0] =	vst v0;
	v4 =	vld [tilespmem:s8+$0xFFFFFF20]  }
0x378: {  	[tilespmem:s0+$0xFFFFFF50] =	vst v1;
	v0 =	vld [tilespmem:s12+$0x1B0]  }
0x379: {  	v1 =	vld [tilespmem:s12+$0x90];
	[tilespmem:s9+$0x10] =	vst v3  }
0x37a: {  	[tilespmem:s9+$0xFFFFFF10] =	vst v5;
	v3 =	vld [tilespmem:s8+$0x20]  }
0x37b: {  	v5 =	vld [tilespmem:s8+$0xFFFFFE20];
	[tilespmem:s9+$0xA0] =	vst v2  }
0x37c: {  	[tilespmem:s9+$0xFFFFFFA0] =	vst v4;
	v2 =	vld [tilespmem:s8+$0x130]  }
0x37d: {  	[tilespmem:s0+$0xF0] =	vst v0;
	v0 =	vld [tilespmem:s12+$0xFFFFFEA0]  }
0x37e: {  	[tilespmem:s0+$0x50] =	vst v1;
	v4 =	vld [tilespmem:s8+$0xFFFFFF30]  }
0x37f: {  	v1 =	vld [tilespmem:s12+$0xFFFFFFA0];
	[tilespmem:s9+$0x20] =	vst v3  }
0x380: {  	[tilespmem:s9+$0xFFFFFF20] =	vst v5;
	v3 =	vld [tilespmem:s8+$0x30]  }
0x381: {  	v5 =	vld [tilespmem:s8+$0xFFFFFE30];
	[tilespmem:s9+$0xB0] =	vst v2  }
0x382: {  	[tilespmem:s0+$0xFFFFFF60] =	vst v0;
	v0 =	vld [tilespmem:s12+$0xA0]  }
0x383: {  	[tilespmem:s9+$0xFFFFFFB0] =	vst v4;
	v4 =	vld [tilespmem:s8+$0x180]  }
0x384: {  	[tilespmem:s0+$0xFFFFFFE0] =	vst v1;
	v1 =	vld [tilespmem:s12+$0xFFFFFEB0]  }
0x385: {  	[tilespmem:s9+$0x30] =	vst v3;
	v6 =	vld [tilespmem:s8+$0xFFFFFF80]  }
0x386: {  	[tilespmem:s9+$0xFFFFFF30] =	vst v5;
	v5 =	vld [tilespmem:s8+$0x80]  }
0x387: {  	v2 =	vld [tilespmem:s8+$0xFFFFFE80];
	[tilespmem:s0+$0x60] =	vst v0  }
0x388: {  	v0 =	vld [tilespmem:s12+$0xFFFFFFB0];
	[tilespmem:s9+$0xC0] =	vst v4  }
0x389: {  	[tilespmem:s0+$0xFFFFFF70] =	vst v1;
	v1 =	vld [tilespmem:s12+$0xB0]  }
0x38a: {  	[tilespmem:s9+$0xFFFFFFC0] =	vst v6;
	v4 =	vld [tilespmem:s8+$0x190]  }
0x38b: {  	s13 =	simm.s32 $0xC00;
	s12 =	simm.s32 $0x4;
	[tilespmem:s9+$0x40] =	vst v5;
	v3 =	vld [tilespmem:s8+$0xFFFFFF90]  }
.LBB2_27:
0x38c: {  	v5 =	vld [tilespmem:s13+$0x100];
	s12 =	sadd.s32 $0x4, s12;
	[tilespmem:s9+$0xFFFFFF40] =	vst v2  }
0x38d: {  	v2 =	vld [tilespmem:s13+$0xFFFFFF00];
	p2 =	slt.u32 s12, $0x1C;
	[tilespmem:s0+$0xFFFFFFF0] =	vst v0  }
0x38e: {  	v0 =	vld [tilespmem:s13+$0x0];
	[tilespmem:s0+$0x70] =	vst v1;
	s0 =	smov.u32 s9  }
0x38f: {  	v1 =	vld [tilespmem:s13+$0xFFFFFE00];
	[tilespmem:s9+$0xD0] =	vst v4  }
0x390: {  	s9 =	sadd.s32 $0x200, s9;
	[tilespmem:s0+$0xFFFFFFD0] =	vst v3;
	v3 =	vld [tilespmem:s8+$0x1A0]  }
0x391: {  	[tilespmem:s9+$0x80] =	vst v5;
	v4 =	vld [tilespmem:s8+$0xFFFFFE90]  }
0x392: {  	[tilespmem:s9+$0xFFFFFF80] =	vst v2;
	v2 =	vld [tilespmem:s13+$0x110]  }
0x393: {  	v5 =	vld [tilespmem:s13+$0xFFFFFF10];
	[tilespmem:s9+$0x0] =	vst v0  }
0x394: {  	[tilespmem:s9+$0xFFFFFF00] =	vst v1;
	v0 =	vld [tilespmem:s13+$0x10]  }
0x395: {  	v1 =	vld [tilespmem:s13+$0xFFFFFE10];
	[tilespmem:s0+$0xE0] =	vst v3  }
0x396: {  	[tilespmem:s0+$0xFFFFFF50] =	vst v4;
	v3 =	vld [tilespmem:s8+$0x1B0]  }
0x397: {  	[tilespmem:s9+$0x90] =	vst v2;
	v2 =	vld [tilespmem:s8+$0x90]  }
0x398: {  	[tilespmem:s9+$0xFFFFFF90] =	vst v5;
	v4 =	vld [tilespmem:s13+$0x120]  }
0x399: {  	v5 =	vld [tilespmem:s13+$0xFFFFFF20];
	[tilespmem:s9+$0x10] =	vst v0  }
0x39a: {  	[tilespmem:s9+$0xFFFFFF10] =	vst v1;
	v0 =	vld [tilespmem:s13+$0x20]  }
0x39b: {  	v1 =	vld [tilespmem:s13+$0xFFFFFE20];
	[tilespmem:s0+$0xF0] =	vst v3  }
0x39c: {  	v3 =	vld [tilespmem:s8+$0xFFFFFEA0];
	[tilespmem:s0+$0x50] =	vst v2  }
0x39d: {  	[tilespmem:s9+$0xA0] =	vst v4;
	v2 =	vld [tilespmem:s8+$0xFFFFFFA0]  }
0x39e: {  	[tilespmem:s9+$0xFFFFFFA0] =	vst v5;
	v4 =	vld [tilespmem:s13+$0x130]  }
0x39f: {  	v5 =	vld [tilespmem:s13+$0xFFFFFF30];
	[tilespmem:s9+$0x20] =	vst v0  }
0x3a0: {  	[tilespmem:s9+$0xFFFFFF20] =	vst v1;
	v0 =	vld [tilespmem:s13+$0x30]  }
0x3a1: {  	v1 =	vld [tilespmem:s13+$0xFFFFFE30];
	[tilespmem:s0+$0xFFFFFF60] =	vst v3  }
0x3a2: {  	[tilespmem:s0+$0xFFFFFFE0] =	vst v2;
	v3 =	vld [tilespmem:s8+$0xA0]  }
0x3a3: {  	[tilespmem:s9+$0xB0] =	vst v4;
	v4 =	vld [tilespmem:s8+$0xFFFFFEB0]  }
0x3a4: {  	[tilespmem:s9+$0xFFFFFFB0] =	vst v5;
	v5 =	vld [tilespmem:s13+$0x180]  }
0x3a5: {  	v6 =	vld [tilespmem:s13+$0xFFFFFF80];
	[tilespmem:s9+$0x30] =	vst v0  }
0x3a6: {  	[tilespmem:s9+$0xFFFFFF30] =	vst v1;
	v7 =	vld [tilespmem:s13+$0x80]  }
.Ltmp18:
0x3a7: {  	v2 =	vld [tilespmem:s13+$0xFFFFFE80];
	[tilespmem:s0+$0x60] =	vst v3;
	(pc) =	sbr.rel @p2 .LBB2_27-.Ltmp18, $4  }
0x3a8: {  	[tilespmem:s0+$0xFFFFFF70] =	vst v4;
	v0 =	vld [tilespmem:s8+$0xFFFFFFB0]  }
0x3a9: {  	[tilespmem:s9+$0xC0] =	vst v5;
	v1 =	vld [tilespmem:s8+$0xB0];
	s8 =	smov.u32 s13  }
0x3aa: {  	[tilespmem:s9+$0xFFFFFFC0] =	vst v6;
	v4 =	vld [tilespmem:s13+$0x190]  }
0x3ab: {  	s13 =	sadd.s32 $0x400, s13;
	v3 =	vld [tilespmem:s8+$0xFFFFFF90];
	[tilespmem:s9+$0x40] =	vst v7  }
0x3ac: {  	[tilespmem:s9+$0xFFFFFF40] =	vst v2;
	v5 =	vld [tilespmem:s8+$0x90]  }
0x3ad: {  	v2 =	vld [tilespmem:s8+$0xFFFFFE90];
	_ =	sdelay $0x1  }
0x3ae: {  	[tilespmem:s9+$0xD0] =	vst v4  }
0x3af: {  	v4 =	vld [tilespmem:s8+$0x1A0];
	[tilespmem:s9+$0xFFFFFFD0] =	vst v3  }
0x3b0: {  	[tilespmem:s9+$0x50] =	vst v5;
	v3 =	vld [tilespmem:s8+$0xFFFFFFA0]  }
0x3b1: {  	[tilespmem:s9+$0xFFFFFF50] =	vst v2;
	v5 =	vld [tilespmem:s8+$0xA0]  }
0x3b2: {  	v2 =	vld [tilespmem:s8+$0xFFFFFEA0];
	_ =	sdelay $0x1  }
0x3b3: {  	[tilespmem:s9+$0xE0] =	vst v4  }
0x3b4: {  	v60 =	vld [tilespmem:s8+$0x1B0];
	[tilespmem:s9+$0xFFFFFFE0] =	vst v3  }
0x3b5: {  	[tilespmem:s9+$0x60] =	vst v5;
	v62 =	vld [tilespmem:s8+$0xFFFFFFB0]  }
0x3b6: {  	[tilespmem:s9+$0xFFFFFF60] =	vst v2;
	v63 =	vld [tilespmem:s8+$0xB0]  }
0x3b7: {  	[tilespmem:s0+$0xFFFFFFF0] =	vst v0;
	v61 =	vld [tilespmem:s8+$0xFFFFFEB0]  }
0x3b8: {  	[tilespmem:s0+$0x70] =	vst v1  }
0x3b9: {  	[tilespmem:s9+$0xF0] =	vst v60  }
0x3ba: {  	[tilespmem:s9+$0xFFFFFFF0] =	vst v62  }
0x3bb: {  	[tilespmem:s9+$0x70] =	vst v63  }
0x3bc: {  	[tilespmem:s9+$0xFFFFFF70] =	vst v61  }
.Ltmp19:
0x3bd: {  	s31 =	simm.s32 $0x7;
	s0 =	rddreg [dreg:$0x8];
	(pc) =	sbr.rel .LBB2_29-.Ltmp19, $4  }
0x3be: {  	[hbm4b:s0+s3] =	stream.linear.scatter [tilespmem:s25], [sflag:$0x7], $0x1000, $0x38;
	[tilespmem:$0x14200] =	vst v63  }
0x3bf: {  	_ =	swait.ge [sflag:s31], $0x1000  }
0x3c0: {  	[sflag:s31] =	ssyncset.done $0x0  }
0x3c1: {  	[sflag:s31] =	ssyncadd.s32 $0xFFFFF000  }
.LBB2_30:
0x3c2: {  	_ =	sfence.sel $0x180000  }
0x3c3: {  	[bflag:$0x0] =	sbarrier.arrive $0xFFFF  }
0x3c4: {  	_ =	strace $0x90000047  }
0x3c5: {  	s0 =	stileid.u32;
	[bflag:$0x2] =	sbarrier.arrive $0xFFFF  }
0x3c6: {  	p0 =	sne.s32 s0, $0x0;
	s0 =	rddreg [dreg:$0x2]  }
0x3c7: {  	s0 =	sadd.s32 @!p0 $0x100000, s0  }
0x3c8: {  	[sflag:s0] =	ssyncadd.tile.s32 @!p0 $0x1;
	_ =	shalt  }
.Lfunc_end2:
_tile_overlayer_lowered:
.L_overlay_start_2:
0x3c9: {  	(tag) =	ssettag $0x2  }
0x3ca: {  	s0 =	rddreg [dreg:$0x0];
	s2 =	stileid.u32  }
0x3cb: {  	s1 =	rddreg [dreg:$0x1];
	p0 =	sne.s32 s2, $0x0  }
0x3cc: {  	s3 =	rddreg [dreg:$0x2];
	[bflag:$0x3] =	sbarrier.arrive $0xFFFF;
	s2 =	simm.s32 @!p0 $0x1C07  }
0x3cd: {  	[timem:s3], [sflag:s2] =	dma.local @!p0 [hbm:s0], s1  }
0x3ce: {  	s0 =	simm.s32 @!p0 $0x7  }
0x3cf: {  	_ =	swait.ge @!p0 [sflag:s0], s1  }
0x3d0: {  	s1 =	ssub.s32 @!p0 $0x0, s1;
	[sflag:s0] =	ssyncset.done @!p0 $0x0  }
0x3d1: {  	[sflag:s0] =	ssyncadd.s32 @!p0 s1  }
0x3d2: {  	[bflag:$0x3] =	sbarrier.arrive $0xFFFF  }
0x3d3: {  	_ =	shalt  }

// kernel: sparse-core-data-format-call.cloned.1.call-start
scs
called_computation_lowered:
.L_overlay_start_0:
0x0: {  	s2 =	sld [smem:$0x3FD9]  }
0x1: {  	s3 =	sld [smem:$0x3FFE];
	_ =	sdelay $0x1  }
0x2: {  	s1 =	srdreg.scid  }
0x3: {  	s0 =	sand.u32 $0x1, s1  }
0x4: {  	s18 =	sshll.u32 s0, $0xA;
	s2 =	sadd.s32 s3, s2  }
0x5: {  	s2 =	sadd.s32 s2, s18  }
0x6: {  	[smem:$0x3FC1] =	sst s2  }
0x7: {  	_ = 	snop  }
0x8: {  	s2 =	sld [smem:$0x3FD0];
	(tm) =	ssettm $0x1  }
0x9: {  	s19 =	sld [smem:$0x3FFB];
	_ =	sdelay $0x3  }
0xa: {  	_ =	strace s19  }
0xb: {  	s3 =	sld [smem:$0x3FFC];
	_ =	sdelay $0x3  }
0xc: {  	_ =	strace s3  }
0xd: {  	s3 =	sld [smem:$0x3FFD];
	_ =	sdelay $0x3  }
0xe: {  	_ =	strace s3  }
0xf: {  	_ =	strace $0x8FFFFFFF  }
0x10: {  	s20 =	sld [smem:$0x3FDB];
	_ =	sdelay $0x1  }
0x11: {  	s4 =	simm.s32 $_scs_section_size  }
0x12: {  	s5 =	simm.s32 $_size__tile_overlayer_lowered;
	s6 =	simm.s32 $_tile_overlayer_lowered  }
0x13: {  	s23 =	simm.s32 $0x1BFF;
	s22 =	sshll.u32 s6, $0x1;
	s3 =	sadd.s32 s4, s20  }
0x14: {  	s7 =	simm.s32 $0x0;
	s21 =	sshll.u32 s5, $0x1;
	s5 =	sadd.s32 s22, s3  }
0x15: {  	[timem:s7], [sflag:s23] =	dma.local [hbm:s5], s21  }
0x16: {  	_ =	swait.ge [sflag:s23], s21  }
0x17: {  	s4 =	ssub.s32 $0x0, s21;
	[sflag:s23] =	ssyncset.done $0x0  }
0x18: {  	[sflag:s23] =	ssyncadd.s32 s4;
	_ =	sdelay $0x1  }
0x19: {  	s24 =	simm.s32 $0x1B8B  }
0x1a: {  	_ =	swait.ge [sflag:s24], $0x1  }
0x1b: {  	[sflag:s24] =	ssyncset.done $0x0  }
0x1c: {  	s26 =	simm.s32 $0x1B8E;
	s25 =	sld [smem:$0x3FFE];
	[sflag:s24] =	ssyncadd.s32 $0xFFFFFFFF  }
0x1d: {  	s27 =	simm.s32 $execute0_lowered;
	[smem:$0x3FD2] =	sst s26  }
0x1e: {  	s5 =	sshll.u32 s27, $0x1;
	_ =	strace $0x80000049;
	[dreg:$0x1] =	wrdreg $0xFFFFFFFF  }
0x1f: {  	s28 =	simm.s32 $_size_execute0_lowered;
	s3 =	sadd.s32 s3, s5;
	[dreg:$0x0] =	wrdreg $0x0  }
0x20: {  	s5 =	sshll.u32 s28, $0x1;
	[dreg:$0x2] =	wrdreg s3  }
0x21: {  	[dreg:$0x3] =	wrdreg s5  }
0x22: {  	[dreg:$0x4] =	wrdreg $0xC0  }
0x23: {  	_ =	task [dreg:s7], $0x5FFFF  }
0x24: {  	[dreg:$0x1] =	wrdreg $0xFFFFFFFF  }
0x25: {  	[dreg:$0x0] =	wrdreg $0x60  }
0x26: {  	[dreg:$0x2] =	wrdreg s25  }
0x27: {  	[dreg:$0x3] =	wrdreg s2  }
0x28: {  	[dreg:$0x4] =	wrdreg $0x9  }
0x29: {  	_ =	task.clear_ibuf [dreg:s7], $0x5FFFF;
	_ =	strace $0x90000049  }
0x2a: {  	s29 =	simm.s32 $0x9;
	_ =	strace $0x8000004B  }
0x2b: {  	_ =	swait.ge [sflag:s29], $0x1  }
0x2c: {  	[sflag:s29] =	ssyncadd.s32 $0xFFFFFFFF  }
0x2d: {  	_ =	strace $0x9000004B  }
0x2e: {  	_ =	sfence  }
0x2f: {  	s30 =	sld [smem:$0x0];
	_ =	sdelay $0x2  }
0x30: {  	s31 =	sshll.u32 s1, $0xD;
	s1 =	sshrl.u32 s1, $0x2  }
0x31: {  	s3 =	sand.u32 $0x4000, s31;
	s1 =	sadd.s32 s1, s30  }
0x32: {  	s0 =	sor.u32 s3, s0;
	s1 =	sshll.u32 s1, $0x11  }
0x33: {  	s0 =	sor.u32 s1, s0  }
0x34: {  	s0 =	sadd.s32 $0x8F2B, s0  }
0x35: {  	[sflag:s0] =	ssyncadd.remote.s32 $0x1  }
0x36: {  	_ =	sfence.sel $0xFFFF  }
0x37: {  	[dreg:$0x0] =	wrdreg $0xFFFFFFFF;
	(pc) =	sbr.abs _section_cstart, $3  }
0x38: {  	[dreg:$0x1] =	wrdreg $0xFFFFFFFF  }
0x39: {  	_ =	task.clear_ibuf [dreg:s7], $0x2FFFF;
	_ =	strace $0x9FFFFFFF  }
0x3a: {  	(tm) =	ssettm $0x7FFFFFFF  }
0x3b: {  	_ =	shalt  }
tec
execute0_lowered:
.L_overlay_start_1:
0x0: {  	(tag) =	ssettag $0x1  }
0x1: {  	s4 =	rddreg [dreg:$0x0]  }
0x2: {  	s0 =	srdreg.scid;
	s2 =	rddreg [dreg:$0x1]  }
0x3: {  	s1 =	stileid.u32;
	s5 =	simm.s32 $0x1;
	s0 =	sshll.u32 s0, $0x4  }
0x4: {  	s7 =	simm.s32 $0x2;
	s11 =	simm.s32 $0x0;
	s3 =	sand.u32 $0x10, s0  }
.Ltmp0:
0x5: {  	p0 =	por $0x0, $0x0;
	s3 =	sor.u32 s1, s3;
	(pc) =	sbr.rel .LBB1_1-.Ltmp0, $4  }
0x6: {  	s8 =	simm.s32 $0x7A1400;
	s10 =	simm.s32 $0x0;
	s3 =	sshll.u32 s3, $0x7  }
0x7: {  	s0 =	rddreg [dreg:$0x2];
	_ =	strace $0x8000004A;
	s6 =	ssub.s32 $0xF4200, s3  }
0x8: {  	s4 =	sadd.s32 $0x200, s4;
	[sflag:s5] =	ssyncpa.u1 $0x0;
	s6 =	sshrl.u32 s6, $0xC  }
0x9: {  	[sflag:s7] =	ssyncpa.u1 $0x0;
	s9 =	smov.u32 s3;
	s7 =	sadd.s32 $0x2, s6  }
.LBB1_5:
0xa: {  	s13 =	sadd.s32 $0x1000, s9  }
0xb: {  	p2 =	sgt.s32 s13, $0xF423F  }
0xc: {  	s13 =	smov.u32 @p2 s3;
	p2 =	sne.s32 s10, s7  }
.Ltmp1:
0xd: {  	p1 =	slt.u32 s10, $0x2;
	(pc) =	sbr.rel @!p2 .LBB1_6-.Ltmp1, $4  }
0xe: {  	s12 =	simm.s32 @!p1 $0x2  }
0xf: {  	s14 =	sadd.s32 $0x1, s10;
	_ =	swait.ge @!p1 [sflag:s12], $0x2000  }
0x10: {  	s11 =	smov.u32 s9;
	p0 =	por !p0, !p0;
	[sflag:s12] =	ssyncset.done @!p1 $0x0  }
0x11: {  	s10 =	smov.u32 s14;
	s9 =	smov.u32 s13;
	[sflag:s12] =	ssyncadd.s32 @!p1 $0xFFFFE000  }
.LBB1_1:
0x12: {  	p1 =	sgt.u32 s10, s6  }
0x13: {  	s13 =	smov.u32 s9;
	p2 =	sgt.s32 @!p1 s9, $0xF41C0  }
0x14: {  	s12 =	sand.u32 @!p1 $0x1FFFFFF, s9;
	s14 =	sshra.s32 @!p1 s9, $0x1F;
	p2 =	por !p2, p1  }
0x15: {  	s15 =	smulhi.u32 @!p1 $0x218DEF5, s12;
	s14 =	sand.u32 @!p1 s14, s9;
	s13 =	simm.s32 @p2 $0xF41C0  }
0x16: {  	s13 =	ssub.s32 @!p1 s13, s14  }
0x17: {  	s14 =	sshrl.u32 @!p1 s15, $0xD;
	s13 =	sadd.s32 @!p1 $0xFFF0BE40, s13  }
0x18: {  	s15 =	sxor.u32 @!p1 $0xFFFFFFFF, s10;
	s14 =	smul.u32 @!p1 $0xF4240, s14;
	s16 =	sshll.u32 @!p1 s13, $0x8  }
0x19: {  	s15 =	sshll.u32 @!p1 s15, $0xD;
	p2 =	sgt.s32 @!p1 s13, $0x7F;
	s13 =	ssub.s32 @!p1 $0x8000, s16  }
0x1a: {  	s12 =	ssub.s32 @!p1 s12, s14;
	p2 =	por !p2, p1;
	s14 =	sand.u32 @!p1 $0x2000, s15  }
0x1b: {  	s15 =	simm.s32 @!p1 $0x40;
	s13 =	sshrl.u32 @!p1 s13, $0x2;
	s12 =	sshll.u32 @!p1 s12, $0x4  }
0x1c: {  	s16 =	simm.s32 @!p1 $0x80;
	s13 =	simm.s32 @!p2 $0x0;
	s12 =	sadd.s32 @!p1 s4, s12  }
0x1d: {  	[tilespmem:s14], [sflag:$0x1] =	stream.strided.gather @!p1 [hbm4b:s12+s15], s13, s16, s15, $0x38;
	[tilespmem:$0x8080] =	vst v63  }
0x1e: {  	p1 =	seq.s32 s10, $0x0  }
0x1f: {  	p2 =	sge.u32 @!p1 s10, s7  }
0x20: {  	p1 =	por p1, p2  }
.Ltmp2:
0x21: {  	_ = 	snop;
	(pc) =	sbr.rel @p1 .LBB1_5-.Ltmp2, $1  }
0x22: {  	_ =	sdelay $0x3  }
0x23: {  	p1 =	sgt.s32 s11, $0xF41C0;
	s12 =	smov.u32 s11;
	s13 =	sshra.s32 s11, $0x1F  }
0x24: {  	s12 =	simm.s32 @!p1 $0xF41C0;
	s13 =	sand.u32 s13, s11  }
0x25: {  	s12 =	ssub.s32 s12, s13  }
0x26: {  	s12 =	sadd.s32 $0xFFF0BE40, s12  }
0x27: {  	s28 =	sshll.u32 s12, $0x8  }
0x28: {  	s13 =	ssub.s32 $0x8000, s28  }
0x29: {  	p1 =	sgt.s32 s12, $0x7F;
	s12 =	sshrl.u32 s13, $0x2  }
0x2a: {  	s13 =	simm.s32 $0x1;
	s12 =	simm.s32 @p1 $0x0  }
0x2b: {  	s13 =	simm.s32 @!p0 $0x0;
	_ =	swait.ge [sflag:s5], s12  }
0x2c: {  	s14 =	sshll.u32 s13, $0xD;
	s12 =	ssub.s32 $0x0, s12;
	[sflag:s5] =	ssyncset.done $0x0  }
0x2d: {  	s16 =	sor.u32 $0x20, s14;
	[sflag:s5] =	ssyncadd.s32 s12  }
0x2e: {  	s29 =	smul.u32 $0x8100, s13;
	v3 =	vld [tilespmem:s16+$0x10]  }
0x2f: {  	s30 =	sand.u32 $0x1, s10;
	v2 =	vld [tilespmem:s16+$0xFFFFFFF0]  }
0x30: {  	s13 =	smul.u32 $0x8100, s30;
	s12 =	sshrl.u32 s29, $0x2;
	v0 =	vld [tilespmem:s16+$0x0]  }
0x31: {  	s14 =	sor.u32 $0x4000, s12;
	v1 =	vld [tilespmem:s16+$0xFFFFFFE0]  }
0x32: {  	s31 =	sshrl.u32 s13, $0x2;
	s13 =	sadd.s32 $0x0, s14  }
0x33: {  	s15 =	simm.s32 $0x4;
	s12 =	sor.u32 $0x4000, s31;
	s16 =	sadd.s32 $0x40, s16;
	[tilespmem:s13+$0x1830 ss:$0x81] =	vst.msk $0xffff, v3  }
.LBB1_3:
0x34: {  	v3 =	vld [tilespmem:s16+$0x10];
	p1 =	sne.s32 s15, $0x1FC;
	[tilespmem:s13+$0x810 ss:$0x81] =	vst.msk $0xffff, v2;
	s17 =	smov.u32 s15;
	s15 =	sadd.s32 $0x4, s15  }
.Ltmp3:
0x35: {  	v2 =	vld [tilespmem:s16+$0xFFFFFFF0];
	[tilespmem:s13+$0x1020 ss:$0x81] =	vst.msk $0xffff, v0;
	(pc) =	sbr.rel @p1 .LBB1_3-.Ltmp3, $4  }
0x36: {  	v0 =	vld [tilespmem:s16+$0x0];
	[tilespmem:s13+$0x0 ss:$0x81] =	vst.msk $0xffff, v1  }
0x37: {  	s13 =	sshra.s32 s17, $0x2;
	v1 =	vld [tilespmem:s16+$0xFFFFFFE0]  }
0x38: {  	s13 =	sadd.s32 s13, s14  }
0x39: {  	s16 =	sadd.s32 $0x40, s16;
	[tilespmem:s13+$0x1830 ss:$0x81] =	vst.msk $0xffff, v3  }
0x3a: {  	s14 =	sshll.u32 s11, $0x3  }
0x3b: {  	s30 =	sand.u32 $0x7F, s11;
	s14 =	sand.u32 $0xFFFFFC00, s14  }
0x3c: {  	s11 =	sor.u32 s30, s14  }
0x3d: {  	s15 =	smulhi.u32 $0x218D6287, s11;
	_ =	sdelay $0x1  }
0x3e: {  	s14 =	smulhi.u32 $0x218D6287, s14;
	s15 =	sshrl.u32 s15, $0x11  }
0x3f: {  	s15 =	smul.u32 $0xF4280, s15  }
0x40: {  	s14 =	sshrl.u32 s14, $0x11  }
.Ltmp4:
0x41: {  	s14 =	sand.u32 $0x3F, s14;
	s11 =	ssub.s32 s11, s15;
	(pc) =	sbr.rel .LBB1_5-.Ltmp4, $4  }
0x42: {  	[tilespmem:s13+$0x810 ss:$0x81] =	vst.msk $0xffff, v2;
	s14 =	smul.u32 $0x1E850, s14;
	s15 =	sshrl.u32 s11, $0x3;
	s11 =	sand.u32 $0x7, s11  }
0x43: {  	[tilespmem:s13+$0x1020 ss:$0x81] =	vst.msk $0xffff, v0;
	s15 =	sadd.s32 s2, s15;
	s11 =	sshll.u32 s11, $0x12  }
0x44: {  	[tilespmem:s13+$0x0 ss:$0x81] =	vst.msk $0xffff, v1;
	s31 =	sadd.s32 s14, s15;
	s11 =	sor.u32 $0x400, s11  }
0x45: {  	[hbm4b:s31+s11] =	stream.strided.scatter [tilespmem:s12], [sflag:$0x2], $0x2000, s8, s11, $0x20;
	[tilespmem:$0x8080] =	vst v63  }
.LBB1_6:
0x46: {  	_ =	sfence.sel $0x180000  }
0x47: {  	s2 =	simm.s32 $0x1;
	[bflag:$0x0] =	sbarrier.arrive $0xFFFF  }
0x48: {  	s31 =	simm.s32 $0x2;
	[sflag:s2] =	ssyncpa.u1 $0x1  }
0x49: {  	[sflag:s31] =	ssyncpa.u1 $0x1  }
0x4a: {  	p0 =	sne.s32 s1, $0x0;
	_ =	strace $0x9000004A  }
0x4b: {  	s0 =	sadd.s32 @!p0 $0x100000, s0;
	[bflag:$0x2] =	sbarrier.arrive $0xFFFF  }
0x4c: {  	[sflag:s0] =	ssyncadd.tile.s32 @!p0 $0x1;
	_ =	shalt  }
.Lfunc_end1:
_tile_overlayer_lowered:
.L_overlay_start_2:
0x4d: {  	(tag) =	ssettag $0x2  }
0x4e: {  	s0 =	rddreg [dreg:$0x0];
	s2 =	stileid.u32  }
0x4f: {  	s1 =	rddreg [dreg:$0x1];
	p0 =	sne.s32 s2, $0x0  }
0x50: {  	s3 =	rddreg [dreg:$0x2];
	[bflag:$0x3] =	sbarrier.arrive $0xFFFF;
	s2 =	simm.s32 @!p0 $0x1C01  }
0x51: {  	[timem:s3], [sflag:s2] =	dma.local @!p0 [hbm:s0], s1  }
0x52: {  	s0 =	simm.s32 @!p0 $0x1  }
0x53: {  	_ =	swait.ge @!p0 [sflag:s0], s1  }
0x54: {  	s1 =	ssub.s32 @!p0 $0x0, s1;
	[sflag:s0] =	ssyncset.done @!p0 $0x0  }
0x55: {  	[sflag:s0] =	ssyncadd.s32 @!p0 s1  }
0x56: {  	[bflag:$0x3] =	sbarrier.arrive $0xFFFF  }
0x57: {  	_ =	shalt  }

</sc_bundles>
